<compile_context>
chip_gen: v7x
topology: tpu7x:2x2x1
jax: 0.10.2.dev20260603
libtpu: 0.0.44.dev20260713+nightly
codegen_flags: <defaults>
</compile_context>

<pallas_src>
import functools

import jax
import jax.numpy as jnp
from jax import lax
from jax.experimental import pallas as pl
from jax.experimental.pallas import tpu as pltpu
from jax.experimental.pallas import tpu_sc as plsc

N_EMBED = 8192
EMBED_DIM = 3
Z_CHANNELS = 3
L = 16
NW = 32
NCHUNK = 8
NQ = 4


@functools.partial(jax.jit, static_argnames=("n_total",))
def _sc_embed(idx_flat, tableT_flat, wb, n_total):
    b_per_w = n_total // NW
    groups = b_per_w // L
    gpc = groups // NCHUNK
    cpw = b_per_w // NCHUNK
    vq = N_EMBED // NQ
    mesh = plsc.VectorSubcoreMesh(core_axis_name="c", subcore_axis_name="s")

    @functools.partial(
        pl.kernel,
        mesh=mesh,
        out_type=jax.ShapeDtypeStruct((NW, Z_CHANNELS, b_per_w), jnp.float32),
        compiler_params=pltpu.CompilerParams(
            needs_layout_passes=False, use_tc_tiling_on_sc=False),
        scratch_types=[
            pltpu.VMEM((b_per_w,), jnp.int32),
            pltpu.VMEM((N_EMBED * EMBED_DIM,), jnp.float32),
            pltpu.VMEM((N_EMBED * Z_CHANNELS,), jnp.float32),
            pltpu.VMEM((Z_CHANNELS, b_per_w), jnp.float32),
            pltpu.VMEM((L,), jnp.float32),
            pltpu.VMEM_SHARED((N_EMBED * EMBED_DIM,), jnp.float32),
            pltpu.SemaphoreType.DMA,
            pltpu.SemaphoreType.DMA,
            pltpu.SemaphoreType.DMA,
        ] + [pltpu.SemaphoreType.DMA] * NQ,
    )
    def k(idx_hbm, table_hbm, wb_hbm, out_hbm,
          idx_v, tab_v, ftab_v, out_v, wb_v, tab_s,
          sem_i, sem_w, sem_o, *sem_q):
        sid = lax.axis_index("s")
        wid = sid * 2 + lax.axis_index("c")
        base = wid * b_per_w
        cp_i = pltpu.async_copy(idx_hbm.at[pl.ds(base, b_per_w)], idx_v, sem_i)
        @pl.when(sid == 0)
        def _():
            pltpu.sync_copy(table_hbm, tab_s)
        plsc.subcore_barrier()
        qcps = []
        for q in range(NQ):
            qcps.append([
                pltpu.async_copy(
                    tab_s.at[pl.ds(c * N_EMBED + q * vq, vq)],
                    tab_v.at[pl.ds(c * N_EMBED + q * vq, vq)], sem_q[q])
                for c in range(EMBED_DIM)])
        cp_w = pltpu.async_copy(wb_hbm, wb_v, sem_w)
        cp_w.wait()

        def splat(k_):
            return plsc.load_gather(wb_v, [jnp.full((L,), k_, jnp.int32)])

        W = [[splat(1 + i * 3 + j) for j in range(3)] for i in range(3)]
        b = [splat(10 + j) for j in range(3)]

        def fuse(i):
            p = i * L
            t = [tab_v[pl.ds(c * N_EMBED + p, L)] for c in range(EMBED_DIM)]
            for j in range(Z_CHANNELS):
                ftab_v[pl.ds(j * N_EMBED + p, L)] = (
                    t[0] * W[0][j] + t[1] * W[1][j] + t[2] * W[2][j] + b[j])

        for q in range(NQ):
            for cp in qcps[q]:
                cp.wait()
            plsc.parallel_loop(q * vq // L, (q + 1) * vq // L,
                               unroll=4)(fuse)

        def body(i):
            p = i * L
            rows = idx_v[pl.ds(p, L)]
            for j in range(Z_CHANNELS):
                out_v[j, pl.ds(p, L)] = plsc.load_gather(
                    ftab_v, [rows + j * N_EMBED])

        cp_i.wait()
        outcps = []
        for c in range(NCHUNK):
            plsc.parallel_loop(c * gpc, (c + 1) * gpc, unroll=4)(body)
            outcps.append(pltpu.async_copy(
                out_v.at[:, pl.ds(c * cpw, cpw)],
                out_hbm.at[wid, :, pl.ds(c * cpw, cpw)], sem_o))
        for cp in outcps:
            cp.wait()

    return k(idx_flat, tableT_flat, wb)


def kernel(x, table, kernel, bias):
    B, H, Wd = x.shape
    n_total = B * H * Wd
    idx_flat = x.reshape(n_total).astype(jnp.int32)
    wb = jnp.concatenate(
        [jnp.zeros((1,), jnp.float32),
         kernel.astype(jnp.float32).reshape(9),
         bias.astype(jnp.float32).reshape(3),
         jnp.zeros((3,), jnp.float32)]
    )
    tableT_flat = table.astype(jnp.float32).T.reshape(N_EMBED * EMBED_DIM)
    out = _sc_embed(idx_flat, tableT_flat, wb, n_total)
    return out.reshape(B, Z_CHANNELS, H, Wd).transpose(0, 2, 3, 1)

# --- scband reference (transcript-rebuilt; emitter-appended) ---
"""Pipeline reference for scband-ldmautoencoder-60370060312689 (READ-ONLY COPY).

The authoritative reference and input builder live on the scoring server;
editing this copy changes nothing except your own understanding.
"""

import jax, jax.numpy as jnp
import numpy as np

N_EMBED = 8192
EMBED_DIM = 3
Z_CHANNELS = 3

def setup_inputs(seed: int = 0) -> dict:
    key = jax.random.key(seed)
    k1, k2, k3 = jax.random.split(key, 3)
    # code indices: int codes from the VQ quantizer, shape [B, H, W]
    x = jax.random.randint(k1, (32, 128, 128), 0, N_EMBED)
    # learned params per init_kwargs
    table = jax.random.normal(k2, (N_EMBED, EMBED_DIM), dtype=jnp.float32) * 0.02
    # flax nn.Conv(features=z_channels, kernel_size=[1]) -> kernel [1, in_features, out_features]
    kernel = jax.random.normal(k3, (1, EMBED_DIM, Z_CHANNELS), dtype=jnp.float32) * 0.1
    bias = jnp.zeros((Z_CHANNELS,), dtype=jnp.float32)
    return {"x": x, "table": table, "kernel": kernel, "bias": bias}

def reference(x, table, kernel, bias):
    # embed: gather codebook rows (x already shaped [B, H, W], shape=None path)
    emb = jnp.take(table, x, axis=0)  # [B, H, W, embed_dim]
    # conv_embeds: 1x1 conv == pointwise dense over last axis
    out = jnp.einsum('bhwc,co->bhwo', emb, kernel[0]) + bias  # [B, H, W, z_channels]
    return out

if __name__ == "__main__":
    import jax
    _d = setup_inputs()
    print(jax.jit(kernel)(*tuple(_d.values())))

</pallas_src>

<mosaic_0001>
#map = affine_map<(d0, d1) -> (0)>
#map1 = affine_map<(d0, d1) -> (0, 0, 0)>
module attributes {stable_mosaic.version = 14 : i64} {
  func.func @k(%arg0: i32, %arg1: i32, %arg2: memref<524288xi32, #tpu.memory_space<hbm>>, %arg3: memref<24576xf32, #tpu.memory_space<hbm>>, %arg4: memref<16xf32, #tpu.memory_space<hbm>>, %arg5: memref<32x3x16384xf32, #tpu.memory_space<hbm>>, %arg6: memref<16384xi32, #tpu.memory_space<vmem>>, %arg7: memref<24576xf32, #tpu.memory_space<vmem>>, %arg8: memref<24576xf32, #tpu.memory_space<vmem>>, %arg9: memref<3x16384xf32, #tpu.memory_space<vmem>>, %arg10: memref<16xf32, #tpu.memory_space<vmem>>, %arg11: memref<24576xf32, #tpu.memory_space<vmem_shared>>, %arg12: memref<!tpu.dma_semaphore, #tpu.memory_space<semaphore_mem>>, %arg13: memref<!tpu.dma_semaphore, #tpu.memory_space<semaphore_mem>>, %arg14: memref<!tpu.dma_semaphore, #tpu.memory_space<semaphore_mem>>, %arg15: memref<!tpu.dma_semaphore, #tpu.memory_space<semaphore_mem>>, %arg16: memref<!tpu.dma_semaphore, #tpu.memory_space<semaphore_mem>>, %arg17: memref<!tpu.dma_semaphore, #tpu.memory_space<semaphore_mem>>, %arg18: memref<!tpu.dma_semaphore, #tpu.memory_space<semaphore_mem>>) attributes {dimension_semantics = [#tpu.dimension_semantics<core_parallel>, #tpu.dimension_semantics<subcore_parallel>], iteration_bounds = array<i64: 2, 16>, scalar_prefetch = 0 : i64, scratch_operands = 13 : i64, tpu.core_type = #tpu.core_type<sc_vector_subcore>, window_params = [{transform_indices = #map}, {transform_indices = #map}, {transform_indices = #map}, {transform_indices = #map1}]} {
    %mul3A = arith.constant 2 : i32
    %mul3A_0 = arith.muli %arg1, %mul3A : i32
    %add3A = arith.addi %mul3A_0, %arg0 : i32
    %mul3A_1 = arith.constant 16384 : i32
    %mul3A_2 = arith.muli %add3A, %mul3A_1 : i32
    %dma_start3A = tpu.memref_slice %arg2[%mul3A_2] : memref<524288xi32, #tpu.memory_space<hbm>> -> memref<16384xi32, #tpu.memory_space<hbm>>
    %dma_start3A_3 = tpu.memref_slice %arg2[%mul3A_2] : memref<524288xi32, #tpu.memory_space<hbm>> -> memref<16384xi32, #tpu.memory_space<hbm>>
    tpu.enqueue_dma source(%dma_start3A_3 : memref<16384xi32, #tpu.memory_space<hbm>>) target(%arg6 : memref<16384xi32, #tpu.memory_space<vmem>>) target_semaphore(%arg12 : memref<!tpu.dma_semaphore, #tpu.memory_space<semaphore_mem>>)
    %eq3A = arith.constant 0 : i32
    %eq3A_4 = arith.cmpi eq, %arg1, %eq3A : i32
    %convert_element_type3A = arith.extui %eq3A_4 : i1 to i32
    %cond3A = arith.constant 0 : i32
    %cond3A_5 = arith.cmpi ne, %convert_element_type3A, %cond3A : i32
    scf.if %cond3A_5 {
      "tpu.region"() ({
        %run_scoped3A = tpu.sem_alloc : memref<!tpu.dma_semaphore, #tpu.memory_space<semaphore_mem>>
        tpu.enqueue_dma source(%arg3 : memref<24576xf32, #tpu.memory_space<hbm>>) target(%arg11 : memref<24576xf32, #tpu.memory_space<vmem_shared>>) target_semaphore(%run_scoped3A : memref<!tpu.dma_semaphore, #tpu.memory_space<semaphore_mem>>)
        tpu.wait_dma2 semaphore(%run_scoped3A : memref<!tpu.dma_semaphore, #tpu.memory_space<semaphore_mem>>) src(%arg3 : memref<24576xf32, #tpu.memory_space<hbm>>) dst(%arg11 : memref<24576xf32, #tpu.memory_space<vmem_shared>>)
        tpu.yield
      }) : () -> ()
    } else {
    }
    %barrier3A = arith.constant 0 : index
    tpu.barrier barrier_id(%barrier3A)
    %dma_start3A_6 = arith.constant 0 : i32
    %dma_start3A_7 = tpu.memref_slice %arg7[%dma_start3A_6] : memref<24576xf32, #tpu.memory_space<vmem>> -> memref<2048xf32, #tpu.memory_space<vmem>>
    %dma_start3A_8 = arith.constant 0 : i32
    %dma_start3A_9 = tpu.memref_slice %arg11[%dma_start3A_8] : memref<24576xf32, #tpu.memory_space<vmem_shared>> -> memref<2048xf32, #tpu.memory_space<vmem_shared>>
    %dma_start3A_10 = arith.constant 0 : i32
    %dma_start3A_11 = tpu.memref_slice %arg7[%dma_start3A_10] : memref<24576xf32, #tpu.memory_space<vmem>> -> memref<2048xf32, #tpu.memory_space<vmem>>
    %dma_start3A_12 = arith.constant 0 : i32
    %dma_start3A_13 = tpu.memref_slice %arg11[%dma_start3A_12] : memref<24576xf32, #tpu.memory_space<vmem_shared>> -> memref<2048xf32, #tpu.memory_space<vmem_shared>>
    tpu.enqueue_dma source(%dma_start3A_13 : memref<2048xf32, #tpu.memory_space<vmem_shared>>) target(%dma_start3A_11 : memref<2048xf32, #tpu.memory_space<vmem>>) target_semaphore(%arg15 : memref<!tpu.dma_semaphore, #tpu.memory_space<semaphore_mem>>)
    %dma_start3A_14 = arith.constant 8192 : i32
    %dma_start3A_15 = tpu.memref_slice %arg7[%dma_start3A_14] : memref<24576xf32, #tpu.memory_space<vmem>> -> memref<2048xf32, #tpu.memory_space<vmem>>
    %dma_start3A_16 = arith.constant 8192 : i32
    %dma_start3A_17 = tpu.memref_slice %arg11[%dma_start3A_16] : memref<24576xf32, #tpu.memory_space<vmem_shared>> -> memref<2048xf32, #tpu.memory_space<vmem_shared>>
    %dma_start3A_18 = arith.constant 8192 : i32
    %dma_start3A_19 = tpu.memref_slice %arg7[%dma_start3A_18] : memref<24576xf32, #tpu.memory_space<vmem>> -> memref<2048xf32, #tpu.memory_space<vmem>>
    %dma_start3A_20 = arith.constant 8192 : i32
    %dma_start3A_21 = tpu.memref_slice %arg11[%dma_start3A_20] : memref<24576xf32, #tpu.memory_space<vmem_shared>> -> memref<2048xf32, #tpu.memory_space<vmem_shared>>
    tpu.enqueue_dma source(%dma_start3A_21 : memref<2048xf32, #tpu.memory_space<vmem_shared>>) target(%dma_start3A_19 : memref<2048xf32, #tpu.memory_space<vmem>>) target_semaphore(%arg15 : memref<!tpu.dma_semaphore, #tpu.memory_space<semaphore_mem>>)
    %dma_start3A_22 = arith.constant 16384 : i32
    %dma_start3A_23 = tpu.memref_slice %arg7[%dma_start3A_22] : memref<24576xf32, #tpu.memory_space<vmem>> -> memref<2048xf32, #tpu.memory_space<vmem>>
    %dma_start3A_24 = arith.constant 16384 : i32
    %dma_start3A_25 = tpu.memref_slice %arg11[%dma_start3A_24] : memref<24576xf32, #tpu.memory_space<vmem_shared>> -> memref<2048xf32, #tpu.memory_space<vmem_shared>>
    %dma_start3A_26 = arith.constant 16384 : i32
    %dma_start3A_27 = tpu.memref_slice %arg7[%dma_start3A_26] : memref<24576xf32, #tpu.memory_space<vmem>> -> memref<2048xf32, #tpu.memory_space<vmem>>
    %dma_start3A_28 = arith.constant 16384 : i32
    %dma_start3A_29 = tpu.memref_slice %arg11[%dma_start3A_28] : memref<24576xf32, #tpu.memory_space<vmem_shared>> -> memref<2048xf32, #tpu.memory_space<vmem_shared>>
    tpu.enqueue_dma source(%dma_start3A_29 : memref<2048xf32, #tpu.memory_space<vmem_shared>>) target(%dma_start3A_27 : memref<2048xf32, #tpu.memory_space<vmem>>) target_semaphore(%arg15 : memref<!tpu.dma_semaphore, #tpu.memory_space<semaphore_mem>>)
    %dma_start3A_30 = arith.constant 2048 : i32
    %dma_start3A_31 = tpu.memref_slice %arg7[%dma_start3A_30] : memref<24576xf32, #tpu.memory_space<vmem>> -> memref<2048xf32, #tpu.memory_space<vmem>>
    %dma_start3A_32 = arith.constant 2048 : i32
    %dma_start3A_33 = tpu.memref_slice %arg11[%dma_start3A_32] : memref<24576xf32, #tpu.memory_space<vmem_shared>> -> memref<2048xf32, #tpu.memory_space<vmem_shared>>
    %dma_start3A_34 = arith.constant 2048 : i32
    %dma_start3A_35 = tpu.memref_slice %arg7[%dma_start3A_34] : memref<24576xf32, #tpu.memory_space<vmem>> -> memref<2048xf32, #tpu.memory_space<vmem>>
    %dma_start3A_36 = arith.constant 2048 : i32
    %dma_start3A_37 = tpu.memref_slice %arg11[%dma_start3A_36] : memref<24576xf32, #tpu.memory_space<vmem_shared>> -> memref<2048xf32, #tpu.memory_space<vmem_shared>>
    tpu.enqueue_dma source(%dma_start3A_37 : memref<2048xf32, #tpu.memory_space<vmem_shared>>) target(%dma_start3A_35 : memref<2048xf32, #tpu.memory_space<vmem>>) target_semaphore(%arg16 : memref<!tpu.dma_semaphore, #tpu.memory_space<semaphore_mem>>)
    %dma_start3A_38 = arith.constant 10240 : i32
    %dma_start3A_39 = tpu.memref_slice %arg7[%dma_start3A_38] : memref<24576xf32, #tpu.memory_space<vmem>> -> memref<2048xf32, #tpu.memory_space<vmem>>
    %dma_start3A_40 = arith.constant 10240 : i32
    %dma_start3A_41 = tpu.memref_slice %arg11[%dma_start3A_40] : memref<24576xf32, #tpu.memory_space<vmem_shared>> -> memref<2048xf32, #tpu.memory_space<vmem_shared>>
    %dma_start3A_42 = arith.constant 10240 : i32
    %dma_start3A_43 = tpu.memref_slice %arg7[%dma_start3A_42] : memref<24576xf32, #tpu.memory_space<vmem>> -> memref<2048xf32, #tpu.memory_space<vmem>>
    %dma_start3A_44 = arith.constant 10240 : i32
    %dma_start3A_45 = tpu.memref_slice %arg11[%dma_start3A_44] : memref<24576xf32, #tpu.memory_space<vmem_shared>> -> memref<2048xf32, #tpu.memory_space<vmem_shared>>
    tpu.enqueue_dma source(%dma_start3A_45 : memref<2048xf32, #tpu.memory_space<vmem_shared>>) target(%dma_start3A_43 : memref<2048xf32, #tpu.memory_space<vmem>>) target_semaphore(%arg16 : memref<!tpu.dma_semaphore, #tpu.memory_space<semaphore_mem>>)
    %dma_start3A_46 = arith.constant 18432 : i32
    %dma_start3A_47 = tpu.memref_slice %arg7[%dma_start3A_46] : memref<24576xf32, #tpu.memory_space<vmem>> -> memref<2048xf32, #tpu.memory_space<vmem>>
    %dma_start3A_48 = arith.constant 18432 : i32
    %dma_start3A_49 = tpu.memref_slice %arg11[%dma_start3A_48] : memref<24576xf32, #tpu.memory_space<vmem_shared>> -> memref<2048xf32, #tpu.memory_space<vmem_shared>>
    %dma_start3A_50 = arith.constant 18432 : i32
    %dma_start3A_51 = tpu.memref_slice %arg7[%dma_start3A_50] : memref<24576xf32, #tpu.memory_space<vmem>> -> memref<2048xf32, #tpu.memory_space<vmem>>
    %dma_start3A_52 = arith.constant 18432 : i32
    %dma_start3A_53 = tpu.memref_slice %arg11[%dma_start3A_52] : memref<24576xf32, #tpu.memory_space<vmem_shared>> -> memref<2048xf32, #tpu.memory_space<vmem_shared>>
    tpu.enqueue_dma source(%dma_start3A_53 : memref<2048xf32, #tpu.memory_space<vmem_shared>>) target(%dma_start3A_51 : memref<2048xf32, #tpu.memory_space<vmem>>) target_semaphore(%arg16 : memref<!tpu.dma_semaphore, #tpu.memory_space<semaphore_mem>>)
    %dma_start3A_54 = arith.constant 4096 : i32
    %dma_start3A_55 = tpu.memref_slice %arg7[%dma_start3A_54] : memref<24576xf32, #tpu.memory_space<vmem>> -> memref<2048xf32, #tpu.memory_space<vmem>>
    %dma_start3A_56 = arith.constant 4096 : i32
    %dma_start3A_57 = tpu.memref_slice %arg11[%dma_start3A_56] : memref<24576xf32, #tpu.memory_space<vmem_shared>> -> memref<2048xf32, #tpu.memory_space<vmem_shared>>
    %dma_start3A_58 = arith.constant 4096 : i32
    %dma_start3A_59 = tpu.memref_slice %arg7[%dma_start3A_58] : memref<24576xf32, #tpu.memory_space<vmem>> -> memref<2048xf32, #tpu.memory_space<vmem>>
    %dma_start3A_60 = arith.constant 4096 : i32
    %dma_start3A_61 = tpu.memref_slice %arg11[%dma_start3A_60] : memref<24576xf32, #tpu.memory_space<vmem_shared>> -> memref<2048xf32, #tpu.memory_space<vmem_shared>>
    tpu.enqueue_dma source(%dma_start3A_61 : memref<2048xf32, #tpu.memory_space<vmem_shared>>) target(%dma_start3A_59 : memref<2048xf32, #tpu.memory_space<vmem>>) target_semaphore(%arg17 : memref<!tpu.dma_semaphore, #tpu.memory_space<semaphore_mem>>)
    %dma_start3A_62 = arith.constant 12288 : i32
    %dma_start3A_63 = tpu.memref_slice %arg7[%dma_start3A_62] : memref<24576xf32, #tpu.memory_space<vmem>> -> memref<2048xf32, #tpu.memory_space<vmem>>
    %dma_start3A_64 = arith.constant 12288 : i32
    %dma_start3A_65 = tpu.memref_slice %arg11[%dma_start3A_64] : memref<24576xf32, #tpu.memory_space<vmem_shared>> -> memref<2048xf32, #tpu.memory_space<vmem_shared>>
    %dma_start3A_66 = arith.constant 12288 : i32
    %dma_start3A_67 = tpu.memref_slice %arg7[%dma_start3A_66] : memref<24576xf32, #tpu.memory_space<vmem>> -> memref<2048xf32, #tpu.memory_space<vmem>>
    %dma_start3A_68 = arith.constant 12288 : i32
    %dma_start3A_69 = tpu.memref_slice %arg11[%dma_start3A_68] : memref<24576xf32, #tpu.memory_space<vmem_shared>> -> memref<2048xf32, #tpu.memory_space<vmem_shared>>
    tpu.enqueue_dma source(%dma_start3A_69 : memref<2048xf32, #tpu.memory_space<vmem_shared>>) target(%dma_start3A_67 : memref<2048xf32, #tpu.memory_space<vmem>>) target_semaphore(%arg17 : memref<!tpu.dma_semaphore, #tpu.memory_space<semaphore_mem>>)
    %dma_start3A_70 = arith.constant 20480 : i32
    %dma_start3A_71 = tpu.memref_slice %arg7[%dma_start3A_70] : memref<24576xf32, #tpu.memory_space<vmem>> -> memref<2048xf32, #tpu.memory_space<vmem>>
    %dma_start3A_72 = arith.constant 20480 : i32
    %dma_start3A_73 = tpu.memref_slice %arg11[%dma_start3A_72] : memref<24576xf32, #tpu.memory_space<vmem_shared>> -> memref<2048xf32, #tpu.memory_space<vmem_shared>>
    %dma_start3A_74 = arith.constant 20480 : i32
    %dma_start3A_75 = tpu.memref_slice %arg7[%dma_start3A_74] : memref<24576xf32, #tpu.memory_space<vmem>> -> memref<2048xf32, #tpu.memory_space<vmem>>
    %dma_start3A_76 = arith.constant 20480 : i32
    %dma_start3A_77 = tpu.memref_slice %arg11[%dma_start3A_76] : memref<24576xf32, #tpu.memory_space<vmem_shared>> -> memref<2048xf32, #tpu.memory_space<vmem_shared>>
    tpu.enqueue_dma source(%dma_start3A_77 : memref<2048xf32, #tpu.memory_space<vmem_shared>>) target(%dma_start3A_75 : memref<2048xf32, #tpu.memory_space<vmem>>) target_semaphore(%arg17 : memref<!tpu.dma_semaphore, #tpu.memory_space<semaphore_mem>>)
    %dma_start3A_78 = arith.constant 6144 : i32
    %dma_start3A_79 = tpu.memref_slice %arg7[%dma_start3A_78] : memref<24576xf32, #tpu.memory_space<vmem>> -> memref<2048xf32, #tpu.memory_space<vmem>>
    %dma_start3A_80 = arith.constant 6144 : i32
    %dma_start3A_81 = tpu.memref_slice %arg11[%dma_start3A_80] : memref<24576xf32, #tpu.memory_space<vmem_shared>> -> memref<2048xf32, #tpu.memory_space<vmem_shared>>
    %dma_start3A_82 = arith.constant 6144 : i32
    %dma_start3A_83 = tpu.memref_slice %arg7[%dma_start3A_82] : memref<24576xf32, #tpu.memory_space<vmem>> -> memref<2048xf32, #tpu.memory_space<vmem>>
    %dma_start3A_84 = arith.constant 6144 : i32
    %dma_start3A_85 = tpu.memref_slice %arg11[%dma_start3A_84] : memref<24576xf32, #tpu.memory_space<vmem_shared>> -> memref<2048xf32, #tpu.memory_space<vmem_shared>>
    tpu.enqueue_dma source(%dma_start3A_85 : memref<2048xf32, #tpu.memory_space<vmem_shared>>) target(%dma_start3A_83 : memref<2048xf32, #tpu.memory_space<vmem>>) target_semaphore(%arg18 : memref<!tpu.dma_semaphore, #tpu.memory_space<semaphore_mem>>)
    %dma_start3A_86 = arith.constant 14336 : i32
    %dma_start3A_87 = tpu.memref_slice %arg7[%dma_start3A_86] : memref<24576xf32, #tpu.memory_space<vmem>> -> memref<2048xf32, #tpu.memory_space<vmem>>
    %dma_start3A_88 = arith.constant 14336 : i32
    %dma_start3A_89 = tpu.memref_slice %arg11[%dma_start3A_88] : memref<24576xf32, #tpu.memory_space<vmem_shared>> -> memref<2048xf32, #tpu.memory_space<vmem_shared>>
    %dma_start3A_90 = arith.constant 14336 : i32
    %dma_start3A_91 = tpu.memref_slice %arg7[%dma_start3A_90] : memref<24576xf32, #tpu.memory_space<vmem>> -> memref<2048xf32, #tpu.memory_space<vmem>>
    %dma_start3A_92 = arith.constant 14336 : i32
    %dma_start3A_93 = tpu.memref_slice %arg11[%dma_start3A_92] : memref<24576xf32, #tpu.memory_space<vmem_shared>> -> memref<2048xf32, #tpu.memory_space<vmem_shared>>
    tpu.enqueue_dma source(%dma_start3A_93 : memref<2048xf32, #tpu.memory_space<vmem_shared>>) target(%dma_start3A_91 : memref<2048xf32, #tpu.memory_space<vmem>>) target_semaphore(%arg18 : memref<!tpu.dma_semaphore, #tpu.memory_space<semaphore_mem>>)
    %dma_start3A_94 = arith.constant 22528 : i32
    %dma_start3A_95 = tpu.memref_slice %arg7[%dma_start3A_94] : memref<24576xf32, #tpu.memory_space<vmem>> -> memref<2048xf32, #tpu.memory_space<vmem>>
    %dma_start3A_96 = arith.constant 22528 : i32
    %dma_start3A_97 = tpu.memref_slice %arg11[%dma_start3A_96] : memref<24576xf32, #tpu.memory_space<vmem_shared>> -> memref<2048xf32, #tpu.memory_space<vmem_shared>>
    %dma_start3A_98 = arith.constant 22528 : i32
    %dma_start3A_99 = tpu.memref_slice %arg7[%dma_start3A_98] : memref<24576xf32, #tpu.memory_space<vmem>> -> memref<2048xf32, #tpu.memory_space<vmem>>
    %dma_start3A_100 = arith.constant 22528 : i32
    %dma_start3A_101 = tpu.memref_slice %arg11[%dma_start3A_100] : memref<24576xf32, #tpu.memory_space<vmem_shared>> -> memref<2048xf32, #tpu.memory_space<vmem_shared>>
    tpu.enqueue_dma source(%dma_start3A_101 : memref<2048xf32, #tpu.memory_space<vmem_shared>>) target(%dma_start3A_99 : memref<2048xf32, #tpu.memory_space<vmem>>) target_semaphore(%arg18 : memref<!tpu.dma_semaphore, #tpu.memory_space<semaphore_mem>>)
    tpu.enqueue_dma source(%arg4 : memref<16xf32, #tpu.memory_space<hbm>>) target(%arg10 : memref<16xf32, #tpu.memory_space<vmem>>) target_semaphore(%arg13 : memref<!tpu.dma_semaphore, #tpu.memory_space<semaphore_mem>>)
    tpu.wait_dma2 semaphore(%arg13 : memref<!tpu.dma_semaphore, #tpu.memory_space<semaphore_mem>>) src(%arg4 : memref<16xf32, #tpu.memory_space<hbm>>) dst(%arg10 : memref<16xf32, #tpu.memory_space<vmem>>)
    %broadcast_in_dim3A = arith.constant 1 : i32
    %broadcast_in_dim3A_102 = vector.broadcast %broadcast_in_dim3A : i32 to vector<16xi32>
    %gather3A = tpu.vector_load_idx %arg10[%broadcast_in_dim3A_102] : memref<16xf32, #tpu.memory_space<vmem>>[vector<16xi32>], vector<16xf32>,
    %broadcast_in_dim3A_103 = arith.constant 2 : i32
    %broadcast_in_dim3A_104 = vector.broadcast %broadcast_in_dim3A_103 : i32 to vector<16xi32>
    %gather3A_105 = tpu.vector_load_idx %arg10[%broadcast_in_dim3A_104] : memref<16xf32, #tpu.memory_space<vmem>>[vector<16xi32>], vector<16xf32>,
    %broadcast_in_dim3A_106 = arith.constant 3 : i32
    %broadcast_in_dim3A_107 = vector.broadcast %broadcast_in_dim3A_106 : i32 to vector<16xi32>
    %gather3A_108 = tpu.vector_load_idx %arg10[%broadcast_in_dim3A_107] : memref<16xf32, #tpu.memory_space<vmem>>[vector<16xi32>], vector<16xf32>,
    %broadcast_in_dim3A_109 = arith.constant 4 : i32
    %broadcast_in_dim3A_110 = vector.broadcast %broadcast_in_dim3A_109 : i32 to vector<16xi32>
    %gather3A_111 = tpu.vector_load_idx %arg10[%broadcast_in_dim3A_110] : memref<16xf32, #tpu.memory_space<vmem>>[vector<16xi32>], vector<16xf32>,
    %broadcast_in_dim3A_112 = arith.constant 5 : i32
    %broadcast_in_dim3A_113 = vector.broadcast %broadcast_in_dim3A_112 : i32 to vector<16xi32>
    %gather3A_114 = tpu.vector_load_idx %arg10[%broadcast_in_dim3A_113] : memref<16xf32, #tpu.memory_space<vmem>>[vector<16xi32>], vector<16xf32>,
    %broadcast_in_dim3A_115 = arith.constant 6 : i32
    %broadcast_in_dim3A_116 = vector.broadcast %broadcast_in_dim3A_115 : i32 to vector<16xi32>
    %gather3A_117 = tpu.vector_load_idx %arg10[%broadcast_in_dim3A_116] : memref<16xf32, #tpu.memory_space<vmem>>[vector<16xi32>], vector<16xf32>,
    %broadcast_in_dim3A_118 = arith.constant 7 : i32
    %broadcast_in_dim3A_119 = vector.broadcast %broadcast_in_dim3A_118 : i32 to vector<16xi32>
    %gather3A_120 = tpu.vector_load_idx %arg10[%broadcast_in_dim3A_119] : memref<16xf32, #tpu.memory_space<vmem>>[vector<16xi32>], vector<16xf32>,
    %broadcast_in_dim3A_121 = arith.constant 8 : i32
    %broadcast_in_dim3A_122 = vector.broadcast %broadcast_in_dim3A_121 : i32 to vector<16xi32>
    %gather3A_123 = tpu.vector_load_idx %arg10[%broadcast_in_dim3A_122] : memref<16xf32, #tpu.memory_space<vmem>>[vector<16xi32>], vector<16xf32>,
    %broadcast_in_dim3A_124 = arith.constant 9 : i32
    %broadcast_in_dim3A_125 = vector.broadcast %broadcast_in_dim3A_124 : i32 to vector<16xi32>
    %gather3A_126 = tpu.vector_load_idx %arg10[%broadcast_in_dim3A_125] : memref<16xf32, #tpu.memory_space<vmem>>[vector<16xi32>], vector<16xf32>,
    %broadcast_in_dim3A_127 = arith.constant 10 : i32
    %broadcast_in_dim3A_128 = vector.broadcast %broadcast_in_dim3A_127 : i32 to vector<16xi32>
    %gather3A_129 = tpu.vector_load_idx %arg10[%broadcast_in_dim3A_128] : memref<16xf32, #tpu.memory_space<vmem>>[vector<16xi32>], vector<16xf32>,
    %broadcast_in_dim3A_130 = arith.constant 11 : i32
    %broadcast_in_dim3A_131 = vector.broadcast %broadcast_in_dim3A_130 : i32 to vector<16xi32>
    %gather3A_132 = tpu.vector_load_idx %arg10[%broadcast_in_dim3A_131] : memref<16xf32, #tpu.memory_space<vmem>>[vector<16xi32>], vector<16xf32>,
    %broadcast_in_dim3A_133 = arith.constant 12 : i32
    %broadcast_in_dim3A_134 = vector.broadcast %broadcast_in_dim3A_133 : i32 to vector<16xi32>
    %gather3A_135 = tpu.vector_load_idx %arg10[%broadcast_in_dim3A_134] : memref<16xf32, #tpu.memory_space<vmem>>[vector<16xi32>], vector<16xf32>,
    %dma_wait3A = arith.constant 0 : i32
    %dma_wait3A_136 = tpu.memref_slice %arg7[%dma_wait3A] : memref<24576xf32, #tpu.memory_space<vmem>> -> memref<2048xf32, #tpu.memory_space<vmem>>
    %dma_wait3A_137 = arith.constant 0 : i32
    %dma_wait3A_138 = tpu.memref_slice %arg11[%dma_wait3A_137] : memref<24576xf32, #tpu.memory_space<vmem_shared>> -> memref<2048xf32, #tpu.memory_space<vmem_shared>>
    %dma_wait3A_139 = arith.constant 0 : i32
    %dma_wait3A_140 = tpu.memref_slice %arg7[%dma_wait3A_139] : memref<24576xf32, #tpu.memory_space<vmem>> -> memref<2048xf32, #tpu.memory_space<vmem>>
    %dma_wait3A_141 = arith.constant 0 : i32
    %dma_wait3A_142 = tpu.memref_slice %arg11[%dma_wait3A_141] : memref<24576xf32, #tpu.memory_space<vmem_shared>> -> memref<2048xf32, #tpu.memory_space<vmem_shared>>
    tpu.wait_dma2 semaphore(%arg15 : memref<!tpu.dma_semaphore, #tpu.memory_space<semaphore_mem>>) src(%dma_wait3A_142 : memref<2048xf32, #tpu.memory_space<vmem_shared>>) dst(%dma_wait3A_140 : memref<2048xf32, #tpu.memory_space<vmem>>)
    %dma_wait3A_143 = arith.constant 8192 : i32
    %dma_wait3A_144 = tpu.memref_slice %arg7[%dma_wait3A_143] : memref<24576xf32, #tpu.memory_space<vmem>> -> memref<2048xf32, #tpu.memory_space<vmem>>
    %dma_wait3A_145 = arith.constant 8192 : i32
    %dma_wait3A_146 = tpu.memref_slice %arg11[%dma_wait3A_145] : memref<24576xf32, #tpu.memory_space<vmem_shared>> -> memref<2048xf32, #tpu.memory_space<vmem_shared>>
    %dma_wait3A_147 = arith.constant 8192 : i32
    %dma_wait3A_148 = tpu.memref_slice %arg7[%dma_wait3A_147] : memref<24576xf32, #tpu.memory_space<vmem>> -> memref<2048xf32, #tpu.memory_space<vmem>>
    %dma_wait3A_149 = arith.constant 8192 : i32
    %dma_wait3A_150 = tpu.memref_slice %arg11[%dma_wait3A_149] : memref<24576xf32, #tpu.memory_space<vmem_shared>> -> memref<2048xf32, #tpu.memory_space<vmem_shared>>
    tpu.wait_dma2 semaphore(%arg15 : memref<!tpu.dma_semaphore, #tpu.memory_space<semaphore_mem>>) src(%dma_wait3A_150 : memref<2048xf32, #tpu.memory_space<vmem_shared>>) dst(%dma_wait3A_148 : memref<2048xf32, #tpu.memory_space<vmem>>)
    %dma_wait3A_151 = arith.constant 16384 : i32
    %dma_wait3A_152 = tpu.memref_slice %arg7[%dma_wait3A_151] : memref<24576xf32, #tpu.memory_space<vmem>> -> memref<2048xf32, #tpu.memory_space<vmem>>
    %dma_wait3A_153 = arith.constant 16384 : i32
    %dma_wait3A_154 = tpu.memref_slice %arg11[%dma_wait3A_153] : memref<24576xf32, #tpu.memory_space<vmem_shared>> -> memref<2048xf32, #tpu.memory_space<vmem_shared>>
    %dma_wait3A_155 = arith.constant 16384 : i32
    %dma_wait3A_156 = tpu.memref_slice %arg7[%dma_wait3A_155] : memref<24576xf32, #tpu.memory_space<vmem>> -> memref<2048xf32, #tpu.memory_space<vmem>>
    %dma_wait3A_157 = arith.constant 16384 : i32
    %dma_wait3A_158 = tpu.memref_slice %arg11[%dma_wait3A_157] : memref<24576xf32, #tpu.memory_space<vmem_shared>> -> memref<2048xf32, #tpu.memory_space<vmem_shared>>
    tpu.wait_dma2 semaphore(%arg15 : memref<!tpu.dma_semaphore, #tpu.memory_space<semaphore_mem>>) src(%dma_wait3A_158 : memref<2048xf32, #tpu.memory_space<vmem_shared>>) dst(%dma_wait3A_156 : memref<2048xf32, #tpu.memory_space<vmem>>)
    %parallel_loop3A = arith.constant 0 : i32
    %parallel_loop3A_159 = arith.constant 128 : i32
    %parallel_loop3A_160 = arith.constant 1 : i32
    scf.for %parallel_loop3A_492 = %parallel_loop3A to %parallel_loop3A_159 step %parallel_loop3A_160  : i32 {
      %parallel_loop3A_493 = arith.constant 16 : i32
      %parallel_loop3A_494 = arith.muli %parallel_loop3A_492, %parallel_loop3A_493 : i32
      %parallel_loop3A_495 = arith.constant 0 : i32
      %parallel_loop3A_496 = arith.addi %parallel_loop3A_495, %parallel_loop3A_494 : i32
      %parallel_loop3A_497 = arith.index_cast %parallel_loop3A_496 : i32 to index
      %parallel_loop3A_498 = tpu.vector_load %arg7[%parallel_loop3A_497] {strides = array<i32>} : memref<24576xf32, #tpu.memory_space<vmem>>, vector<16xf32>,
      %parallel_loop3A_499 = arith.constant 8192 : i32
      %parallel_loop3A_500 = arith.addi %parallel_loop3A_499, %parallel_loop3A_494 : i32
      %parallel_loop3A_501 = arith.index_cast %parallel_loop3A_500 : i32 to index
      %parallel_loop3A_502 = tpu.vector_load %arg7[%parallel_loop3A_501] {strides = array<i32>} : memref<24576xf32, #tpu.memory_space<vmem>>, vector<16xf32>,
      %parallel_loop3A_503 = arith.constant 16384 : i32
      %parallel_loop3A_504 = arith.addi %parallel_loop3A_503, %parallel_loop3A_494 : i32
      %parallel_loop3A_505 = arith.index_cast %parallel_loop3A_504 : i32 to index
      %parallel_loop3A_506 = tpu.vector_load %arg7[%parallel_loop3A_505] {strides = array<i32>} : memref<24576xf32, #tpu.memory_space<vmem>>, vector<16xf32>,
      %parallel_loop3A_507 = arith.mulf %parallel_loop3A_498, %gather3A : vector<16xf32>
      %parallel_loop3A_508 = arith.mulf %parallel_loop3A_502, %gather3A_111 : vector<16xf32>
      %parallel_loop3A_509 = arith.addf %parallel_loop3A_507, %parallel_loop3A_508 : vector<16xf32>
      %parallel_loop3A_510 = arith.mulf %parallel_loop3A_506, %gather3A_120 : vector<16xf32>
      %parallel_loop3A_511 = arith.addf %parallel_loop3A_509, %parallel_loop3A_510 : vector<16xf32>
      %parallel_loop3A_512 = arith.addf %parallel_loop3A_511, %gather3A_129 : vector<16xf32>
      %parallel_loop3A_513 = arith.constant 0 : i32
      %parallel_loop3A_514 = arith.addi %parallel_loop3A_513, %parallel_loop3A_494 : i32
      %parallel_loop3A_515 = arith.index_cast %parallel_loop3A_514 : i32 to index
      %parallel_loop3A_516 = tpu.vector_load %arg8[%parallel_loop3A_515] {strides = array<i32>} : memref<24576xf32, #tpu.memory_space<vmem>>, vector<16xf32>,
      tpu.vector_store %arg8[%parallel_loop3A_515], %parallel_loop3A_512 {strides = array<i32>} : memref<24576xf32, #tpu.memory_space<vmem>>, vector<16xf32>,
      %parallel_loop3A_517 = arith.mulf %parallel_loop3A_498, %gather3A_105 : vector<16xf32>
      %parallel_loop3A_518 = arith.mulf %parallel_loop3A_502, %gather3A_114 : vector<16xf32>
      %parallel_loop3A_519 = arith.addf %parallel_loop3A_517, %parallel_loop3A_518 : vector<16xf32>
      %parallel_loop3A_520 = arith.mulf %parallel_loop3A_506, %gather3A_123 : vector<16xf32>
      %parallel_loop3A_521 = arith.addf %parallel_loop3A_519, %parallel_loop3A_520 : vector<16xf32>
      %parallel_loop3A_522 = arith.addf %parallel_loop3A_521, %gather3A_132 : vector<16xf32>
      %parallel_loop3A_523 = arith.constant 8192 : i32
      %parallel_loop3A_524 = arith.addi %parallel_loop3A_523, %parallel_loop3A_494 : i32
      %parallel_loop3A_525 = arith.index_cast %parallel_loop3A_524 : i32 to index
      %parallel_loop3A_526 = tpu.vector_load %arg8[%parallel_loop3A_525] {strides = array<i32>} : memref<24576xf32, #tpu.memory_space<vmem>>, vector<16xf32>,
      tpu.vector_store %arg8[%parallel_loop3A_525], %parallel_loop3A_522 {strides = array<i32>} : memref<24576xf32, #tpu.memory_space<vmem>>, vector<16xf32>,
      %parallel_loop3A_527 = arith.mulf %parallel_loop3A_498, %gather3A_108 : vector<16xf32>
      %parallel_loop3A_528 = arith.mulf %parallel_loop3A_502, %gather3A_117 : vector<16xf32>
      %parallel_loop3A_529 = arith.addf %parallel_loop3A_527, %parallel_loop3A_528 : vector<16xf32>
      %parallel_loop3A_530 = arith.mulf %parallel_loop3A_506, %gather3A_126 : vector<16xf32>
      %parallel_loop3A_531 = arith.addf %parallel_loop3A_529, %parallel_loop3A_530 : vector<16xf32>
      %parallel_loop3A_532 = arith.addf %parallel_loop3A_531, %gather3A_135 : vector<16xf32>
      %parallel_loop3A_533 = arith.constant 16384 : i32
      %parallel_loop3A_534 = arith.addi %parallel_loop3A_533, %parallel_loop3A_494 : i32
      %parallel_loop3A_535 = arith.index_cast %parallel_loop3A_534 : i32 to index
      %parallel_loop3A_536 = tpu.vector_load %arg8[%parallel_loop3A_535] {strides = array<i32>} : memref<24576xf32, #tpu.memory_space<vmem>>, vector<16xf32>,
      tpu.vector_store %arg8[%parallel_loop3A_535], %parallel_loop3A_532 {strides = array<i32>} : memref<24576xf32, #tpu.memory_space<vmem>>, vector<16xf32>,
    } {sc.loop_unroll_factor = 4 : i64, sc.parallel_access}
    %dma_wait3A_161 = arith.constant 2048 : i32
    %dma_wait3A_162 = tpu.memref_slice %arg7[%dma_wait3A_161] : memref<24576xf32, #tpu.memory_space<vmem>> -> memref<2048xf32, #tpu.memory_space<vmem>>
    %dma_wait3A_163 = arith.constant 2048 : i32
    %dma_wait3A_164 = tpu.memref_slice %arg11[%dma_wait3A_163] : memref<24576xf32, #tpu.memory_space<vmem_shared>> -> memref<2048xf32, #tpu.memory_space<vmem_shared>>
    %dma_wait3A_165 = arith.constant 2048 : i32
    %dma_wait3A_166 = tpu.memref_slice %arg7[%dma_wait3A_165] : memref<24576xf32, #tpu.memory_space<vmem>> -> memref<2048xf32, #tpu.memory_space<vmem>>
    %dma_wait3A_167 = arith.constant 2048 : i32
    %dma_wait3A_168 = tpu.memref_slice %arg11[%dma_wait3A_167] : memref<24576xf32, #tpu.memory_space<vmem_shared>> -> memref<2048xf32, #tpu.memory_space<vmem_shared>>
    tpu.wait_dma2 semaphore(%arg16 : memref<!tpu.dma_semaphore, #tpu.memory_space<semaphore_mem>>) src(%dma_wait3A_168 : memref<2048xf32, #tpu.memory_space<vmem_shared>>) dst(%dma_wait3A_166 : memref<2048xf32, #tpu.memory_space<vmem>>)
    %dma_wait3A_169 = arith.constant 10240 : i32
    %dma_wait3A_170 = tpu.memref_slice %arg7[%dma_wait3A_169] : memref<24576xf32, #tpu.memory_space<vmem>> -> memref<2048xf32, #tpu.memory_space<vmem>>
    %dma_wait3A_171 = arith.constant 10240 : i32
    %dma_wait3A_172 = tpu.memref_slice %arg11[%dma_wait3A_171] : memref<24576xf32, #tpu.memory_space<vmem_shared>> -> memref<2048xf32, #tpu.memory_space<vmem_shared>>
    %dma_wait3A_173 = arith.constant 10240 : i32
    %dma_wait3A_174 = tpu.memref_slice %arg7[%dma_wait3A_173] : memref<24576xf32, #tpu.memory_space<vmem>> -> memref<2048xf32, #tpu.memory_space<vmem>>
    %dma_wait3A_175 = arith.constant 10240 : i32
    %dma_wait3A_176 = tpu.memref_slice %arg11[%dma_wait3A_175] : memref<24576xf32, #tpu.memory_space<vmem_shared>> -> memref<2048xf32, #tpu.memory_space<vmem_shared>>
    tpu.wait_dma2 semaphore(%arg16 : memref<!tpu.dma_semaphore, #tpu.memory_space<semaphore_mem>>) src(%dma_wait3A_176 : memref<2048xf32, #tpu.memory_space<vmem_shared>>) dst(%dma_wait3A_174 : memref<2048xf32, #tpu.memory_space<vmem>>)
    %dma_wait3A_177 = arith.constant 18432 : i32
    %dma_wait3A_178 = tpu.memref_slice %arg7[%dma_wait3A_177] : memref<24576xf32, #tpu.memory_space<vmem>> -> memref<2048xf32, #tpu.memory_space<vmem>>
    %dma_wait3A_179 = arith.constant 18432 : i32
    %dma_wait3A_180 = tpu.memref_slice %arg11[%dma_wait3A_179] : memref<24576xf32, #tpu.memory_space<vmem_shared>> -> memref<2048xf32, #tpu.memory_space<vmem_shared>>
    %dma_wait3A_181 = arith.constant 18432 : i32
    %dma_wait3A_182 = tpu.memref_slice %arg7[%dma_wait3A_181] : memref<24576xf32, #tpu.memory_space<vmem>> -> memref<2048xf32, #tpu.memory_space<vmem>>
    %dma_wait3A_183 = arith.constant 18432 : i32
    %dma_wait3A_184 = tpu.memref_slice %arg11[%dma_wait3A_183] : memref<24576xf32, #tpu.memory_space<vmem_shared>> -> memref<2048xf32, #tpu.memory_space<vmem_shared>>
    tpu.wait_dma2 semaphore(%arg16 : memref<!tpu.dma_semaphore, #tpu.memory_space<semaphore_mem>>) src(%dma_wait3A_184 : memref<2048xf32, #tpu.memory_space<vmem_shared>>) dst(%dma_wait3A_182 : memref<2048xf32, #tpu.memory_space<vmem>>)
    %parallel_loop3A_185 = arith.constant 128 : i32
    %parallel_loop3A_186 = arith.constant 256 : i32
    %parallel_loop3A_187 = arith.constant 1 : i32
    scf.for %parallel_loop3A_492 = %parallel_loop3A_185 to %parallel_loop3A_186 step %parallel_loop3A_187  : i32 {
      %parallel_loop3A_493 = arith.constant 16 : i32
      %parallel_loop3A_494 = arith.muli %parallel_loop3A_492, %parallel_loop3A_493 : i32
      %parallel_loop3A_495 = arith.constant 0 : i32
      %parallel_loop3A_496 = arith.addi %parallel_loop3A_495, %parallel_loop3A_494 : i32
      %parallel_loop3A_497 = arith.index_cast %parallel_loop3A_496 : i32 to index
      %parallel_loop3A_498 = tpu.vector_load %arg7[%parallel_loop3A_497] {strides = array<i32>} : memref<24576xf32, #tpu.memory_space<vmem>>, vector<16xf32>,
      %parallel_loop3A_499 = arith.constant 8192 : i32
      %parallel_loop3A_500 = arith.addi %parallel_loop3A_499, %parallel_loop3A_494 : i32
      %parallel_loop3A_501 = arith.index_cast %parallel_loop3A_500 : i32 to index
      %parallel_loop3A_502 = tpu.vector_load %arg7[%parallel_loop3A_501] {strides = array<i32>} : memref<24576xf32, #tpu.memory_space<vmem>>, vector<16xf32>,
      %parallel_loop3A_503 = arith.constant 16384 : i32
      %parallel_loop3A_504 = arith.addi %parallel_loop3A_503, %parallel_loop3A_494 : i32
      %parallel_loop3A_505 = arith.index_cast %parallel_loop3A_504 : i32 to index
      %parallel_loop3A_506 = tpu.vector_load %arg7[%parallel_loop3A_505] {strides = array<i32>} : memref<24576xf32, #tpu.memory_space<vmem>>, vector<16xf32>,
      %parallel_loop3A_507 = arith.mulf %parallel_loop3A_498, %gather3A : vector<16xf32>
      %parallel_loop3A_508 = arith.mulf %parallel_loop3A_502, %gather3A_111 : vector<16xf32>
      %parallel_loop3A_509 = arith.addf %parallel_loop3A_507, %parallel_loop3A_508 : vector<16xf32>
      %parallel_loop3A_510 = arith.mulf %parallel_loop3A_506, %gather3A_120 : vector<16xf32>
      %parallel_loop3A_511 = arith.addf %parallel_loop3A_509, %parallel_loop3A_510 : vector<16xf32>
      %parallel_loop3A_512 = arith.addf %parallel_loop3A_511, %gather3A_129 : vector<16xf32>
      %parallel_loop3A_513 = arith.constant 0 : i32
      %parallel_loop3A_514 = arith.addi %parallel_loop3A_513, %parallel_loop3A_494 : i32
      %parallel_loop3A_515 = arith.index_cast %parallel_loop3A_514 : i32 to index
      %parallel_loop3A_516 = tpu.vector_load %arg8[%parallel_loop3A_515] {strides = array<i32>} : memref<24576xf32, #tpu.memory_space<vmem>>, vector<16xf32>,
      tpu.vector_store %arg8[%parallel_loop3A_515], %parallel_loop3A_512 {strides = array<i32>} : memref<24576xf32, #tpu.memory_space<vmem>>, vector<16xf32>,
      %parallel_loop3A_517 = arith.mulf %parallel_loop3A_498, %gather3A_105 : vector<16xf32>
      %parallel_loop3A_518 = arith.mulf %parallel_loop3A_502, %gather3A_114 : vector<16xf32>
      %parallel_loop3A_519 = arith.addf %parallel_loop3A_517, %parallel_loop3A_518 : vector<16xf32>
      %parallel_loop3A_520 = arith.mulf %parallel_loop3A_506, %gather3A_123 : vector<16xf32>
      %parallel_loop3A_521 = arith.addf %parallel_loop3A_519, %parallel_loop3A_520 : vector<16xf32>
      %parallel_loop3A_522 = arith.addf %parallel_loop3A_521, %gather3A_132 : vector<16xf32>
      %parallel_loop3A_523 = arith.constant 8192 : i32
      %parallel_loop3A_524 = arith.addi %parallel_loop3A_523, %parallel_loop3A_494 : i32
      %parallel_loop3A_525 = arith.index_cast %parallel_loop3A_524 : i32 to index
      %parallel_loop3A_526 = tpu.vector_load %arg8[%parallel_loop3A_525] {strides = array<i32>} : memref<24576xf32, #tpu.memory_space<vmem>>, vector<16xf32>,
      tpu.vector_store %arg8[%parallel_loop3A_525], %parallel_loop3A_522 {strides = array<i32>} : memref<24576xf32, #tpu.memory_space<vmem>>, vector<16xf32>,
      %parallel_loop3A_527 = arith.mulf %parallel_loop3A_498, %gather3A_108 : vector<16xf32>
      %parallel_loop3A_528 = arith.mulf %parallel_loop3A_502, %gather3A_117 : vector<16xf32>
      %parallel_loop3A_529 = arith.addf %parallel_loop3A_527, %parallel_loop3A_528 : vector<16xf32>
      %parallel_loop3A_530 = arith.mulf %parallel_loop3A_506, %gather3A_126 : vector<16xf32>
      %parallel_loop3A_531 = arith.addf %parallel_loop3A_529, %parallel_loop3A_530 : vector<16xf32>
      %parallel_loop3A_532 = arith.addf %parallel_loop3A_531, %gather3A_135 : vector<16xf32>
      %parallel_loop3A_533 = arith.constant 16384 : i32
      %parallel_loop3A_534 = arith.addi %parallel_loop3A_533, %parallel_loop3A_494 : i32
      %parallel_loop3A_535 = arith.index_cast %parallel_loop3A_534 : i32 to index
      %parallel_loop3A_536 = tpu.vector_load %arg8[%parallel_loop3A_535] {strides = array<i32>} : memref<24576xf32, #tpu.memory_space<vmem>>, vector<16xf32>,
      tpu.vector_store %arg8[%parallel_loop3A_535], %parallel_loop3A_532 {strides = array<i32>} : memref<24576xf32, #tpu.memory_space<vmem>>, vector<16xf32>,
    } {sc.loop_unroll_factor = 4 : i64, sc.parallel_access}
    %dma_wait3A_188 = arith.constant 4096 : i32
    %dma_wait3A_189 = tpu.memref_slice %arg7[%dma_wait3A_188] : memref<24576xf32, #tpu.memory_space<vmem>> -> memref<2048xf32, #tpu.memory_space<vmem>>
    %dma_wait3A_190 = arith.constant 4096 : i32
    %dma_wait3A_191 = tpu.memref_slice %arg11[%dma_wait3A_190] : memref<24576xf32, #tpu.memory_space<vmem_shared>> -> memref<2048xf32, #tpu.memory_space<vmem_shared>>
    %dma_wait3A_192 = arith.constant 4096 : i32
    %dma_wait3A_193 = tpu.memref_slice %arg7[%dma_wait3A_192] : memref<24576xf32, #tpu.memory_space<vmem>> -> memref<2048xf32, #tpu.memory_space<vmem>>
    %dma_wait3A_194 = arith.constant 4096 : i32
    %dma_wait3A_195 = tpu.memref_slice %arg11[%dma_wait3A_194] : memref<24576xf32, #tpu.memory_space<vmem_shared>> -> memref<2048xf32, #tpu.memory_space<vmem_shared>>
    tpu.wait_dma2 semaphore(%arg17 : memref<!tpu.dma_semaphore, #tpu.memory_space<semaphore_mem>>) src(%dma_wait3A_195 : memref<2048xf32, #tpu.memory_space<vmem_shared>>) dst(%dma_wait3A_193 : memref<2048xf32, #tpu.memory_space<vmem>>)
    %dma_wait3A_196 = arith.constant 12288 : i32
    %dma_wait3A_197 = tpu.memref_slice %arg7[%dma_wait3A_196] : memref<24576xf32, #tpu.memory_space<vmem>> -> memref<2048xf32, #tpu.memory_space<vmem>>
    %dma_wait3A_198 = arith.constant 12288 : i32
    %dma_wait3A_199 = tpu.memref_slice %arg11[%dma_wait3A_198] : memref<24576xf32, #tpu.memory_space<vmem_shared>> -> memref<2048xf32, #tpu.memory_space<vmem_shared>>
    %dma_wait3A_200 = arith.constant 12288 : i32
    %dma_wait3A_201 = tpu.memref_slice %arg7[%dma_wait3A_200] : memref<24576xf32, #tpu.memory_space<vmem>> -> memref<2048xf32, #tpu.memory_space<vmem>>
    %dma_wait3A_202 = arith.constant 12288 : i32
    %dma_wait3A_203 = tpu.memref_slice %arg11[%dma_wait3A_202] : memref<24576xf32, #tpu.memory_space<vmem_shared>> -> memref<2048xf32, #tpu.memory_space<vmem_shared>>
    tpu.wait_dma2 semaphore(%arg17 : memref<!tpu.dma_semaphore, #tpu.memory_space<semaphore_mem>>) src(%dma_wait3A_203 : memref<2048xf32, #tpu.memory_space<vmem_shared>>) dst(%dma_wait3A_201 : memref<2048xf32, #tpu.memory_space<vmem>>)
    %dma_wait3A_204 = arith.constant 20480 : i32
    %dma_wait3A_205 = tpu.memref_slice %arg7[%dma_wait3A_204] : memref<24576xf32, #tpu.memory_space<vmem>> -> memref<2048xf32, #tpu.memory_space<vmem>>
    %dma_wait3A_206 = arith.constant 20480 : i32
    %dma_wait3A_207 = tpu.memref_slice %arg11[%dma_wait3A_206] : memref<24576xf32, #tpu.memory_space<vmem_shared>> -> memref<2048xf32, #tpu.memory_space<vmem_shared>>
    %dma_wait3A_208 = arith.constant 20480 : i32
    %dma_wait3A_209 = tpu.memref_slice %arg7[%dma_wait3A_208] : memref<24576xf32, #tpu.memory_space<vmem>> -> memref<2048xf32, #tpu.memory_space<vmem>>
    %dma_wait3A_210 = arith.constant 20480 : i32
    %dma_wait3A_211 = tpu.memref_slice %arg11[%dma_wait3A_210] : memref<24576xf32, #tpu.memory_space<vmem_shared>> -> memref<2048xf32, #tpu.memory_space<vmem_shared>>
    tpu.wait_dma2 semaphore(%arg17 : memref<!tpu.dma_semaphore, #tpu.memory_space<semaphore_mem>>) src(%dma_wait3A_211 : memref<2048xf32, #tpu.memory_space<vmem_shared>>) dst(%dma_wait3A_209 : memref<2048xf32, #tpu.memory_space<vmem>>)
    %parallel_loop3A_212 = arith.constant 256 : i32
    %parallel_loop3A_213 = arith.constant 384 : i32
    %parallel_loop3A_214 = arith.constant 1 : i32
    scf.for %parallel_loop3A_492 = %parallel_loop3A_212 to %parallel_loop3A_213 step %parallel_loop3A_214  : i32 {
      %parallel_loop3A_493 = arith.constant 16 : i32
      %parallel_loop3A_494 = arith.muli %parallel_loop3A_492, %parallel_loop3A_493 : i32
      %parallel_loop3A_495 = arith.constant 0 : i32
      %parallel_loop3A_496 = arith.addi %parallel_loop3A_495, %parallel_loop3A_494 : i32
      %parallel_loop3A_497 = arith.index_cast %parallel_loop3A_496 : i32 to index
      %parallel_loop3A_498 = tpu.vector_load %arg7[%parallel_loop3A_497] {strides = array<i32>} : memref<24576xf32, #tpu.memory_space<vmem>>, vector<16xf32>,
      %parallel_loop3A_499 = arith.constant 8192 : i32
      %parallel_loop3A_500 = arith.addi %parallel_loop3A_499, %parallel_loop3A_494 : i32
      %parallel_loop3A_501 = arith.index_cast %parallel_loop3A_500 : i32 to index
      %parallel_loop3A_502 = tpu.vector_load %arg7[%parallel_loop3A_501] {strides = array<i32>} : memref<24576xf32, #tpu.memory_space<vmem>>, vector<16xf32>,
      %parallel_loop3A_503 = arith.constant 16384 : i32
      %parallel_loop3A_504 = arith.addi %parallel_loop3A_503, %parallel_loop3A_494 : i32
      %parallel_loop3A_505 = arith.index_cast %parallel_loop3A_504 : i32 to index
      %parallel_loop3A_506 = tpu.vector_load %arg7[%parallel_loop3A_505] {strides = array<i32>} : memref<24576xf32, #tpu.memory_space<vmem>>, vector<16xf32>,
      %parallel_loop3A_507 = arith.mulf %parallel_loop3A_498, %gather3A : vector<16xf32>
      %parallel_loop3A_508 = arith.mulf %parallel_loop3A_502, %gather3A_111 : vector<16xf32>
      %parallel_loop3A_509 = arith.addf %parallel_loop3A_507, %parallel_loop3A_508 : vector<16xf32>
      %parallel_loop3A_510 = arith.mulf %parallel_loop3A_506, %gather3A_120 : vector<16xf32>
      %parallel_loop3A_511 = arith.addf %parallel_loop3A_509, %parallel_loop3A_510 : vector<16xf32>
      %parallel_loop3A_512 = arith.addf %parallel_loop3A_511, %gather3A_129 : vector<16xf32>
      %parallel_loop3A_513 = arith.constant 0 : i32
      %parallel_loop3A_514 = arith.addi %parallel_loop3A_513, %parallel_loop3A_494 : i32
      %parallel_loop3A_515 = arith.index_cast %parallel_loop3A_514 : i32 to index
      %parallel_loop3A_516 = tpu.vector_load %arg8[%parallel_loop3A_515] {strides = array<i32>} : memref<24576xf32, #tpu.memory_space<vmem>>, vector<16xf32>,
      tpu.vector_store %arg8[%parallel_loop3A_515], %parallel_loop3A_512 {strides = array<i32>} : memref<24576xf32, #tpu.memory_space<vmem>>, vector<16xf32>,
      %parallel_loop3A_517 = arith.mulf %parallel_loop3A_498, %gather3A_105 : vector<16xf32>
      %parallel_loop3A_518 = arith.mulf %parallel_loop3A_502, %gather3A_114 : vector<16xf32>
      %parallel_loop3A_519 = arith.addf %parallel_loop3A_517, %parallel_loop3A_518 : vector<16xf32>
      %parallel_loop3A_520 = arith.mulf %parallel_loop3A_506, %gather3A_123 : vector<16xf32>
      %parallel_loop3A_521 = arith.addf %parallel_loop3A_519, %parallel_loop3A_520 : vector<16xf32>
      %parallel_loop3A_522 = arith.addf %parallel_loop3A_521, %gather3A_132 : vector<16xf32>
      %parallel_loop3A_523 = arith.constant 8192 : i32
      %parallel_loop3A_524 = arith.addi %parallel_loop3A_523, %parallel_loop3A_494 : i32
      %parallel_loop3A_525 = arith.index_cast %parallel_loop3A_524 : i32 to index
      %parallel_loop3A_526 = tpu.vector_load %arg8[%parallel_loop3A_525] {strides = array<i32>} : memref<24576xf32, #tpu.memory_space<vmem>>, vector<16xf32>,
      tpu.vector_store %arg8[%parallel_loop3A_525], %parallel_loop3A_522 {strides = array<i32>} : memref<24576xf32, #tpu.memory_space<vmem>>, vector<16xf32>,
      %parallel_loop3A_527 = arith.mulf %parallel_loop3A_498, %gather3A_108 : vector<16xf32>
      %parallel_loop3A_528 = arith.mulf %parallel_loop3A_502, %gather3A_117 : vector<16xf32>
      %parallel_loop3A_529 = arith.addf %parallel_loop3A_527, %parallel_loop3A_528 : vector<16xf32>
      %parallel_loop3A_530 = arith.mulf %parallel_loop3A_506, %gather3A_126 : vector<16xf32>
      %parallel_loop3A_531 = arith.addf %parallel_loop3A_529, %parallel_loop3A_530 : vector<16xf32>
      %parallel_loop3A_532 = arith.addf %parallel_loop3A_531, %gather3A_135 : vector<16xf32>
      %parallel_loop3A_533 = arith.constant 16384 : i32
      %parallel_loop3A_534 = arith.addi %parallel_loop3A_533, %parallel_loop3A_494 : i32
      %parallel_loop3A_535 = arith.index_cast %parallel_loop3A_534 : i32 to index
      %parallel_loop3A_536 = tpu.vector_load %arg8[%parallel_loop3A_535] {strides = array<i32>} : memref<24576xf32, #tpu.memory_space<vmem>>, vector<16xf32>,
      tpu.vector_store %arg8[%parallel_loop3A_535], %parallel_loop3A_532 {strides = array<i32>} : memref<24576xf32, #tpu.memory_space<vmem>>, vector<16xf32>,
    } {sc.loop_unroll_factor = 4 : i64, sc.parallel_access}
    %dma_wait3A_215 = arith.constant 6144 : i32
    %dma_wait3A_216 = tpu.memref_slice %arg7[%dma_wait3A_215] : memref<24576xf32, #tpu.memory_space<vmem>> -> memref<2048xf32, #tpu.memory_space<vmem>>
    %dma_wait3A_217 = arith.constant 6144 : i32
    %dma_wait3A_218 = tpu.memref_slice %arg11[%dma_wait3A_217] : memref<24576xf32, #tpu.memory_space<vmem_shared>> -> memref<2048xf32, #tpu.memory_space<vmem_shared>>
    %dma_wait3A_219 = arith.constant 6144 : i32
    %dma_wait3A_220 = tpu.memref_slice %arg7[%dma_wait3A_219] : memref<24576xf32, #tpu.memory_space<vmem>> -> memref<2048xf32, #tpu.memory_space<vmem>>
    %dma_wait3A_221 = arith.constant 6144 : i32
    %dma_wait3A_222 = tpu.memref_slice %arg11[%dma_wait3A_221] : memref<24576xf32, #tpu.memory_space<vmem_shared>> -> memref<2048xf32, #tpu.memory_space<vmem_shared>>
    tpu.wait_dma2 semaphore(%arg18 : memref<!tpu.dma_semaphore, #tpu.memory_space<semaphore_mem>>) src(%dma_wait3A_222 : memref<2048xf32, #tpu.memory_space<vmem_shared>>) dst(%dma_wait3A_220 : memref<2048xf32, #tpu.memory_space<vmem>>)
    %dma_wait3A_223 = arith.constant 14336 : i32
    %dma_wait3A_224 = tpu.memref_slice %arg7[%dma_wait3A_223] : memref<24576xf32, #tpu.memory_space<vmem>> -> memref<2048xf32, #tpu.memory_space<vmem>>
    %dma_wait3A_225 = arith.constant 14336 : i32
    %dma_wait3A_226 = tpu.memref_slice %arg11[%dma_wait3A_225] : memref<24576xf32, #tpu.memory_space<vmem_shared>> -> memref<2048xf32, #tpu.memory_space<vmem_shared>>
    %dma_wait3A_227 = arith.constant 14336 : i32
    %dma_wait3A_228 = tpu.memref_slice %arg7[%dma_wait3A_227] : memref<24576xf32, #tpu.memory_space<vmem>> -> memref<2048xf32, #tpu.memory_space<vmem>>
    %dma_wait3A_229 = arith.constant 14336 : i32
    %dma_wait3A_230 = tpu.memref_slice %arg11[%dma_wait3A_229] : memref<24576xf32, #tpu.memory_space<vmem_shared>> -> memref<2048xf32, #tpu.memory_space<vmem_shared>>
    tpu.wait_dma2 semaphore(%arg18 : memref<!tpu.dma_semaphore, #tpu.memory_space<semaphore_mem>>) src(%dma_wait3A_230 : memref<2048xf32, #tpu.memory_space<vmem_shared>>) dst(%dma_wait3A_228 : memref<2048xf32, #tpu.memory_space<vmem>>)
    %dma_wait3A_231 = arith.constant 22528 : i32
    %dma_wait3A_232 = tpu.memref_slice %arg7[%dma_wait3A_231] : memref<24576xf32, #tpu.memory_space<vmem>> -> memref<2048xf32, #tpu.memory_space<vmem>>
    %dma_wait3A_233 = arith.constant 22528 : i32
    %dma_wait3A_234 = tpu.memref_slice %arg11[%dma_wait3A_233] : memref<24576xf32, #tpu.memory_space<vmem_shared>> -> memref<2048xf32, #tpu.memory_space<vmem_shared>>
    %dma_wait3A_235 = arith.constant 22528 : i32
    %dma_wait3A_236 = tpu.memref_slice %arg7[%dma_wait3A_235] : memref<24576xf32, #tpu.memory_space<vmem>> -> memref<2048xf32, #tpu.memory_space<vmem>>
    %dma_wait3A_237 = arith.constant 22528 : i32
    %dma_wait3A_238 = tpu.memref_slice %arg11[%dma_wait3A_237] : memref<24576xf32, #tpu.memory_space<vmem_shared>> -> memref<2048xf32, #tpu.memory_space<vmem_shared>>
    tpu.wait_dma2 semaphore(%arg18 : memref<!tpu.dma_semaphore, #tpu.memory_space<semaphore_mem>>) src(%dma_wait3A_238 : memref<2048xf32, #tpu.memory_space<vmem_shared>>) dst(%dma_wait3A_236 : memref<2048xf32, #tpu.memory_space<vmem>>)
    %parallel_loop3A_239 = arith.constant 384 : i32
    %parallel_loop3A_240 = arith.constant 512 : i32
    %parallel_loop3A_241 = arith.constant 1 : i32
    scf.for %parallel_loop3A_492 = %parallel_loop3A_239 to %parallel_loop3A_240 step %parallel_loop3A_241  : i32 {
      %parallel_loop3A_493 = arith.constant 16 : i32
      %parallel_loop3A_494 = arith.muli %parallel_loop3A_492, %parallel_loop3A_493 : i32
      %parallel_loop3A_495 = arith.constant 0 : i32
      %parallel_loop3A_496 = arith.addi %parallel_loop3A_495, %parallel_loop3A_494 : i32
      %parallel_loop3A_497 = arith.index_cast %parallel_loop3A_496 : i32 to index
      %parallel_loop3A_498 = tpu.vector_load %arg7[%parallel_loop3A_497] {strides = array<i32>} : memref<24576xf32, #tpu.memory_space<vmem>>, vector<16xf32>,
      %parallel_loop3A_499 = arith.constant 8192 : i32
      %parallel_loop3A_500 = arith.addi %parallel_loop3A_499, %parallel_loop3A_494 : i32
      %parallel_loop3A_501 = arith.index_cast %parallel_loop3A_500 : i32 to index
      %parallel_loop3A_502 = tpu.vector_load %arg7[%parallel_loop3A_501] {strides = array<i32>} : memref<24576xf32, #tpu.memory_space<vmem>>, vector<16xf32>,
      %parallel_loop3A_503 = arith.constant 16384 : i32
      %parallel_loop3A_504 = arith.addi %parallel_loop3A_503, %parallel_loop3A_494 : i32
      %parallel_loop3A_505 = arith.index_cast %parallel_loop3A_504 : i32 to index
      %parallel_loop3A_506 = tpu.vector_load %arg7[%parallel_loop3A_505] {strides = array<i32>} : memref<24576xf32, #tpu.memory_space<vmem>>, vector<16xf32>,
      %parallel_loop3A_507 = arith.mulf %parallel_loop3A_498, %gather3A : vector<16xf32>
      %parallel_loop3A_508 = arith.mulf %parallel_loop3A_502, %gather3A_111 : vector<16xf32>
      %parallel_loop3A_509 = arith.addf %parallel_loop3A_507, %parallel_loop3A_508 : vector<16xf32>
      %parallel_loop3A_510 = arith.mulf %parallel_loop3A_506, %gather3A_120 : vector<16xf32>
      %parallel_loop3A_511 = arith.addf %parallel_loop3A_509, %parallel_loop3A_510 : vector<16xf32>
      %parallel_loop3A_512 = arith.addf %parallel_loop3A_511, %gather3A_129 : vector<16xf32>
      %parallel_loop3A_513 = arith.constant 0 : i32
      %parallel_loop3A_514 = arith.addi %parallel_loop3A_513, %parallel_loop3A_494 : i32
      %parallel_loop3A_515 = arith.index_cast %parallel_loop3A_514 : i32 to index
      %parallel_loop3A_516 = tpu.vector_load %arg8[%parallel_loop3A_515] {strides = array<i32>} : memref<24576xf32, #tpu.memory_space<vmem>>, vector<16xf32>,
      tpu.vector_store %arg8[%parallel_loop3A_515], %parallel_loop3A_512 {strides = array<i32>} : memref<24576xf32, #tpu.memory_space<vmem>>, vector<16xf32>,
      %parallel_loop3A_517 = arith.mulf %parallel_loop3A_498, %gather3A_105 : vector<16xf32>
      %parallel_loop3A_518 = arith.mulf %parallel_loop3A_502, %gather3A_114 : vector<16xf32>
      %parallel_loop3A_519 = arith.addf %parallel_loop3A_517, %parallel_loop3A_518 : vector<16xf32>
      %parallel_loop3A_520 = arith.mulf %parallel_loop3A_506, %gather3A_123 : vector<16xf32>
      %parallel_loop3A_521 = arith.addf %parallel_loop3A_519, %parallel_loop3A_520 : vector<16xf32>
      %parallel_loop3A_522 = arith.addf %parallel_loop3A_521, %gather3A_132 : vector<16xf32>
      %parallel_loop3A_523 = arith.constant 8192 : i32
      %parallel_loop3A_524 = arith.addi %parallel_loop3A_523, %parallel_loop3A_494 : i32
      %parallel_loop3A_525 = arith.index_cast %parallel_loop3A_524 : i32 to index
      %parallel_loop3A_526 = tpu.vector_load %arg8[%parallel_loop3A_525] {strides = array<i32>} : memref<24576xf32, #tpu.memory_space<vmem>>, vector<16xf32>,
      tpu.vector_store %arg8[%parallel_loop3A_525], %parallel_loop3A_522 {strides = array<i32>} : memref<24576xf32, #tpu.memory_space<vmem>>, vector<16xf32>,
      %parallel_loop3A_527 = arith.mulf %parallel_loop3A_498, %gather3A_108 : vector<16xf32>
      %parallel_loop3A_528 = arith.mulf %parallel_loop3A_502, %gather3A_117 : vector<16xf32>
      %parallel_loop3A_529 = arith.addf %parallel_loop3A_527, %parallel_loop3A_528 : vector<16xf32>
      %parallel_loop3A_530 = arith.mulf %parallel_loop3A_506, %gather3A_126 : vector<16xf32>
      %parallel_loop3A_531 = arith.addf %parallel_loop3A_529, %parallel_loop3A_530 : vector<16xf32>
      %parallel_loop3A_532 = arith.addf %parallel_loop3A_531, %gather3A_135 : vector<16xf32>
      %parallel_loop3A_533 = arith.constant 16384 : i32
      %parallel_loop3A_534 = arith.addi %parallel_loop3A_533, %parallel_loop3A_494 : i32
      %parallel_loop3A_535 = arith.index_cast %parallel_loop3A_534 : i32 to index
      %parallel_loop3A_536 = tpu.vector_load %arg8[%parallel_loop3A_535] {strides = array<i32>} : memref<24576xf32, #tpu.memory_space<vmem>>, vector<16xf32>,
      tpu.vector_store %arg8[%parallel_loop3A_535], %parallel_loop3A_532 {strides = array<i32>} : memref<24576xf32, #tpu.memory_space<vmem>>, vector<16xf32>,
    } {sc.loop_unroll_factor = 4 : i64, sc.parallel_access}
    %dma_wait3A_242 = tpu.memref_slice %arg2[%mul3A_2] : memref<524288xi32, #tpu.memory_space<hbm>> -> memref<16384xi32, #tpu.memory_space<hbm>>
    %dma_wait3A_243 = tpu.memref_slice %arg2[%mul3A_2] : memref<524288xi32, #tpu.memory_space<hbm>> -> memref<16384xi32, #tpu.memory_space<hbm>>
    tpu.wait_dma2 semaphore(%arg12 : memref<!tpu.dma_semaphore, #tpu.memory_space<semaphore_mem>>) src(%dma_wait3A_243 : memref<16384xi32, #tpu.memory_space<hbm>>) dst(%arg6 : memref<16384xi32, #tpu.memory_space<vmem>>)
    %parallel_loop3A_244 = arith.constant 0 : i32
    %parallel_loop3A_245 = arith.constant 128 : i32
    %parallel_loop3A_246 = arith.constant 1 : i32
    scf.for %parallel_loop3A_492 = %parallel_loop3A_244 to %parallel_loop3A_245 step %parallel_loop3A_246  : i32 {
      %parallel_loop3A_493 = arith.constant 16 : i32
      %parallel_loop3A_494 = arith.muli %parallel_loop3A_492, %parallel_loop3A_493 : i32
      %parallel_loop3A_495 = arith.index_cast %parallel_loop3A_494 : i32 to index
      %parallel_loop3A_496 = tpu.vector_load %arg6[%parallel_loop3A_495] {strides = array<i32>} : memref<16384xi32, #tpu.memory_space<vmem>>, vector<16xi32>,
      %parallel_loop3A_497 = arith.constant 0 : i32
      %parallel_loop3A_498 = vector.broadcast %parallel_loop3A_497 : i32 to vector<16xi32>
      %parallel_loop3A_499 = arith.addi %parallel_loop3A_496, %parallel_loop3A_498 : vector<16xi32>
      %parallel_loop3A_500 = tpu.vector_load_idx %arg8[%parallel_loop3A_499] : memref<24576xf32, #tpu.memory_space<vmem>>[vector<16xi32>], vector<16xf32>,
      %parallel_loop3A_501 = arith.constant 0 : i32
      %parallel_loop3A_502 = arith.index_cast %parallel_loop3A_501 : i32 to index
      %parallel_loop3A_503 = arith.index_cast %parallel_loop3A_494 : i32 to index
      %parallel_loop3A_504 = tpu.vector_load %arg9[%parallel_loop3A_502, %parallel_loop3A_503] {strides = array<i32>} : memref<3x16384xf32, #tpu.memory_space<vmem>>, vector<16xf32>,
      tpu.vector_store %arg9[%parallel_loop3A_502, %parallel_loop3A_503], %parallel_loop3A_500 {strides = array<i32>} : memref<3x16384xf32, #tpu.memory_space<vmem>>, vector<16xf32>,
      %parallel_loop3A_505 = arith.constant 8192 : i32
      %parallel_loop3A_506 = vector.broadcast %parallel_loop3A_505 : i32 to vector<16xi32>
      %parallel_loop3A_507 = arith.addi %parallel_loop3A_496, %parallel_loop3A_506 : vector<16xi32>
      %parallel_loop3A_508 = tpu.vector_load_idx %arg8[%parallel_loop3A_507] : memref<24576xf32, #tpu.memory_space<vmem>>[vector<16xi32>], vector<16xf32>,
      %parallel_loop3A_509 = arith.constant 1 : i32
      %parallel_loop3A_510 = arith.index_cast %parallel_loop3A_509 : i32 to index
      %parallel_loop3A_511 = arith.index_cast %parallel_loop3A_494 : i32 to index
      %parallel_loop3A_512 = tpu.vector_load %arg9[%parallel_loop3A_510, %parallel_loop3A_511] {strides = array<i32>} : memref<3x16384xf32, #tpu.memory_space<vmem>>, vector<16xf32>,
      tpu.vector_store %arg9[%parallel_loop3A_510, %parallel_loop3A_511], %parallel_loop3A_508 {strides = array<i32>} : memref<3x16384xf32, #tpu.memory_space<vmem>>, vector<16xf32>,
      %parallel_loop3A_513 = arith.constant 16384 : i32
      %parallel_loop3A_514 = vector.broadcast %parallel_loop3A_513 : i32 to vector<16xi32>
      %parallel_loop3A_515 = arith.addi %parallel_loop3A_496, %parallel_loop3A_514 : vector<16xi32>
      %parallel_loop3A_516 = tpu.vector_load_idx %arg8[%parallel_loop3A_515] : memref<24576xf32, #tpu.memory_space<vmem>>[vector<16xi32>], vector<16xf32>,
      %parallel_loop3A_517 = arith.constant 2 : i32
      %parallel_loop3A_518 = arith.index_cast %parallel_loop3A_517 : i32 to index
      %parallel_loop3A_519 = arith.index_cast %parallel_loop3A_494 : i32 to index
      %parallel_loop3A_520 = tpu.vector_load %arg9[%parallel_loop3A_518, %parallel_loop3A_519] {strides = array<i32>} : memref<3x16384xf32, #tpu.memory_space<vmem>>, vector<16xf32>,
      tpu.vector_store %arg9[%parallel_loop3A_518, %parallel_loop3A_519], %parallel_loop3A_516 {strides = array<i32>} : memref<3x16384xf32, #tpu.memory_space<vmem>>, vector<16xf32>,
    } {sc.loop_unroll_factor = 4 : i64, sc.parallel_access}
    %dma_start3A_247 = arith.constant 0 : i32
    %dma_start3A_248 = arith.constant 0 : i32
    %dma_start3A_249 = tpu.memref_slice %arg9[%dma_start3A_247, %dma_start3A_248] : memref<3x16384xf32, #tpu.memory_space<vmem>> -> memref<3x2048xf32, #tpu.memory_space<vmem>>
    %dma_start3A_250 = arith.constant 0 : i32
    %dma_start3A_251 = arith.constant 0 : i32
    %dma_start3A_252 = tpu.memref_slice %arg5[%add3A, %dma_start3A_250, %dma_start3A_251] : memref<32x3x16384xf32, #tpu.memory_space<hbm>> -> memref<1x3x2048xf32, #tpu.memory_space<hbm>>
    %dma_start3A_253 = tpu.memref_squeeze %dma_start3A_252 : memref<1x3x2048xf32, #tpu.memory_space<hbm>> -> memref<3x2048xf32, #tpu.memory_space<hbm>>
    %dma_start3A_254 = arith.constant 0 : i32
    %dma_start3A_255 = arith.constant 0 : i32
    %dma_start3A_256 = tpu.memref_slice %arg5[%add3A, %dma_start3A_254, %dma_start3A_255] : memref<32x3x16384xf32, #tpu.memory_space<hbm>> -> memref<1x3x2048xf32, #tpu.memory_space<hbm>>
    %dma_start3A_257 = tpu.memref_squeeze %dma_start3A_256 : memref<1x3x2048xf32, #tpu.memory_space<hbm>> -> memref<3x2048xf32, #tpu.memory_space<hbm>>
    %dma_start3A_258 = arith.constant 0 : i32
    %dma_start3A_259 = arith.constant 0 : i32
    %dma_start3A_260 = tpu.memref_slice %arg9[%dma_start3A_258, %dma_start3A_259] : memref<3x16384xf32, #tpu.memory_space<vmem>> -> memref<3x2048xf32, #tpu.memory_space<vmem>>
    tpu.enqueue_dma source(%dma_start3A_260 : memref<3x2048xf32, #tpu.memory_space<vmem>>) target(%dma_start3A_257 : memref<3x2048xf32, #tpu.memory_space<hbm>>) target_semaphore(%arg14 : memref<!tpu.dma_semaphore, #tpu.memory_space<semaphore_mem>>)
    %parallel_loop3A_261 = arith.constant 128 : i32
    %parallel_loop3A_262 = arith.constant 256 : i32
    %parallel_loop3A_263 = arith.constant 1 : i32
    scf.for %parallel_loop3A_492 = %parallel_loop3A_261 to %parallel_loop3A_262 step %parallel_loop3A_263  : i32 {
      %parallel_loop3A_493 = arith.constant 16 : i32
      %parallel_loop3A_494 = arith.muli %parallel_loop3A_492, %parallel_loop3A_493 : i32
      %parallel_loop3A_495 = arith.index_cast %parallel_loop3A_494 : i32 to index
      %parallel_loop3A_496 = tpu.vector_load %arg6[%parallel_loop3A_495] {strides = array<i32>} : memref<16384xi32, #tpu.memory_space<vmem>>, vector<16xi32>,
      %parallel_loop3A_497 = arith.constant 0 : i32
      %parallel_loop3A_498 = vector.broadcast %parallel_loop3A_497 : i32 to vector<16xi32>
      %parallel_loop3A_499 = arith.addi %parallel_loop3A_496, %parallel_loop3A_498 : vector<16xi32>
      %parallel_loop3A_500 = tpu.vector_load_idx %arg8[%parallel_loop3A_499] : memref<24576xf32, #tpu.memory_space<vmem>>[vector<16xi32>], vector<16xf32>,
      %parallel_loop3A_501 = arith.constant 0 : i32
      %parallel_loop3A_502 = arith.index_cast %parallel_loop3A_501 : i32 to index
      %parallel_loop3A_503 = arith.index_cast %parallel_loop3A_494 : i32 to index
      %parallel_loop3A_504 = tpu.vector_load %arg9[%parallel_loop3A_502, %parallel_loop3A_503] {strides = array<i32>} : memref<3x16384xf32, #tpu.memory_space<vmem>>, vector<16xf32>,
      tpu.vector_store %arg9[%parallel_loop3A_502, %parallel_loop3A_503], %parallel_loop3A_500 {strides = array<i32>} : memref<3x16384xf32, #tpu.memory_space<vmem>>, vector<16xf32>,
      %parallel_loop3A_505 = arith.constant 8192 : i32
      %parallel_loop3A_506 = vector.broadcast %parallel_loop3A_505 : i32 to vector<16xi32>
      %parallel_loop3A_507 = arith.addi %parallel_loop3A_496, %parallel_loop3A_506 : vector<16xi32>
      %parallel_loop3A_508 = tpu.vector_load_idx %arg8[%parallel_loop3A_507] : memref<24576xf32, #tpu.memory_space<vmem>>[vector<16xi32>], vector<16xf32>,
      %parallel_loop3A_509 = arith.constant 1 : i32
      %parallel_loop3A_510 = arith.index_cast %parallel_loop3A_509 : i32 to index
      %parallel_loop3A_511 = arith.index_cast %parallel_loop3A_494 : i32 to index
      %parallel_loop3A_512 = tpu.vector_load %arg9[%parallel_loop3A_510, %parallel_loop3A_511] {strides = array<i32>} : memref<3x16384xf32, #tpu.memory_space<vmem>>, vector<16xf32>,
      tpu.vector_store %arg9[%parallel_loop3A_510, %parallel_loop3A_511], %parallel_loop3A_508 {strides = array<i32>} : memref<3x16384xf32, #tpu.memory_space<vmem>>, vector<16xf32>,
      %parallel_loop3A_513 = arith.constant 16384 : i32
      %parallel_loop3A_514 = vector.broadcast %parallel_loop3A_513 : i32 to vector<16xi32>
      %parallel_loop3A_515 = arith.addi %parallel_loop3A_496, %parallel_loop3A_514 : vector<16xi32>
      %parallel_loop3A_516 = tpu.vector_load_idx %arg8[%parallel_loop3A_515] : memref<24576xf32, #tpu.memory_space<vmem>>[vector<16xi32>], vector<16xf32>,
      %parallel_loop3A_517 = arith.constant 2 : i32
      %parallel_loop3A_518 = arith.index_cast %parallel_loop3A_517 : i32 to index
      %parallel_loop3A_519 = arith.index_cast %parallel_loop3A_494 : i32 to index
      %parallel_loop3A_520 = tpu.vector_load %arg9[%parallel_loop3A_518, %parallel_loop3A_519] {strides = array<i32>} : memref<3x16384xf32, #tpu.memory_space<vmem>>, vector<16xf32>,
      tpu.vector_store %arg9[%parallel_loop3A_518, %parallel_loop3A_519], %parallel_loop3A_516 {strides = array<i32>} : memref<3x16384xf32, #tpu.memory_space<vmem>>, vector<16xf32>,
    } {sc.loop_unroll_factor = 4 : i64, sc.parallel_access}
    %dma_start3A_264 = arith.constant 0 : i32
    %dma_start3A_265 = arith.constant 2048 : i32
    %dma_start3A_266 = tpu.memref_slice %arg9[%dma_start3A_264, %dma_start3A_265] : memref<3x16384xf32, #tpu.memory_space<vmem>> -> memref<3x2048xf32, #tpu.memory_space<vmem>>
    %dma_start3A_267 = arith.constant 0 : i32
    %dma_start3A_268 = arith.constant 2048 : i32
    %dma_start3A_269 = tpu.memref_slice %arg5[%add3A, %dma_start3A_267, %dma_start3A_268] : memref<32x3x16384xf32, #tpu.memory_space<hbm>> -> memref<1x3x2048xf32, #tpu.memory_space<hbm>>
    %dma_start3A_270 = tpu.memref_squeeze %dma_start3A_269 : memref<1x3x2048xf32, #tpu.memory_space<hbm>> -> memref<3x2048xf32, #tpu.memory_space<hbm>>
    %dma_start3A_271 = arith.constant 0 : i32
    %dma_start3A_272 = arith.constant 2048 : i32
    %dma_start3A_273 = tpu.memref_slice %arg5[%add3A, %dma_start3A_271, %dma_start3A_272] : memref<32x3x16384xf32, #tpu.memory_space<hbm>> -> memref<1x3x2048xf32, #tpu.memory_space<hbm>>
    %dma_start3A_274 = tpu.memref_squeeze %dma_start3A_273 : memref<1x3x2048xf32, #tpu.memory_space<hbm>> -> memref<3x2048xf32, #tpu.memory_space<hbm>>
    %dma_start3A_275 = arith.constant 0 : i32
    %dma_start3A_276 = arith.constant 2048 : i32
    %dma_start3A_277 = tpu.memref_slice %arg9[%dma_start3A_275, %dma_start3A_276] : memref<3x16384xf32, #tpu.memory_space<vmem>> -> memref<3x2048xf32, #tpu.memory_space<vmem>>
    tpu.enqueue_dma source(%dma_start3A_277 : memref<3x2048xf32, #tpu.memory_space<vmem>>) target(%dma_start3A_274 : memref<3x2048xf32, #tpu.memory_space<hbm>>) target_semaphore(%arg14 : memref<!tpu.dma_semaphore, #tpu.memory_space<semaphore_mem>>)
    %parallel_loop3A_278 = arith.constant 256 : i32
    %parallel_loop3A_279 = arith.constant 384 : i32
    %parallel_loop3A_280 = arith.constant 1 : i32
    scf.for %parallel_loop3A_492 = %parallel_loop3A_278 to %parallel_loop3A_279 step %parallel_loop3A_280  : i32 {
      %parallel_loop3A_493 = arith.constant 16 : i32
      %parallel_loop3A_494 = arith.muli %parallel_loop3A_492, %parallel_loop3A_493 : i32
      %parallel_loop3A_495 = arith.index_cast %parallel_loop3A_494 : i32 to index
      %parallel_loop3A_496 = tpu.vector_load %arg6[%parallel_loop3A_495] {strides = array<i32>} : memref<16384xi32, #tpu.memory_space<vmem>>, vector<16xi32>,
      %parallel_loop3A_497 = arith.constant 0 : i32
      %parallel_loop3A_498 = vector.broadcast %parallel_loop3A_497 : i32 to vector<16xi32>
      %parallel_loop3A_499 = arith.addi %parallel_loop3A_496, %parallel_loop3A_498 : vector<16xi32>
      %parallel_loop3A_500 = tpu.vector_load_idx %arg8[%parallel_loop3A_499] : memref<24576xf32, #tpu.memory_space<vmem>>[vector<16xi32>], vector<16xf32>,
      %parallel_loop3A_501 = arith.constant 0 : i32
      %parallel_loop3A_502 = arith.index_cast %parallel_loop3A_501 : i32 to index
      %parallel_loop3A_503 = arith.index_cast %parallel_loop3A_494 : i32 to index
      %parallel_loop3A_504 = tpu.vector_load %arg9[%parallel_loop3A_502, %parallel_loop3A_503] {strides = array<i32>} : memref<3x16384xf32, #tpu.memory_space<vmem>>, vector<16xf32>,
      tpu.vector_store %arg9[%parallel_loop3A_502, %parallel_loop3A_503], %parallel_loop3A_500 {strides = array<i32>} : memref<3x16384xf32, #tpu.memory_space<vmem>>, vector<16xf32>,
      %parallel_loop3A_505 = arith.constant 8192 : i32
      %parallel_loop3A_506 = vector.broadcast %parallel_loop3A_505 : i32 to vector<16xi32>
      %parallel_loop3A_507 = arith.addi %parallel_loop3A_496, %parallel_loop3A_506 : vector<16xi32>
      %parallel_loop3A_508 = tpu.vector_load_idx %arg8[%parallel_loop3A_507] : memref<24576xf32, #tpu.memory_space<vmem>>[vector<16xi32>], vector<16xf32>,
      %parallel_loop3A_509 = arith.constant 1 : i32
      %parallel_loop3A_510 = arith.index_cast %parallel_loop3A_509 : i32 to index
      %parallel_loop3A_511 = arith.index_cast %parallel_loop3A_494 : i32 to index
      %parallel_loop3A_512 = tpu.vector_load %arg9[%parallel_loop3A_510, %parallel_loop3A_511] {strides = array<i32>} : memref<3x16384xf32, #tpu.memory_space<vmem>>, vector<16xf32>,
      tpu.vector_store %arg9[%parallel_loop3A_510, %parallel_loop3A_511], %parallel_loop3A_508 {strides = array<i32>} : memref<3x16384xf32, #tpu.memory_space<vmem>>, vector<16xf32>,
      %parallel_loop3A_513 = arith.constant 16384 : i32
      %parallel_loop3A_514 = vector.broadcast %parallel_loop3A_513 : i32 to vector<16xi32>
      %parallel_loop3A_515 = arith.addi %parallel_loop3A_496, %parallel_loop3A_514 : vector<16xi32>
      %parallel_loop3A_516 = tpu.vector_load_idx %arg8[%parallel_loop3A_515] : memref<24576xf32, #tpu.memory_space<vmem>>[vector<16xi32>], vector<16xf32>,
      %parallel_loop3A_517 = arith.constant 2 : i32
      %parallel_loop3A_518 = arith.index_cast %parallel_loop3A_517 : i32 to index
      %parallel_loop3A_519 = arith.index_cast %parallel_loop3A_494 : i32 to index
      %parallel_loop3A_520 = tpu.vector_load %arg9[%parallel_loop3A_518, %parallel_loop3A_519] {strides = array<i32>} : memref<3x16384xf32, #tpu.memory_space<vmem>>, vector<16xf32>,
      tpu.vector_store %arg9[%parallel_loop3A_518, %parallel_loop3A_519], %parallel_loop3A_516 {strides = array<i32>} : memref<3x16384xf32, #tpu.memory_space<vmem>>, vector<16xf32>,
    } {sc.loop_unroll_factor = 4 : i64, sc.parallel_access}
    %dma_start3A_281 = arith.constant 0 : i32
    %dma_start3A_282 = arith.constant 4096 : i32
    %dma_start3A_283 = tpu.memref_slice %arg9[%dma_start3A_281, %dma_start3A_282] : memref<3x16384xf32, #tpu.memory_space<vmem>> -> memref<3x2048xf32, #tpu.memory_space<vmem>>
    %dma_start3A_284 = arith.constant 0 : i32
    %dma_start3A_285 = arith.constant 4096 : i32
    %dma_start3A_286 = tpu.memref_slice %arg5[%add3A, %dma_start3A_284, %dma_start3A_285] : memref<32x3x16384xf32, #tpu.memory_space<hbm>> -> memref<1x3x2048xf32, #tpu.memory_space<hbm>>
    %dma_start3A_287 = tpu.memref_squeeze %dma_start3A_286 : memref<1x3x2048xf32, #tpu.memory_space<hbm>> -> memref<3x2048xf32, #tpu.memory_space<hbm>>
    %dma_start3A_288 = arith.constant 0 : i32
    %dma_start3A_289 = arith.constant 4096 : i32
    %dma_start3A_290 = tpu.memref_slice %arg5[%add3A, %dma_start3A_288, %dma_start3A_289] : memref<32x3x16384xf32, #tpu.memory_space<hbm>> -> memref<1x3x2048xf32, #tpu.memory_space<hbm>>
    %dma_start3A_291 = tpu.memref_squeeze %dma_start3A_290 : memref<1x3x2048xf32, #tpu.memory_space<hbm>> -> memref<3x2048xf32, #tpu.memory_space<hbm>>
    %dma_start3A_292 = arith.constant 0 : i32
    %dma_start3A_293 = arith.constant 4096 : i32
    %dma_start3A_294 = tpu.memref_slice %arg9[%dma_start3A_292, %dma_start3A_293] : memref<3x16384xf32, #tpu.memory_space<vmem>> -> memref<3x2048xf32, #tpu.memory_space<vmem>>
    tpu.enqueue_dma source(%dma_start3A_294 : memref<3x2048xf32, #tpu.memory_space<vmem>>) target(%dma_start3A_291 : memref<3x2048xf32, #tpu.memory_space<hbm>>) target_semaphore(%arg14 : memref<!tpu.dma_semaphore, #tpu.memory_space<semaphore_mem>>)
    %parallel_loop3A_295 = arith.constant 384 : i32
    %parallel_loop3A_296 = arith.constant 512 : i32
    %parallel_loop3A_297 = arith.constant 1 : i32
    scf.for %parallel_loop3A_492 = %parallel_loop3A_295 to %parallel_loop3A_296 step %parallel_loop3A_297  : i32 {
      %parallel_loop3A_493 = arith.constant 16 : i32
      %parallel_loop3A_494 = arith.muli %parallel_loop3A_492, %parallel_loop3A_493 : i32
      %parallel_loop3A_495 = arith.index_cast %parallel_loop3A_494 : i32 to index
      %parallel_loop3A_496 = tpu.vector_load %arg6[%parallel_loop3A_495] {strides = array<i32>} : memref<16384xi32, #tpu.memory_space<vmem>>, vector<16xi32>,
      %parallel_loop3A_497 = arith.constant 0 : i32
      %parallel_loop3A_498 = vector.broadcast %parallel_loop3A_497 : i32 to vector<16xi32>
      %parallel_loop3A_499 = arith.addi %parallel_loop3A_496, %parallel_loop3A_498 : vector<16xi32>
      %parallel_loop3A_500 = tpu.vector_load_idx %arg8[%parallel_loop3A_499] : memref<24576xf32, #tpu.memory_space<vmem>>[vector<16xi32>], vector<16xf32>,
      %parallel_loop3A_501 = arith.constant 0 : i32
      %parallel_loop3A_502 = arith.index_cast %parallel_loop3A_501 : i32 to index
      %parallel_loop3A_503 = arith.index_cast %parallel_loop3A_494 : i32 to index
      %parallel_loop3A_504 = tpu.vector_load %arg9[%parallel_loop3A_502, %parallel_loop3A_503] {strides = array<i32>} : memref<3x16384xf32, #tpu.memory_space<vmem>>, vector<16xf32>,
      tpu.vector_store %arg9[%parallel_loop3A_502, %parallel_loop3A_503], %parallel_loop3A_500 {strides = array<i32>} : memref<3x16384xf32, #tpu.memory_space<vmem>>, vector<16xf32>,
      %parallel_loop3A_505 = arith.constant 8192 : i32
      %parallel_loop3A_506 = vector.broadcast %parallel_loop3A_505 : i32 to vector<16xi32>
      %parallel_loop3A_507 = arith.addi %parallel_loop3A_496, %parallel_loop3A_506 : vector<16xi32>
      %parallel_loop3A_508 = tpu.vector_load_idx %arg8[%parallel_loop3A_507] : memref<24576xf32, #tpu.memory_space<vmem>>[vector<16xi32>], vector<16xf32>,
      %parallel_loop3A_509 = arith.constant 1 : i32
      %parallel_loop3A_510 = arith.index_cast %parallel_loop3A_509 : i32 to index
      %parallel_loop3A_511 = arith.index_cast %parallel_loop3A_494 : i32 to index
      %parallel_loop3A_512 = tpu.vector_load %arg9[%parallel_loop3A_510, %parallel_loop3A_511] {strides = array<i32>} : memref<3x16384xf32, #tpu.memory_space<vmem>>, vector<16xf32>,
      tpu.vector_store %arg9[%parallel_loop3A_510, %parallel_loop3A_511], %parallel_loop3A_508 {strides = array<i32>} : memref<3x16384xf32, #tpu.memory_space<vmem>>, vector<16xf32>,
      %parallel_loop3A_513 = arith.constant 16384 : i32
      %parallel_loop3A_514 = vector.broadcast %parallel_loop3A_513 : i32 to vector<16xi32>
      %parallel_loop3A_515 = arith.addi %parallel_loop3A_496, %parallel_loop3A_514 : vector<16xi32>
      %parallel_loop3A_516 = tpu.vector_load_idx %arg8[%parallel_loop3A_515] : memref<24576xf32, #tpu.memory_space<vmem>>[vector<16xi32>], vector<16xf32>,
      %parallel_loop3A_517 = arith.constant 2 : i32
      %parallel_loop3A_518 = arith.index_cast %parallel_loop3A_517 : i32 to index
      %parallel_loop3A_519 = arith.index_cast %parallel_loop3A_494 : i32 to index
      %parallel_loop3A_520 = tpu.vector_load %arg9[%parallel_loop3A_518, %parallel_loop3A_519] {strides = array<i32>} : memref<3x16384xf32, #tpu.memory_space<vmem>>, vector<16xf32>,
      tpu.vector_store %arg9[%parallel_loop3A_518, %parallel_loop3A_519], %parallel_loop3A_516 {strides = array<i32>} : memref<3x16384xf32, #tpu.memory_space<vmem>>, vector<16xf32>,
    } {sc.loop_unroll_factor = 4 : i64, sc.parallel_access}
    %dma_start3A_298 = arith.constant 0 : i32
    %dma_start3A_299 = arith.constant 6144 : i32
    %dma_start3A_300 = tpu.memref_slice %arg9[%dma_start3A_298, %dma_start3A_299] : memref<3x16384xf32, #tpu.memory_space<vmem>> -> memref<3x2048xf32, #tpu.memory_space<vmem>>
    %dma_start3A_301 = arith.constant 0 : i32
    %dma_start3A_302 = arith.constant 6144 : i32
    %dma_start3A_303 = tpu.memref_slice %arg5[%add3A, %dma_start3A_301, %dma_start3A_302] : memref<32x3x16384xf32, #tpu.memory_space<hbm>> -> memref<1x3x2048xf32, #tpu.memory_space<hbm>>
    %dma_start3A_304 = tpu.memref_squeeze %dma_start3A_303 : memref<1x3x2048xf32, #tpu.memory_space<hbm>> -> memref<3x2048xf32, #tpu.memory_space<hbm>>
    %dma_start3A_305 = arith.constant 0 : i32
    %dma_start3A_306 = arith.constant 6144 : i32
    %dma_start3A_307 = tpu.memref_slice %arg5[%add3A, %dma_start3A_305, %dma_start3A_306] : memref<32x3x16384xf32, #tpu.memory_space<hbm>> -> memref<1x3x2048xf32, #tpu.memory_space<hbm>>
    %dma_start3A_308 = tpu.memref_squeeze %dma_start3A_307 : memref<1x3x2048xf32, #tpu.memory_space<hbm>> -> memref<3x2048xf32, #tpu.memory_space<hbm>>
    %dma_start3A_309 = arith.constant 0 : i32
    %dma_start3A_310 = arith.constant 6144 : i32
    %dma_start3A_311 = tpu.memref_slice %arg9[%dma_start3A_309, %dma_start3A_310] : memref<3x16384xf32, #tpu.memory_space<vmem>> -> memref<3x2048xf32, #tpu.memory_space<vmem>>
    tpu.enqueue_dma source(%dma_start3A_311 : memref<3x2048xf32, #tpu.memory_space<vmem>>) target(%dma_start3A_308 : memref<3x2048xf32, #tpu.memory_space<hbm>>) target_semaphore(%arg14 : memref<!tpu.dma_semaphore, #tpu.memory_space<semaphore_mem>>)
    %parallel_loop3A_312 = arith.constant 512 : i32
    %parallel_loop3A_313 = arith.constant 640 : i32
    %parallel_loop3A_314 = arith.constant 1 : i32
    scf.for %parallel_loop3A_492 = %parallel_loop3A_312 to %parallel_loop3A_313 step %parallel_loop3A_314  : i32 {
      %parallel_loop3A_493 = arith.constant 16 : i32
      %parallel_loop3A_494 = arith.muli %parallel_loop3A_492, %parallel_loop3A_493 : i32
      %parallel_loop3A_495 = arith.index_cast %parallel_loop3A_494 : i32 to index
      %parallel_loop3A_496 = tpu.vector_load %arg6[%parallel_loop3A_495] {strides = array<i32>} : memref<16384xi32, #tpu.memory_space<vmem>>, vector<16xi32>,
      %parallel_loop3A_497 = arith.constant 0 : i32
      %parallel_loop3A_498 = vector.broadcast %parallel_loop3A_497 : i32 to vector<16xi32>
      %parallel_loop3A_499 = arith.addi %parallel_loop3A_496, %parallel_loop3A_498 : vector<16xi32>
      %parallel_loop3A_500 = tpu.vector_load_idx %arg8[%parallel_loop3A_499] : memref<24576xf32, #tpu.memory_space<vmem>>[vector<16xi32>], vector<16xf32>,
      %parallel_loop3A_501 = arith.constant 0 : i32
      %parallel_loop3A_502 = arith.index_cast %parallel_loop3A_501 : i32 to index
      %parallel_loop3A_503 = arith.index_cast %parallel_loop3A_494 : i32 to index
      %parallel_loop3A_504 = tpu.vector_load %arg9[%parallel_loop3A_502, %parallel_loop3A_503] {strides = array<i32>} : memref<3x16384xf32, #tpu.memory_space<vmem>>, vector<16xf32>,
      tpu.vector_store %arg9[%parallel_loop3A_502, %parallel_loop3A_503], %parallel_loop3A_500 {strides = array<i32>} : memref<3x16384xf32, #tpu.memory_space<vmem>>, vector<16xf32>,
      %parallel_loop3A_505 = arith.constant 8192 : i32
      %parallel_loop3A_506 = vector.broadcast %parallel_loop3A_505 : i32 to vector<16xi32>
      %parallel_loop3A_507 = arith.addi %parallel_loop3A_496, %parallel_loop3A_506 : vector<16xi32>
      %parallel_loop3A_508 = tpu.vector_load_idx %arg8[%parallel_loop3A_507] : memref<24576xf32, #tpu.memory_space<vmem>>[vector<16xi32>], vector<16xf32>,
      %parallel_loop3A_509 = arith.constant 1 : i32
      %parallel_loop3A_510 = arith.index_cast %parallel_loop3A_509 : i32 to index
      %parallel_loop3A_511 = arith.index_cast %parallel_loop3A_494 : i32 to index
      %parallel_loop3A_512 = tpu.vector_load %arg9[%parallel_loop3A_510, %parallel_loop3A_511] {strides = array<i32>} : memref<3x16384xf32, #tpu.memory_space<vmem>>, vector<16xf32>,
      tpu.vector_store %arg9[%parallel_loop3A_510, %parallel_loop3A_511], %parallel_loop3A_508 {strides = array<i32>} : memref<3x16384xf32, #tpu.memory_space<vmem>>, vector<16xf32>,
      %parallel_loop3A_513 = arith.constant 16384 : i32
      %parallel_loop3A_514 = vector.broadcast %parallel_loop3A_513 : i32 to vector<16xi32>
      %parallel_loop3A_515 = arith.addi %parallel_loop3A_496, %parallel_loop3A_514 : vector<16xi32>
      %parallel_loop3A_516 = tpu.vector_load_idx %arg8[%parallel_loop3A_515] : memref<24576xf32, #tpu.memory_space<vmem>>[vector<16xi32>], vector<16xf32>,
      %parallel_loop3A_517 = arith.constant 2 : i32
      %parallel_loop3A_518 = arith.index_cast %parallel_loop3A_517 : i32 to index
      %parallel_loop3A_519 = arith.index_cast %parallel_loop3A_494 : i32 to index
      %parallel_loop3A_520 = tpu.vector_load %arg9[%parallel_loop3A_518, %parallel_loop3A_519] {strides = array<i32>} : memref<3x16384xf32, #tpu.memory_space<vmem>>, vector<16xf32>,
      tpu.vector_store %arg9[%parallel_loop3A_518, %parallel_loop3A_519], %parallel_loop3A_516 {strides = array<i32>} : memref<3x16384xf32, #tpu.memory_space<vmem>>, vector<16xf32>,
    } {sc.loop_unroll_factor = 4 : i64, sc.parallel_access}
    %dma_start3A_315 = arith.constant 0 : i32
    %dma_start3A_316 = arith.constant 8192 : i32
    %dma_start3A_317 = tpu.memref_slice %arg9[%dma_start3A_315, %dma_start3A_316] : memref<3x16384xf32, #tpu.memory_space<vmem>> -> memref<3x2048xf32, #tpu.memory_space<vmem>>
    %dma_start3A_318 = arith.constant 0 : i32
    %dma_start3A_319 = arith.constant 8192 : i32
    %dma_start3A_320 = tpu.memref_slice %arg5[%add3A, %dma_start3A_318, %dma_start3A_319] : memref<32x3x16384xf32, #tpu.memory_space<hbm>> -> memref<1x3x2048xf32, #tpu.memory_space<hbm>>
    %dma_start3A_321 = tpu.memref_squeeze %dma_start3A_320 : memref<1x3x2048xf32, #tpu.memory_space<hbm>> -> memref<3x2048xf32, #tpu.memory_space<hbm>>
    %dma_start3A_322 = arith.constant 0 : i32
    %dma_start3A_323 = arith.constant 8192 : i32
    %dma_start3A_324 = tpu.memref_slice %arg5[%add3A, %dma_start3A_322, %dma_start3A_323] : memref<32x3x16384xf32, #tpu.memory_space<hbm>> -> memref<1x3x2048xf32, #tpu.memory_space<hbm>>
    %dma_start3A_325 = tpu.memref_squeeze %dma_start3A_324 : memref<1x3x2048xf32, #tpu.memory_space<hbm>> -> memref<3x2048xf32, #tpu.memory_space<hbm>>
    %dma_start3A_326 = arith.constant 0 : i32
    %dma_start3A_327 = arith.constant 8192 : i32
    %dma_start3A_328 = tpu.memref_slice %arg9[%dma_start3A_326, %dma_start3A_327] : memref<3x16384xf32, #tpu.memory_space<vmem>> -> memref<3x2048xf32, #tpu.memory_space<vmem>>
    tpu.enqueue_dma source(%dma_start3A_328 : memref<3x2048xf32, #tpu.memory_space<vmem>>) target(%dma_start3A_325 : memref<3x2048xf32, #tpu.memory_space<hbm>>) target_semaphore(%arg14 : memref<!tpu.dma_semaphore, #tpu.memory_space<semaphore_mem>>)
    %parallel_loop3A_329 = arith.constant 640 : i32
    %parallel_loop3A_330 = arith.constant 768 : i32
    %parallel_loop3A_331 = arith.constant 1 : i32
    scf.for %parallel_loop3A_492 = %parallel_loop3A_329 to %parallel_loop3A_330 step %parallel_loop3A_331  : i32 {
      %parallel_loop3A_493 = arith.constant 16 : i32
      %parallel_loop3A_494 = arith.muli %parallel_loop3A_492, %parallel_loop3A_493 : i32
      %parallel_loop3A_495 = arith.index_cast %parallel_loop3A_494 : i32 to index
      %parallel_loop3A_496 = tpu.vector_load %arg6[%parallel_loop3A_495] {strides = array<i32>} : memref<16384xi32, #tpu.memory_space<vmem>>, vector<16xi32>,
      %parallel_loop3A_497 = arith.constant 0 : i32
      %parallel_loop3A_498 = vector.broadcast %parallel_loop3A_497 : i32 to vector<16xi32>
      %parallel_loop3A_499 = arith.addi %parallel_loop3A_496, %parallel_loop3A_498 : vector<16xi32>
      %parallel_loop3A_500 = tpu.vector_load_idx %arg8[%parallel_loop3A_499] : memref<24576xf32, #tpu.memory_space<vmem>>[vector<16xi32>], vector<16xf32>,
      %parallel_loop3A_501 = arith.constant 0 : i32
      %parallel_loop3A_502 = arith.index_cast %parallel_loop3A_501 : i32 to index
      %parallel_loop3A_503 = arith.index_cast %parallel_loop3A_494 : i32 to index
      %parallel_loop3A_504 = tpu.vector_load %arg9[%parallel_loop3A_502, %parallel_loop3A_503] {strides = array<i32>} : memref<3x16384xf32, #tpu.memory_space<vmem>>, vector<16xf32>,
      tpu.vector_store %arg9[%parallel_loop3A_502, %parallel_loop3A_503], %parallel_loop3A_500 {strides = array<i32>} : memref<3x16384xf32, #tpu.memory_space<vmem>>, vector<16xf32>,
      %parallel_loop3A_505 = arith.constant 8192 : i32
      %parallel_loop3A_506 = vector.broadcast %parallel_loop3A_505 : i32 to vector<16xi32>
      %parallel_loop3A_507 = arith.addi %parallel_loop3A_496, %parallel_loop3A_506 : vector<16xi32>
      %parallel_loop3A_508 = tpu.vector_load_idx %arg8[%parallel_loop3A_507] : memref<24576xf32, #tpu.memory_space<vmem>>[vector<16xi32>], vector<16xf32>,
      %parallel_loop3A_509 = arith.constant 1 : i32
      %parallel_loop3A_510 = arith.index_cast %parallel_loop3A_509 : i32 to index
      %parallel_loop3A_511 = arith.index_cast %parallel_loop3A_494 : i32 to index
      %parallel_loop3A_512 = tpu.vector_load %arg9[%parallel_loop3A_510, %parallel_loop3A_511] {strides = array<i32>} : memref<3x16384xf32, #tpu.memory_space<vmem>>, vector<16xf32>,
      tpu.vector_store %arg9[%parallel_loop3A_510, %parallel_loop3A_511], %parallel_loop3A_508 {strides = array<i32>} : memref<3x16384xf32, #tpu.memory_space<vmem>>, vector<16xf32>,
      %parallel_loop3A_513 = arith.constant 16384 : i32
      %parallel_loop3A_514 = vector.broadcast %parallel_loop3A_513 : i32 to vector<16xi32>
      %parallel_loop3A_515 = arith.addi %parallel_loop3A_496, %parallel_loop3A_514 : vector<16xi32>
      %parallel_loop3A_516 = tpu.vector_load_idx %arg8[%parallel_loop3A_515] : memref<24576xf32, #tpu.memory_space<vmem>>[vector<16xi32>], vector<16xf32>,
      %parallel_loop3A_517 = arith.constant 2 : i32
      %parallel_loop3A_518 = arith.index_cast %parallel_loop3A_517 : i32 to index
      %parallel_loop3A_519 = arith.index_cast %parallel_loop3A_494 : i32 to index
      %parallel_loop3A_520 = tpu.vector_load %arg9[%parallel_loop3A_518, %parallel_loop3A_519] {strides = array<i32>} : memref<3x16384xf32, #tpu.memory_space<vmem>>, vector<16xf32>,
      tpu.vector_store %arg9[%parallel_loop3A_518, %parallel_loop3A_519], %parallel_loop3A_516 {strides = array<i32>} : memref<3x16384xf32, #tpu.memory_space<vmem>>, vector<16xf32>,
    } {sc.loop_unroll_factor = 4 : i64, sc.parallel_access}
    %dma_start3A_332 = arith.constant 0 : i32
    %dma_start3A_333 = arith.constant 10240 : i32
    %dma_start3A_334 = tpu.memref_slice %arg9[%dma_start3A_332, %dma_start3A_333] : memref<3x16384xf32, #tpu.memory_space<vmem>> -> memref<3x2048xf32, #tpu.memory_space<vmem>>
    %dma_start3A_335 = arith.constant 0 : i32
    %dma_start3A_336 = arith.constant 10240 : i32
    %dma_start3A_337 = tpu.memref_slice %arg5[%add3A, %dma_start3A_335, %dma_start3A_336] : memref<32x3x16384xf32, #tpu.memory_space<hbm>> -> memref<1x3x2048xf32, #tpu.memory_space<hbm>>
    %dma_start3A_338 = tpu.memref_squeeze %dma_start3A_337 : memref<1x3x2048xf32, #tpu.memory_space<hbm>> -> memref<3x2048xf32, #tpu.memory_space<hbm>>
    %dma_start3A_339 = arith.constant 0 : i32
    %dma_start3A_340 = arith.constant 10240 : i32
    %dma_start3A_341 = tpu.memref_slice %arg5[%add3A, %dma_start3A_339, %dma_start3A_340] : memref<32x3x16384xf32, #tpu.memory_space<hbm>> -> memref<1x3x2048xf32, #tpu.memory_space<hbm>>
    %dma_start3A_342 = tpu.memref_squeeze %dma_start3A_341 : memref<1x3x2048xf32, #tpu.memory_space<hbm>> -> memref<3x2048xf32, #tpu.memory_space<hbm>>
    %dma_start3A_343 = arith.constant 0 : i32
    %dma_start3A_344 = arith.constant 10240 : i32
    %dma_start3A_345 = tpu.memref_slice %arg9[%dma_start3A_343, %dma_start3A_344] : memref<3x16384xf32, #tpu.memory_space<vmem>> -> memref<3x2048xf32, #tpu.memory_space<vmem>>
    tpu.enqueue_dma source(%dma_start3A_345 : memref<3x2048xf32, #tpu.memory_space<vmem>>) target(%dma_start3A_342 : memref<3x2048xf32, #tpu.memory_space<hbm>>) target_semaphore(%arg14 : memref<!tpu.dma_semaphore, #tpu.memory_space<semaphore_mem>>)
    %parallel_loop3A_346 = arith.constant 768 : i32
    %parallel_loop3A_347 = arith.constant 896 : i32
    %parallel_loop3A_348 = arith.constant 1 : i32
    scf.for %parallel_loop3A_492 = %parallel_loop3A_346 to %parallel_loop3A_347 step %parallel_loop3A_348  : i32 {
      %parallel_loop3A_493 = arith.constant 16 : i32
      %parallel_loop3A_494 = arith.muli %parallel_loop3A_492, %parallel_loop3A_493 : i32
      %parallel_loop3A_495 = arith.index_cast %parallel_loop3A_494 : i32 to index
      %parallel_loop3A_496 = tpu.vector_load %arg6[%parallel_loop3A_495] {strides = array<i32>} : memref<16384xi32, #tpu.memory_space<vmem>>, vector<16xi32>,
      %parallel_loop3A_497 = arith.constant 0 : i32
      %parallel_loop3A_498 = vector.broadcast %parallel_loop3A_497 : i32 to vector<16xi32>
      %parallel_loop3A_499 = arith.addi %parallel_loop3A_496, %parallel_loop3A_498 : vector<16xi32>
      %parallel_loop3A_500 = tpu.vector_load_idx %arg8[%parallel_loop3A_499] : memref<24576xf32, #tpu.memory_space<vmem>>[vector<16xi32>], vector<16xf32>,
      %parallel_loop3A_501 = arith.constant 0 : i32
      %parallel_loop3A_502 = arith.index_cast %parallel_loop3A_501 : i32 to index
      %parallel_loop3A_503 = arith.index_cast %parallel_loop3A_494 : i32 to index
      %parallel_loop3A_504 = tpu.vector_load %arg9[%parallel_loop3A_502, %parallel_loop3A_503] {strides = array<i32>} : memref<3x16384xf32, #tpu.memory_space<vmem>>, vector<16xf32>,
      tpu.vector_store %arg9[%parallel_loop3A_502, %parallel_loop3A_503], %parallel_loop3A_500 {strides = array<i32>} : memref<3x16384xf32, #tpu.memory_space<vmem>>, vector<16xf32>,
      %parallel_loop3A_505 = arith.constant 8192 : i32
      %parallel_loop3A_506 = vector.broadcast %parallel_loop3A_505 : i32 to vector<16xi32>
      %parallel_loop3A_507 = arith.addi %parallel_loop3A_496, %parallel_loop3A_506 : vector<16xi32>
      %parallel_loop3A_508 = tpu.vector_load_idx %arg8[%parallel_loop3A_507] : memref<24576xf32, #tpu.memory_space<vmem>>[vector<16xi32>], vector<16xf32>,
      %parallel_loop3A_509 = arith.constant 1 : i32
      %parallel_loop3A_510 = arith.index_cast %parallel_loop3A_509 : i32 to index
      %parallel_loop3A_511 = arith.index_cast %parallel_loop3A_494 : i32 to index
      %parallel_loop3A_512 = tpu.vector_load %arg9[%parallel_loop3A_510, %parallel_loop3A_511] {strides = array<i32>} : memref<3x16384xf32, #tpu.memory_space<vmem>>, vector<16xf32>,
      tpu.vector_store %arg9[%parallel_loop3A_510, %parallel_loop3A_511], %parallel_loop3A_508 {strides = array<i32>} : memref<3x16384xf32, #tpu.memory_space<vmem>>, vector<16xf32>,
      %parallel_loop3A_513 = arith.constant 16384 : i32
      %parallel_loop3A_514 = vector.broadcast %parallel_loop3A_513 : i32 to vector<16xi32>
      %parallel_loop3A_515 = arith.addi %parallel_loop3A_496, %parallel_loop3A_514 : vector<16xi32>
      %parallel_loop3A_516 = tpu.vector_load_idx %arg8[%parallel_loop3A_515] : memref<24576xf32, #tpu.memory_space<vmem>>[vector<16xi32>], vector<16xf32>,
      %parallel_loop3A_517 = arith.constant 2 : i32
      %parallel_loop3A_518 = arith.index_cast %parallel_loop3A_517 : i32 to index
      %parallel_loop3A_519 = arith.index_cast %parallel_loop3A_494 : i32 to index
      %parallel_loop3A_520 = tpu.vector_load %arg9[%parallel_loop3A_518, %parallel_loop3A_519] {strides = array<i32>} : memref<3x16384xf32, #tpu.memory_space<vmem>>, vector<16xf32>,
      tpu.vector_store %arg9[%parallel_loop3A_518, %parallel_loop3A_519], %parallel_loop3A_516 {strides = array<i32>} : memref<3x16384xf32, #tpu.memory_space<vmem>>, vector<16xf32>,
    } {sc.loop_unroll_factor = 4 : i64, sc.parallel_access}
    %dma_start3A_349 = arith.constant 0 : i32
    %dma_start3A_350 = arith.constant 12288 : i32
    %dma_start3A_351 = tpu.memref_slice %arg9[%dma_start3A_349, %dma_start3A_350] : memref<3x16384xf32, #tpu.memory_space<vmem>> -> memref<3x2048xf32, #tpu.memory_space<vmem>>
    %dma_start3A_352 = arith.constant 0 : i32
    %dma_start3A_353 = arith.constant 12288 : i32
    %dma_start3A_354 = tpu.memref_slice %arg5[%add3A, %dma_start3A_352, %dma_start3A_353] : memref<32x3x16384xf32, #tpu.memory_space<hbm>> -> memref<1x3x2048xf32, #tpu.memory_space<hbm>>
    %dma_start3A_355 = tpu.memref_squeeze %dma_start3A_354 : memref<1x3x2048xf32, #tpu.memory_space<hbm>> -> memref<3x2048xf32, #tpu.memory_space<hbm>>
    %dma_start3A_356 = arith.constant 0 : i32
    %dma_start3A_357 = arith.constant 12288 : i32
    %dma_start3A_358 = tpu.memref_slice %arg5[%add3A, %dma_start3A_356, %dma_start3A_357] : memref<32x3x16384xf32, #tpu.memory_space<hbm>> -> memref<1x3x2048xf32, #tpu.memory_space<hbm>>
    %dma_start3A_359 = tpu.memref_squeeze %dma_start3A_358 : memref<1x3x2048xf32, #tpu.memory_space<hbm>> -> memref<3x2048xf32, #tpu.memory_space<hbm>>
    %dma_start3A_360 = arith.constant 0 : i32
    %dma_start3A_361 = arith.constant 12288 : i32
    %dma_start3A_362 = tpu.memref_slice %arg9[%dma_start3A_360, %dma_start3A_361] : memref<3x16384xf32, #tpu.memory_space<vmem>> -> memref<3x2048xf32, #tpu.memory_space<vmem>>
    tpu.enqueue_dma source(%dma_start3A_362 : memref<3x2048xf32, #tpu.memory_space<vmem>>) target(%dma_start3A_359 : memref<3x2048xf32, #tpu.memory_space<hbm>>) target_semaphore(%arg14 : memref<!tpu.dma_semaphore, #tpu.memory_space<semaphore_mem>>)
    %parallel_loop3A_363 = arith.constant 896 : i32
    %parallel_loop3A_364 = arith.constant 1024 : i32
    %parallel_loop3A_365 = arith.constant 1 : i32
    scf.for %parallel_loop3A_492 = %parallel_loop3A_363 to %parallel_loop3A_364 step %parallel_loop3A_365  : i32 {
      %parallel_loop3A_493 = arith.constant 16 : i32
      %parallel_loop3A_494 = arith.muli %parallel_loop3A_492, %parallel_loop3A_493 : i32
      %parallel_loop3A_495 = arith.index_cast %parallel_loop3A_494 : i32 to index
      %parallel_loop3A_496 = tpu.vector_load %arg6[%parallel_loop3A_495] {strides = array<i32>} : memref<16384xi32, #tpu.memory_space<vmem>>, vector<16xi32>,
      %parallel_loop3A_497 = arith.constant 0 : i32
      %parallel_loop3A_498 = vector.broadcast %parallel_loop3A_497 : i32 to vector<16xi32>
      %parallel_loop3A_499 = arith.addi %parallel_loop3A_496, %parallel_loop3A_498 : vector<16xi32>
      %parallel_loop3A_500 = tpu.vector_load_idx %arg8[%parallel_loop3A_499] : memref<24576xf32, #tpu.memory_space<vmem>>[vector<16xi32>], vector<16xf32>,
      %parallel_loop3A_501 = arith.constant 0 : i32
      %parallel_loop3A_502 = arith.index_cast %parallel_loop3A_501 : i32 to index
      %parallel_loop3A_503 = arith.index_cast %parallel_loop3A_494 : i32 to index
      %parallel_loop3A_504 = tpu.vector_load %arg9[%parallel_loop3A_502, %parallel_loop3A_503] {strides = array<i32>} : memref<3x16384xf32, #tpu.memory_space<vmem>>, vector<16xf32>,
      tpu.vector_store %arg9[%parallel_loop3A_502, %parallel_loop3A_503], %parallel_loop3A_500 {strides = array<i32>} : memref<3x16384xf32, #tpu.memory_space<vmem>>, vector<16xf32>,
      %parallel_loop3A_505 = arith.constant 8192 : i32
      %parallel_loop3A_506 = vector.broadcast %parallel_loop3A_505 : i32 to vector<16xi32>
      %parallel_loop3A_507 = arith.addi %parallel_loop3A_496, %parallel_loop3A_506 : vector<16xi32>
      %parallel_loop3A_508 = tpu.vector_load_idx %arg8[%parallel_loop3A_507] : memref<24576xf32, #tpu.memory_space<vmem>>[vector<16xi32>], vector<16xf32>,
      %parallel_loop3A_509 = arith.constant 1 : i32
      %parallel_loop3A_510 = arith.index_cast %parallel_loop3A_509 : i32 to index
      %parallel_loop3A_511 = arith.index_cast %parallel_loop3A_494 : i32 to index
      %parallel_loop3A_512 = tpu.vector_load %arg9[%parallel_loop3A_510, %parallel_loop3A_511] {strides = array<i32>} : memref<3x16384xf32, #tpu.memory_space<vmem>>, vector<16xf32>,
      tpu.vector_store %arg9[%parallel_loop3A_510, %parallel_loop3A_511], %parallel_loop3A_508 {strides = array<i32>} : memref<3x16384xf32, #tpu.memory_space<vmem>>, vector<16xf32>,
      %parallel_loop3A_513 = arith.constant 16384 : i32
      %parallel_loop3A_514 = vector.broadcast %parallel_loop3A_513 : i32 to vector<16xi32>
      %parallel_loop3A_515 = arith.addi %parallel_loop3A_496, %parallel_loop3A_514 : vector<16xi32>
      %parallel_loop3A_516 = tpu.vector_load_idx %arg8[%parallel_loop3A_515] : memref<24576xf32, #tpu.memory_space<vmem>>[vector<16xi32>], vector<16xf32>,
      %parallel_loop3A_517 = arith.constant 2 : i32
      %parallel_loop3A_518 = arith.index_cast %parallel_loop3A_517 : i32 to index
      %parallel_loop3A_519 = arith.index_cast %parallel_loop3A_494 : i32 to index
      %parallel_loop3A_520 = tpu.vector_load %arg9[%parallel_loop3A_518, %parallel_loop3A_519] {strides = array<i32>} : memref<3x16384xf32, #tpu.memory_space<vmem>>, vector<16xf32>,
      tpu.vector_store %arg9[%parallel_loop3A_518, %parallel_loop3A_519], %parallel_loop3A_516 {strides = array<i32>} : memref<3x16384xf32, #tpu.memory_space<vmem>>, vector<16xf32>,
    } {sc.loop_unroll_factor = 4 : i64, sc.parallel_access}
    %dma_start3A_366 = arith.constant 0 : i32
    %dma_start3A_367 = arith.constant 14336 : i32
    %dma_start3A_368 = tpu.memref_slice %arg9[%dma_start3A_366, %dma_start3A_367] : memref<3x16384xf32, #tpu.memory_space<vmem>> -> memref<3x2048xf32, #tpu.memory_space<vmem>>
    %dma_start3A_369 = arith.constant 0 : i32
    %dma_start3A_370 = arith.constant 14336 : i32
    %dma_start3A_371 = tpu.memref_slice %arg5[%add3A, %dma_start3A_369, %dma_start3A_370] : memref<32x3x16384xf32, #tpu.memory_space<hbm>> -> memref<1x3x2048xf32, #tpu.memory_space<hbm>>
    %dma_start3A_372 = tpu.memref_squeeze %dma_start3A_371 : memref<1x3x2048xf32, #tpu.memory_space<hbm>> -> memref<3x2048xf32, #tpu.memory_space<hbm>>
    %dma_start3A_373 = arith.constant 0 : i32
    %dma_start3A_374 = arith.constant 14336 : i32
    %dma_start3A_375 = tpu.memref_slice %arg5[%add3A, %dma_start3A_373, %dma_start3A_374] : memref<32x3x16384xf32, #tpu.memory_space<hbm>> -> memref<1x3x2048xf32, #tpu.memory_space<hbm>>
    %dma_start3A_376 = tpu.memref_squeeze %dma_start3A_375 : memref<1x3x2048xf32, #tpu.memory_space<hbm>> -> memref<3x2048xf32, #tpu.memory_space<hbm>>
    %dma_start3A_377 = arith.constant 0 : i32
    %dma_start3A_378 = arith.constant 14336 : i32
    %dma_start3A_379 = tpu.memref_slice %arg9[%dma_start3A_377, %dma_start3A_378] : memref<3x16384xf32, #tpu.memory_space<vmem>> -> memref<3x2048xf32, #tpu.memory_space<vmem>>
    tpu.enqueue_dma source(%dma_start3A_379 : memref<3x2048xf32, #tpu.memory_space<vmem>>) target(%dma_start3A_376 : memref<3x2048xf32, #tpu.memory_space<hbm>>) target_semaphore(%arg14 : memref<!tpu.dma_semaphore, #tpu.memory_space<semaphore_mem>>)
    %dma_wait3A_380 = arith.constant 0 : i32
    %dma_wait3A_381 = arith.constant 0 : i32
    %dma_wait3A_382 = tpu.memref_slice %arg9[%dma_wait3A_380, %dma_wait3A_381] : memref<3x16384xf32, #tpu.memory_space<vmem>> -> memref<3x2048xf32, #tpu.memory_space<vmem>>
    %dma_wait3A_383 = arith.constant 0 : i32
    %dma_wait3A_384 = arith.constant 0 : i32
    %dma_wait3A_385 = tpu.memref_slice %arg5[%add3A, %dma_wait3A_383, %dma_wait3A_384] : memref<32x3x16384xf32, #tpu.memory_space<hbm>> -> memref<1x3x2048xf32, #tpu.memory_space<hbm>>
    %dma_wait3A_386 = tpu.memref_squeeze %dma_wait3A_385 : memref<1x3x2048xf32, #tpu.memory_space<hbm>> -> memref<3x2048xf32, #tpu.memory_space<hbm>>
    %dma_wait3A_387 = arith.constant 0 : i32
    %dma_wait3A_388 = arith.constant 0 : i32
    %dma_wait3A_389 = tpu.memref_slice %arg5[%add3A, %dma_wait3A_387, %dma_wait3A_388] : memref<32x3x16384xf32, #tpu.memory_space<hbm>> -> memref<1x3x2048xf32, #tpu.memory_space<hbm>>
    %dma_wait3A_390 = tpu.memref_squeeze %dma_wait3A_389 : memref<1x3x2048xf32, #tpu.memory_space<hbm>> -> memref<3x2048xf32, #tpu.memory_space<hbm>>
    %dma_wait3A_391 = arith.constant 0 : i32
    %dma_wait3A_392 = arith.constant 0 : i32
    %dma_wait3A_393 = tpu.memref_slice %arg9[%dma_wait3A_391, %dma_wait3A_392] : memref<3x16384xf32, #tpu.memory_space<vmem>> -> memref<3x2048xf32, #tpu.memory_space<vmem>>
    tpu.wait_dma2 semaphore(%arg14 : memref<!tpu.dma_semaphore, #tpu.memory_space<semaphore_mem>>) src(%dma_wait3A_393 : memref<3x2048xf32, #tpu.memory_space<vmem>>) dst(%dma_wait3A_390 : memref<3x2048xf32, #tpu.memory_space<hbm>>)
    %dma_wait3A_394 = arith.constant 0 : i32
    %dma_wait3A_395 = arith.constant 2048 : i32
    %dma_wait3A_396 = tpu.memref_slice %arg9[%dma_wait3A_394, %dma_wait3A_395] : memref<3x16384xf32, #tpu.memory_space<vmem>> -> memref<3x2048xf32, #tpu.memory_space<vmem>>
    %dma_wait3A_397 = arith.constant 0 : i32
    %dma_wait3A_398 = arith.constant 2048 : i32
    %dma_wait3A_399 = tpu.memref_slice %arg5[%add3A, %dma_wait3A_397, %dma_wait3A_398] : memref<32x3x16384xf32, #tpu.memory_space<hbm>> -> memref<1x3x2048xf32, #tpu.memory_space<hbm>>
    %dma_wait3A_400 = tpu.memref_squeeze %dma_wait3A_399 : memref<1x3x2048xf32, #tpu.memory_space<hbm>> -> memref<3x2048xf32, #tpu.memory_space<hbm>>
    %dma_wait3A_401 = arith.constant 0 : i32
    %dma_wait3A_402 = arith.constant 2048 : i32
    %dma_wait3A_403 = tpu.memref_slice %arg5[%add3A, %dma_wait3A_401, %dma_wait3A_402] : memref<32x3x16384xf32, #tpu.memory_space<hbm>> -> memref<1x3x2048xf32, #tpu.memory_space<hbm>>
    %dma_wait3A_404 = tpu.memref_squeeze %dma_wait3A_403 : memref<1x3x2048xf32, #tpu.memory_space<hbm>> -> memref<3x2048xf32, #tpu.memory_space<hbm>>
    %dma_wait3A_405 = arith.constant 0 : i32
    %dma_wait3A_406 = arith.constant 2048 : i32
    %dma_wait3A_407 = tpu.memref_slice %arg9[%dma_wait3A_405, %dma_wait3A_406] : memref<3x16384xf32, #tpu.memory_space<vmem>> -> memref<3x2048xf32, #tpu.memory_space<vmem>>
    tpu.wait_dma2 semaphore(%arg14 : memref<!tpu.dma_semaphore, #tpu.memory_space<semaphore_mem>>) src(%dma_wait3A_407 : memref<3x2048xf32, #tpu.memory_space<vmem>>) dst(%dma_wait3A_404 : memref<3x2048xf32, #tpu.memory_space<hbm>>)
    %dma_wait3A_408 = arith.constant 0 : i32
    %dma_wait3A_409 = arith.constant 4096 : i32
    %dma_wait3A_410 = tpu.memref_slice %arg9[%dma_wait3A_408, %dma_wait3A_409] : memref<3x16384xf32, #tpu.memory_space<vmem>> -> memref<3x2048xf32, #tpu.memory_space<vmem>>
    %dma_wait3A_411 = arith.constant 0 : i32
    %dma_wait3A_412 = arith.constant 4096 : i32
    %dma_wait3A_413 = tpu.memref_slice %arg5[%add3A, %dma_wait3A_411, %dma_wait3A_412] : memref<32x3x16384xf32, #tpu.memory_space<hbm>> -> memref<1x3x2048xf32, #tpu.memory_space<hbm>>
    %dma_wait3A_414 = tpu.memref_squeeze %dma_wait3A_413 : memref<1x3x2048xf32, #tpu.memory_space<hbm>> -> memref<3x2048xf32, #tpu.memory_space<hbm>>
    %dma_wait3A_415 = arith.constant 0 : i32
    %dma_wait3A_416 = arith.constant 4096 : i32
    %dma_wait3A_417 = tpu.memref_slice %arg5[%add3A, %dma_wait3A_415, %dma_wait3A_416] : memref<32x3x16384xf32, #tpu.memory_space<hbm>> -> memref<1x3x2048xf32, #tpu.memory_space<hbm>>
    %dma_wait3A_418 = tpu.memref_squeeze %dma_wait3A_417 : memref<1x3x2048xf32, #tpu.memory_space<hbm>> -> memref<3x2048xf32, #tpu.memory_space<hbm>>
    %dma_wait3A_419 = arith.constant 0 : i32
    %dma_wait3A_420 = arith.constant 4096 : i32
    %dma_wait3A_421 = tpu.memref_slice %arg9[%dma_wait3A_419, %dma_wait3A_420] : memref<3x16384xf32, #tpu.memory_space<vmem>> -> memref<3x2048xf32, #tpu.memory_space<vmem>>
    tpu.wait_dma2 semaphore(%arg14 : memref<!tpu.dma_semaphore, #tpu.memory_space<semaphore_mem>>) src(%dma_wait3A_421 : memref<3x2048xf32, #tpu.memory_space<vmem>>) dst(%dma_wait3A_418 : memref<3x2048xf32, #tpu.memory_space<hbm>>)
    %dma_wait3A_422 = arith.constant 0 : i32
    %dma_wait3A_423 = arith.constant 6144 : i32
    %dma_wait3A_424 = tpu.memref_slice %arg9[%dma_wait3A_422, %dma_wait3A_423] : memref<3x16384xf32, #tpu.memory_space<vmem>> -> memref<3x2048xf32, #tpu.memory_space<vmem>>
    %dma_wait3A_425 = arith.constant 0 : i32
    %dma_wait3A_426 = arith.constant 6144 : i32
    %dma_wait3A_427 = tpu.memref_slice %arg5[%add3A, %dma_wait3A_425, %dma_wait3A_426] : memref<32x3x16384xf32, #tpu.memory_space<hbm>> -> memref<1x3x2048xf32, #tpu.memory_space<hbm>>
    %dma_wait3A_428 = tpu.memref_squeeze %dma_wait3A_427 : memref<1x3x2048xf32, #tpu.memory_space<hbm>> -> memref<3x2048xf32, #tpu.memory_space<hbm>>
    %dma_wait3A_429 = arith.constant 0 : i32
    %dma_wait3A_430 = arith.constant 6144 : i32
    %dma_wait3A_431 = tpu.memref_slice %arg5[%add3A, %dma_wait3A_429, %dma_wait3A_430] : memref<32x3x16384xf32, #tpu.memory_space<hbm>> -> memref<1x3x2048xf32, #tpu.memory_space<hbm>>
    %dma_wait3A_432 = tpu.memref_squeeze %dma_wait3A_431 : memref<1x3x2048xf32, #tpu.memory_space<hbm>> -> memref<3x2048xf32, #tpu.memory_space<hbm>>
    %dma_wait3A_433 = arith.constant 0 : i32
    %dma_wait3A_434 = arith.constant 6144 : i32
    %dma_wait3A_435 = tpu.memref_slice %arg9[%dma_wait3A_433, %dma_wait3A_434] : memref<3x16384xf32, #tpu.memory_space<vmem>> -> memref<3x2048xf32, #tpu.memory_space<vmem>>
    tpu.wait_dma2 semaphore(%arg14 : memref<!tpu.dma_semaphore, #tpu.memory_space<semaphore_mem>>) src(%dma_wait3A_435 : memref<3x2048xf32, #tpu.memory_space<vmem>>) dst(%dma_wait3A_432 : memref<3x2048xf32, #tpu.memory_space<hbm>>)
    %dma_wait3A_436 = arith.constant 0 : i32
    %dma_wait3A_437 = arith.constant 8192 : i32
    %dma_wait3A_438 = tpu.memref_slice %arg9[%dma_wait3A_436, %dma_wait3A_437] : memref<3x16384xf32, #tpu.memory_space<vmem>> -> memref<3x2048xf32, #tpu.memory_space<vmem>>
    %dma_wait3A_439 = arith.constant 0 : i32
    %dma_wait3A_440 = arith.constant 8192 : i32
    %dma_wait3A_441 = tpu.memref_slice %arg5[%add3A, %dma_wait3A_439, %dma_wait3A_440] : memref<32x3x16384xf32, #tpu.memory_space<hbm>> -> memref<1x3x2048xf32, #tpu.memory_space<hbm>>
    %dma_wait3A_442 = tpu.memref_squeeze %dma_wait3A_441 : memref<1x3x2048xf32, #tpu.memory_space<hbm>> -> memref<3x2048xf32, #tpu.memory_space<hbm>>
    %dma_wait3A_443 = arith.constant 0 : i32
    %dma_wait3A_444 = arith.constant 8192 : i32
    %dma_wait3A_445 = tpu.memref_slice %arg5[%add3A, %dma_wait3A_443, %dma_wait3A_444] : memref<32x3x16384xf32, #tpu.memory_space<hbm>> -> memref<1x3x2048xf32, #tpu.memory_space<hbm>>
    %dma_wait3A_446 = tpu.memref_squeeze %dma_wait3A_445 : memref<1x3x2048xf32, #tpu.memory_space<hbm>> -> memref<3x2048xf32, #tpu.memory_space<hbm>>
    %dma_wait3A_447 = arith.constant 0 : i32
    %dma_wait3A_448 = arith.constant 8192 : i32
    %dma_wait3A_449 = tpu.memref_slice %arg9[%dma_wait3A_447, %dma_wait3A_448] : memref<3x16384xf32, #tpu.memory_space<vmem>> -> memref<3x2048xf32, #tpu.memory_space<vmem>>
    tpu.wait_dma2 semaphore(%arg14 : memref<!tpu.dma_semaphore, #tpu.memory_space<semaphore_mem>>) src(%dma_wait3A_449 : memref<3x2048xf32, #tpu.memory_space<vmem>>) dst(%dma_wait3A_446 : memref<3x2048xf32, #tpu.memory_space<hbm>>)
    %dma_wait3A_450 = arith.constant 0 : i32
    %dma_wait3A_451 = arith.constant 10240 : i32
    %dma_wait3A_452 = tpu.memref_slice %arg9[%dma_wait3A_450, %dma_wait3A_451] : memref<3x16384xf32, #tpu.memory_space<vmem>> -> memref<3x2048xf32, #tpu.memory_space<vmem>>
    %dma_wait3A_453 = arith.constant 0 : i32
    %dma_wait3A_454 = arith.constant 10240 : i32
    %dma_wait3A_455 = tpu.memref_slice %arg5[%add3A, %dma_wait3A_453, %dma_wait3A_454] : memref<32x3x16384xf32, #tpu.memory_space<hbm>> -> memref<1x3x2048xf32, #tpu.memory_space<hbm>>
    %dma_wait3A_456 = tpu.memref_squeeze %dma_wait3A_455 : memref<1x3x2048xf32, #tpu.memory_space<hbm>> -> memref<3x2048xf32, #tpu.memory_space<hbm>>
    %dma_wait3A_457 = arith.constant 0 : i32
    %dma_wait3A_458 = arith.constant 10240 : i32
    %dma_wait3A_459 = tpu.memref_slice %arg5[%add3A, %dma_wait3A_457, %dma_wait3A_458] : memref<32x3x16384xf32, #tpu.memory_space<hbm>> -> memref<1x3x2048xf32, #tpu.memory_space<hbm>>
    %dma_wait3A_460 = tpu.memref_squeeze %dma_wait3A_459 : memref<1x3x2048xf32, #tpu.memory_space<hbm>> -> memref<3x2048xf32, #tpu.memory_space<hbm>>
    %dma_wait3A_461 = arith.constant 0 : i32
    %dma_wait3A_462 = arith.constant 10240 : i32
    %dma_wait3A_463 = tpu.memref_slice %arg9[%dma_wait3A_461, %dma_wait3A_462] : memref<3x16384xf32, #tpu.memory_space<vmem>> -> memref<3x2048xf32, #tpu.memory_space<vmem>>
    tpu.wait_dma2 semaphore(%arg14 : memref<!tpu.dma_semaphore, #tpu.memory_space<semaphore_mem>>) src(%dma_wait3A_463 : memref<3x2048xf32, #tpu.memory_space<vmem>>) dst(%dma_wait3A_460 : memref<3x2048xf32, #tpu.memory_space<hbm>>)
    %dma_wait3A_464 = arith.constant 0 : i32
    %dma_wait3A_465 = arith.constant 12288 : i32
    %dma_wait3A_466 = tpu.memref_slice %arg9[%dma_wait3A_464, %dma_wait3A_465] : memref<3x16384xf32, #tpu.memory_space<vmem>> -> memref<3x2048xf32, #tpu.memory_space<vmem>>
    %dma_wait3A_467 = arith.constant 0 : i32
    %dma_wait3A_468 = arith.constant 12288 : i32
    %dma_wait3A_469 = tpu.memref_slice %arg5[%add3A, %dma_wait3A_467, %dma_wait3A_468] : memref<32x3x16384xf32, #tpu.memory_space<hbm>> -> memref<1x3x2048xf32, #tpu.memory_space<hbm>>
    %dma_wait3A_470 = tpu.memref_squeeze %dma_wait3A_469 : memref<1x3x2048xf32, #tpu.memory_space<hbm>> -> memref<3x2048xf32, #tpu.memory_space<hbm>>
    %dma_wait3A_471 = arith.constant 0 : i32
    %dma_wait3A_472 = arith.constant 12288 : i32
    %dma_wait3A_473 = tpu.memref_slice %arg5[%add3A, %dma_wait3A_471, %dma_wait3A_472] : memref<32x3x16384xf32, #tpu.memory_space<hbm>> -> memref<1x3x2048xf32, #tpu.memory_space<hbm>>
    %dma_wait3A_474 = tpu.memref_squeeze %dma_wait3A_473 : memref<1x3x2048xf32, #tpu.memory_space<hbm>> -> memref<3x2048xf32, #tpu.memory_space<hbm>>
    %dma_wait3A_475 = arith.constant 0 : i32
    %dma_wait3A_476 = arith.constant 12288 : i32
    %dma_wait3A_477 = tpu.memref_slice %arg9[%dma_wait3A_475, %dma_wait3A_476] : memref<3x16384xf32, #tpu.memory_space<vmem>> -> memref<3x2048xf32, #tpu.memory_space<vmem>>
    tpu.wait_dma2 semaphore(%arg14 : memref<!tpu.dma_semaphore, #tpu.memory_space<semaphore_mem>>) src(%dma_wait3A_477 : memref<3x2048xf32, #tpu.memory_space<vmem>>) dst(%dma_wait3A_474 : memref<3x2048xf32, #tpu.memory_space<hbm>>)
    %dma_wait3A_478 = arith.constant 0 : i32
    %dma_wait3A_479 = arith.constant 14336 : i32
    %dma_wait3A_480 = tpu.memref_slice %arg9[%dma_wait3A_478, %dma_wait3A_479] : memref<3x16384xf32, #tpu.memory_space<vmem>> -> memref<3x2048xf32, #tpu.memory_space<vmem>>
    %dma_wait3A_481 = arith.constant 0 : i32
    %dma_wait3A_482 = arith.constant 14336 : i32
    %dma_wait3A_483 = tpu.memref_slice %arg5[%add3A, %dma_wait3A_481, %dma_wait3A_482] : memref<32x3x16384xf32, #tpu.memory_space<hbm>> -> memref<1x3x2048xf32, #tpu.memory_space<hbm>>
    %dma_wait3A_484 = tpu.memref_squeeze %dma_wait3A_483 : memref<1x3x2048xf32, #tpu.memory_space<hbm>> -> memref<3x2048xf32, #tpu.memory_space<hbm>>
    %dma_wait3A_485 = arith.constant 0 : i32
    %dma_wait3A_486 = arith.constant 14336 : i32
    %dma_wait3A_487 = tpu.memref_slice %arg5[%add3A, %dma_wait3A_485, %dma_wait3A_486] : memref<32x3x16384xf32, #tpu.memory_space<hbm>> -> memref<1x3x2048xf32, #tpu.memory_space<hbm>>
    %dma_wait3A_488 = tpu.memref_squeeze %dma_wait3A_487 : memref<1x3x2048xf32, #tpu.memory_space<hbm>> -> memref<3x2048xf32, #tpu.memory_space<hbm>>
    %dma_wait3A_489 = arith.constant 0 : i32
    %dma_wait3A_490 = arith.constant 14336 : i32
    %dma_wait3A_491 = tpu.memref_slice %arg9[%dma_wait3A_489, %dma_wait3A_490] : memref<3x16384xf32, #tpu.memory_space<vmem>> -> memref<3x2048xf32, #tpu.memory_space<vmem>>
    tpu.wait_dma2 semaphore(%arg14 : memref<!tpu.dma_semaphore, #tpu.memory_space<semaphore_mem>>) src(%dma_wait3A_491 : memref<3x2048xf32, #tpu.memory_space<vmem>>) dst(%dma_wait3A_488 : memref<3x2048xf32, #tpu.memory_space<hbm>>)
    return
  }
}

</mosaic_0001>

<sc_bundles>
// kernel: _sc_embed.3.cloned.1.call-start
scs
__scs_entry_jumppad:
0x0: {  	(pc) =	sbr.rel $0x88, $3  }
0x1: {  	(tag) =	ssettag $0x0;
	lr =	simm.s32 $0x1  }
0x2: {  	[smem:$0x3F9E] =	sst lr;
	_ =	strace $0xD0000000  }
0x3: {  	_ = 	snop  }
0x4: {  	_ = 	snop  }
0x5: {  	_ = 	snop  }
0x6: {  	_ = 	snop  }
0x7: {  	_ = 	snop  }
__scs_overlays_trampoline_lowered:
0x8: {  	[smem:$0x3FAD] =	sst s0  }
0x9: {  	[smem:$0x3FAE] =	sst s1  }
0xa: {  	[smem:$0x3FAF] =	sst s2  }
0xb: {  	[smem:$0x3FB0] =	sst s3  }
0xc: {  	[smem:$0x3FB1] =	sst s4  }
0xd: {  	[smem:$0x3FB2] =	sst s5  }
0xe: {  	[smem:$0x3FB3] =	sst s6  }
0xf: {  	[smem:$0x3FB4] =	sst s7  }
0x10: {  	[smem:$0x3FB5] =	sst s8  }
0x11: {  	[smem:$0x3FB6] =	sst s9;
	s0 =	simm.s32 @!p0 $0x0  }
0x12: {  	s1 =	sld [smem:$0x3F9C];
	s0 =	simm.s32 @p0 $0x1  }
0x13: {  	[smem:$0x3FB7] =	sst s0;
	s0 =	simm.s32 @!p1 $0x0  }
0x14: {  	s2 =	sld [smem:$0x3F9B];
	s0 =	simm.s32 @p1 $0x1  }
0x15: {  	[smem:$0x3FB8] =	sst s0;
	s0 =	simm.s32 @!p2 $0x0  }
0x16: {  	s3 =	sld [smem:$0x3FDB];
	s0 =	simm.s32 @p2 $0x1  }
0x17: {  	s4 =	simm.s32 $0x1BF5;
	[smem:$0x3FBA] =	sst s0  }
0x18: {  	s0 =	sld [smem:$0x3F9D];
	_ =	swait.ge [sflag:s4], $0x0  }
0x19: {  	s7 =	sld [smem:$0x3F9E]  }
0x1a: {  	s8 =	sadd.s32 $0xFFFFE003, lr  }
0x1b: {  	s9 =	sadd.s32 $0xFFFFFEF7, lr;
	s5 =	simm.s32 $0xFFFFFFFF;
	p2 =	slt.u32 s8, $0xFFFFF086  }
0x1c: {  	p1 =	slt.u32 s9, $0xF7A;
	s5 =	simm.s32 @!p2 $0x0  }
0x1d: {  	s5 =	simm.s32 @p1 $0x1;
	p0 =	seq.s32 s7, s2  }
0x1e: {  	s7 =	smul.u32 @!p0 $0xF7A, s2;
	p2 =	seq.s32 @!p0 s5, $0x0  }
0x1f: {  	s9 =	smul.u32 $0xF7A, s1;
	s8 =	simm.s32 @!p0 $0x1BF5;
	p2 =	por !p2, p0  }
0x20: {  	[sflag:s8] =	ssyncset.s32 @!p0 $0xFFFFF086;
	s6 =	sadd.s32 @!p0 s3, s7;
	s7 =	simm.s32 @!p0 $0x108  }
0x21: {  	s3 =	sadd.s32 s3, s9;
	s6 =	sadd.s32 @!p0 $0x88, s6;
	s7 =	simm.s32 @p2 $0x1082  }
0x22: {  	[simem:s7], [sflag:s8] =	dma.local @!p0 [hbm:s6], $0xF7A  }
0x23: {  	s9 =	sor.u32 $0xD0000000, s2;
	s6 =	simm.s32 $0x108;
	_ =	swait.ge @!p0 [sflag:s8], $0x0  }
0x24: {  	s3 =	sadd.s32 $0x88, s3;
	s6 =	simm.s32 @!p1 $0x1082;
	[sflag:s4] =	ssyncset.s32 $0xFFFFF086  }
0x25: {  	[simem:s6], [sflag:s4] =	dma.local [hbm:s3], $0xF7A  }
0x26: {  	[smem:$0x3F9E] =	sst s1;
	(tag) =	ssettag s2;
	_ =	strace s9  }
0x27: {  	s1 =	sld [smem:$0x3FAE]  }
0x28: {  	s2 =	sld [smem:$0x3FAF]  }
0x29: {  	s4 =	sld [smem:$0x3FB1]  }
0x2a: {  	p0 =	seq.s32 s5, $0x0;
	s5 =	sld [smem:$0x3FB2]  }
0x2b: {  	s6 =	sld [smem:$0x3FB3]  }
0x2c: {  	s7 =	sld [smem:$0x3FB4]  }
0x2d: {  	s3 =	simm.s32 $0x108;
	s8 =	sld [smem:$0x3FB5]  }
0x2e: {  	s3 =	simm.s32 @!p0 $0x1082;
	s9 =	sld [smem:$0x3FB6]  }
0x2f: {  	lr =	sadd.s32 s0, s3;
	s0 =	sld [smem:$0x3FAD]  }
0x30: {  	s3 =	sld [smem:$0x3FB0]  }
0x31: {  	[smem:$0x3FB9] =	sst s10  }
0x32: {  	s10 =	sld [smem:$0x3FB7];
	_ =	sdelay $0x3  }
0x33: {  	p0 =	seq.s32 s10, $0x1;
	s10 =	sld [smem:$0x3FB9];
	_ =	sdelay $0x3  }
0x34: {  	[smem:$0x3FB9] =	sst s10  }
0x35: {  	s10 =	sld [smem:$0x3FB8];
	_ =	sdelay $0x3  }
0x36: {  	p1 =	seq.s32 s10, $0x1;
	s10 =	sld [smem:$0x3FB9];
	_ =	sdelay $0x3  }
0x37: {  	[smem:$0x3FB9] =	sst s10  }
0x38: {  	s10 =	sld [smem:$0x3FBA]  }
0x39: {  	_ = 	snop;
	(pc) =	sbr.ind lr, $3  }
0x3a: {  	_ = 	snop  }
0x3b: {  	_ = 	snop  }
0x3c: {  	p2 =	seq.s32 s10, $0x1;
	s10 =	sld [smem:$0x3FB9]  }
0x3d: {  	_ =	shalt  }
0x3e: {  	_ =	shalt  }
0x3f: {  	_ =	shalt  }
0x40: {  	_ =	shalt  }
0x41: {  	_ =	shalt  }
0x42: {  	_ =	shalt  }
0x43: {  	_ =	shalt  }
0x44: {  	_ =	shalt  }
0x45: {  	_ =	shalt  }
0x46: {  	_ =	shalt  }
0x47: {  	_ =	shalt  }
0x48: {  	_ =	shalt  }
0x49: {  	_ =	shalt  }
0x4a: {  	_ =	shalt  }
0x4b: {  	_ =	shalt  }
0x4c: {  	_ =	shalt  }
0x4d: {  	_ =	shalt  }
0x4e: {  	_ =	shalt  }
0x4f: {  	_ =	shalt  }
0x50: {  	_ =	shalt  }
0x51: {  	_ =	shalt  }
0x52: {  	_ =	shalt  }
0x53: {  	_ =	shalt  }
0x54: {  	_ =	shalt  }
0x55: {  	_ =	shalt  }
0x56: {  	_ =	shalt  }
0x57: {  	_ =	shalt  }
0x58: {  	_ =	shalt  }
0x59: {  	_ =	shalt  }
0x5a: {  	_ =	shalt  }
0x5b: {  	_ =	shalt  }
0x5c: {  	_ =	shalt  }
0x5d: {  	_ =	shalt  }
0x5e: {  	_ =	shalt  }
0x5f: {  	_ =	shalt  }
0x60: {  	_ =	shalt  }
0x61: {  	_ =	shalt  }
0x62: {  	_ =	shalt  }
0x63: {  	_ =	shalt  }
0x64: {  	_ =	shalt  }
0x65: {  	_ =	shalt  }
0x66: {  	_ =	shalt  }
0x67: {  	_ =	shalt  }
0x68: {  	_ =	shalt  }
0x69: {  	_ =	shalt  }
0x6a: {  	_ =	shalt  }
0x6b: {  	_ =	shalt  }
0x6c: {  	_ =	shalt  }
0x6d: {  	_ =	shalt  }
0x6e: {  	_ =	shalt  }
0x6f: {  	_ =	shalt  }
0x70: {  	_ =	shalt  }
0x71: {  	_ =	shalt  }
0x72: {  	_ =	shalt  }
0x73: {  	_ =	shalt  }
0x74: {  	_ =	shalt  }
0x75: {  	_ =	shalt  }
0x76: {  	_ =	shalt  }
0x77: {  	_ =	shalt  }
0x78: {  	_ =	shalt  }
0x79: {  	_ =	shalt  }
0x7a: {  	_ =	shalt  }
0x7b: {  	_ =	shalt  }
0x7c: {  	_ =	shalt  }
0x7d: {  	_ =	shalt  }
0x7e: {  	_ =	shalt  }
0x7f: {  	_ =	shalt  }
0x80: {  	_ =	shalt  }
0x81: {  	_ =	shalt  }
0x82: {  	_ =	shalt  }
0x83: {  	_ =	shalt  }
0x84: {  	_ =	shalt  }
0x85: {  	_ =	shalt  }
0x86: {  	_ =	shalt  }
0x87: {  	_ =	shalt  }
.Lfunc_end0:
.L_simem_size_0:
called_computation_lowered:
.L_overlay_start_0:
0x88: {  	s2 =	sld [smem:$0x3FD9]  }
0x89: {  	s3 =	sld [smem:$0x3FFE];
	_ =	sdelay $0x1  }
0x8a: {  	s1 =	srdreg.scid  }
0x8b: {  	s0 =	sand.u32 $0x1, s1  }
0x8c: {  	s18 =	sshll.u32 s0, $0xA;
	s2 =	sadd.s32 s3, s2  }
0x8d: {  	s2 =	sadd.s32 s2, s18  }
0x8e: {  	[smem:$0x3FC5] =	sst s2  }
0x8f: {  	_ = 	snop  }
0x90: {  	s2 =	sld [smem:$0x3FC9]  }
0x91: {  	s19 =	sld [smem:$0x3FC8]  }
0x92: {  	s4 =	sld [smem:$0x3FC7]  }
0x93: {  	s5 =	sld [smem:$0x3FD0];
	(tm) =	ssettm $0x1  }
0x94: {  	s6 =	sld [smem:$0x3FFB];
	_ =	sdelay $0x3  }
0x95: {  	_ =	strace s6  }
0x96: {  	s6 =	sld [smem:$0x3FFC];
	_ =	sdelay $0x3  }
0x97: {  	_ =	strace s6  }
0x98: {  	s6 =	sld [smem:$0x3FFD];
	_ =	sdelay $0x3  }
0x99: {  	_ =	strace s6  }
0x9a: {  	_ =	strace $0x8FFFFFFF  }
0x9b: {  	s20 =	sld [smem:$0x3FDB];
	_ =	sdelay $0x1  }
0x9c: {  	s7 =	simm.s32 $_scs_section_size  }
0x9d: {  	s8 =	simm.s32 $_size__tile_overlayer_lowered;
	s9 =	simm.s32 $_tile_overlayer_lowered  }
0x9e: {  	s23 =	simm.s32 $0x1BFF;
	s22 =	sshll.u32 s9, $0x1;
	s6 =	sadd.s32 s7, s20  }
0x9f: {  	s10 =	simm.s32 $0x0;
	s21 =	sshll.u32 s8, $0x1;
	s8 =	sadd.s32 s22, s6  }
0xa0: {  	[timem:s10], [sflag:s23] =	dma.local [hbm:s8], s21  }
0xa1: {  	_ =	swait.ge [sflag:s23], s21  }
0xa2: {  	s7 =	ssub.s32 $0x0, s21;
	[sflag:s23] =	ssyncset.done $0x0  }
0xa3: {  	[sflag:s23] =	ssyncadd.s32 s7;
	_ =	sdelay $0x1  }
0xa4: {  	s24 =	simm.s32 $0x1B8B  }
0xa5: {  	_ =	swait.ge [sflag:s24], $0x1  }
0xa6: {  	[sflag:s24] =	ssyncset.done $0x0  }
0xa7: {  	s25 =	simm.s32 $0x1B8E;
	[sflag:s24] =	ssyncadd.s32 $0xFFFFFFFF  }
0xa8: {  	s26 =	simm.s32 $execute0_lowered;
	[smem:$0x3FD2] =	sst s25  }
0xa9: {  	s7 =	sshll.u32 s26, $0x1;
	_ =	strace $0x80000046;
	[dreg:$0x1] =	wrdreg $0xFFFFFFFF  }
0xaa: {  	s28 =	simm.s32 $_size_execute0_lowered;
	s6 =	sadd.s32 s6, s7;
	[dreg:$0x0] =	wrdreg $0x0  }
0xab: {  	s7 =	sshll.u32 s28, $0x1;
	[dreg:$0x2] =	wrdreg s6  }
0xac: {  	[dreg:$0x3] =	wrdreg s7  }
0xad: {  	[dreg:$0x4] =	wrdreg $0xC0  }
0xae: {  	_ =	task [dreg:s10], $0x5FFFF  }
0xaf: {  	[dreg:$0x1] =	wrdreg $0xFFFFFFFF  }
0xb0: {  	[dreg:$0x0] =	wrdreg $0x60  }
0xb1: {  	[dreg:$0x2] =	wrdreg s2  }
0xb2: {  	[dreg:$0x3] =	wrdreg s19  }
0xb3: {  	[dreg:$0x4] =	wrdreg s4  }
0xb4: {  	[dreg:$0x5] =	wrdreg s5  }
0xb5: {  	[dreg:$0x6] =	wrdreg $0x1C0100  }
0xb6: {  	[dreg:$0x7] =	wrdreg $0x9  }
0xb7: {  	_ =	task.clear_ibuf [dreg:s10], $0x8FFFF;
	_ =	strace $0x90000046  }
0xb8: {  	s29 =	simm.s32 $0x9;
	_ =	strace $0x80000048  }
0xb9: {  	_ =	swait.ge [sflag:s29], $0x1  }
0xba: {  	[sflag:s29] =	ssyncadd.s32 $0xFFFFFFFF  }
0xbb: {  	_ =	strace $0x90000048  }
0xbc: {  	_ =	sfence  }
0xbd: {  	s30 =	sld [smem:$0x0];
	_ =	sdelay $0x2  }
0xbe: {  	s31 =	sshll.u32 s1, $0xD;
	s1 =	sshrl.u32 s1, $0x2  }
0xbf: {  	s3 =	sand.u32 $0x4000, s31;
	s1 =	sadd.s32 s1, s30  }
0xc0: {  	s0 =	sor.u32 s3, s0;
	s1 =	sshll.u32 s1, $0x11  }
0xc1: {  	s0 =	sor.u32 s1, s0  }
0xc2: {  	s0 =	sadd.s32 $0x8F2B, s0  }
0xc3: {  	[sflag:s0] =	ssyncadd.remote.s32 $0x1  }
0xc4: {  	_ =	sfence.sel $0xFFFF  }
0xc5: {  	[dreg:$0x0] =	wrdreg $0xFFFFFFFF;
	(pc) =	sbr.abs _section_cstart, $3  }
0xc6: {  	[dreg:$0x1] =	wrdreg $0xFFFFFFFF  }
0xc7: {  	_ =	task.clear_ibuf [dreg:s10], $0x2FFFF;
	_ =	strace $0x9FFFFFFF  }
0xc8: {  	(tm) =	ssettm $0x7FFFFFFF  }
0xc9: {  	_ =	shalt  }
tec
execute0_lowered:
.L_overlay_start_1:
0x0: {  	(tag) =	ssettag $0x1  }
0x1: {  	s0 =	rddreg [dreg:$0x0]  }
0x2: {  	s1 =	rddreg [dreg:$0x3]  }
0x3: {  	s8 =	rddreg [dreg:$0x4]  }
0x4: {  	s2 =	srdreg.scid;
	s3 =	stileid.u32  }
0x5: {  	s4 =	simm.s32 $0x0;
	s28 =	simm.s32 $0x4;
	s29 =	simm.s32 $0x5  }
0x6: {  	s30 =	simm.s32 $0x6;
	s31 =	simm.s32 $0x7;
	s2 =	sand.u32 $0x1, s2  }
0x7: {  	s5 =	sshll.u32 s3, $0x1;
	[smem:$0x7FF] =	sst s4;
	s20 =	sadd.s32 $0x2000, s8  }
0x8: {  	s21 =	sadd.s32 $0x4000, s8;
	s22 =	sadd.s32 $0x800, s8;
	s23 =	sadd.s32 $0x2800, s8  }
0x9: {  	s24 =	sadd.s32 $0x4800, s8;
	_ =	strace $0x80000047;
	[dreg:$0x7] =	wrdreg s20  }
0xa: {  	s26 =	sadd.s32 $0x1000, s8;
	s12 =	sadd.s32 $0x3000, s8;
	[dreg:$0x8] =	wrdreg s21  }
0xb: {  	s13 =	sadd.s32 $0x5000, s8;
	s14 =	sadd.s32 $0x1800, s8;
	[dreg:$0x9] =	wrdreg s22  }
0xc: {  	s15 =	sadd.s32 $0x3800, s8;
	s17 =	sadd.s32 $0x5800, s8;
	[dreg:$0xa] =	wrdreg s23  }
0xd: {  	p0 =	sne.s32 s3, $0x0;
	s3 =	simm.s32 $0xA000;
	[dreg:$0xb] =	wrdreg s24  }
0xe: {  	s6 =	ssub.s32 $0x2, s2;
	s2 =	sor.u32 s2, s5;
	[dreg:$0xc] =	wrdreg s26  }
0xf: {  	s26 =	sshrl.u32 @!p0 s8, $0x3;
	s19 =	sshrl.u32 s6, $0x1;
	s7 =	sshll.u32 s2, $0xB  }
0x10: {  	s25 =	smul.u32 $0x1800, s2;
	s2 =	simm.s32 $0x2;
	s0 =	sadd.s32 s0, s7  }
0x11: {  	s5 =	ssub.s32 s6, s19;
	s6 =	simm.s32 $0x0;
	[dreg:$0x6] =	wrdreg s0  }
0x12: {  	v0 =	vimm.s32 $0x1;
	v1 =	vimm.s32 $0x2;
	v2 =	vimm.s32 $0x3;
	s16 =	sadd.s32 s1, s25;
	s25 =	smax.u32 s5, $0x1;
	s0 =	simm.s32 $0x1C000  }
0x13: {  	v3 =	vimm.s32 $0x4;
	v4 =	vimm.s32 $0x5;
	v5 =	vimm.s32 $0x6;
	s1 =	simm.s32 $0x1;
	s5 =	simm.s32 $0x3;
	s18 =	sadd.s32 $0x100, s16  }
0x14: {  	v6 =	vimm.s32 $0x7;
	v7 =	vimm.s32 $0x8;
	v8 =	vimm.s32 $0x9;
	s19 =	sadd.s32 $0x200, s16;
	s20 =	sadd.s32 $0x300, s16;
	s21 =	sadd.s32 $0x400, s16  }
0x15: {  	v9 =	vimm.s32 $0xA;
	v10 =	vimm.s32 $0xB;
	v11 =	vimm.s32 $0xC;
	s22 =	sadd.s32 $0x500, s16;
	s23 =	sadd.s32 $0x600, s16;
	s24 =	sadd.s32 $0x700, s16  }
.LBB2_1:
0x16: {  	s7 =	rddreg [dreg:$0x6]  }
0x17: {  	[tilespmem:s4], [sflag:$0x1] =	stream.linear.gather [hbm4b:s7+s4], $0x4000, $0x38;
	[tilespmem:$0x1C610] =	vst v63  }
0x18: {  	s8 =	rddreg [dreg:$0x1];
	s7 =	simm.s32 @!p0 $0x1C08  }
0x19: {  	[spmem:s26], [sflag:s7] =	dma.local @!p0 [hbm:s8], $0xC00  }
0x1a: {  	s7 =	simm.s32 @!p0 $0x8  }
0x1b: {  	_ =	swait.ge @!p0 [sflag:s7], $0xC00  }
0x1c: {  	[sflag:s7] =	ssyncset.done @!p0 $0x0  }
0x1d: {  	[sflag:s7] =	ssyncadd.s32 @!p0 $0xFFFFF400  }
0x1e: {  	[bflag:$0x0] =	sbarrier.arrive $0xFFFF  }
0x1f: {  	s9 =	simm.s32 $0x4000;
	s8 =	rddreg [dreg:$0x4]  }
0x20: {  	[tilespmem:s9], [sflag:$0x4] =	stream.linear.gather [spmem:s8], $0x800, $0x38;
	[tilespmem:$0x1C610] =	vst v63  }
0x21: {  	s11 =	simm.s32 $0x6000;
	s10 =	rddreg [dreg:$0x7]  }
0x22: {  	[tilespmem:s11], [sflag:$0x4] =	stream.linear.gather [spmem:s10], $0x800, $0x38;
	[tilespmem:$0x1C610] =	vst v63  }
0x23: {  	s8 =	rddreg [dreg:$0x8];
	s9 =	simm.s32 $0x8000  }
0x24: {  	[tilespmem:s9], [sflag:$0x4] =	stream.linear.gather [spmem:s8], $0x800, $0x38;
	[tilespmem:$0x1C610] =	vst v63  }
0x25: {  	s10 =	rddreg [dreg:$0x9];
	s11 =	simm.s32 $0x4800  }
0x26: {  	[tilespmem:s11], [sflag:$0x5] =	stream.linear.gather [spmem:s10], $0x800, $0x38;
	[tilespmem:$0x1C610] =	vst v63  }
0x27: {  	s8 =	rddreg [dreg:$0xa];
	s9 =	simm.s32 $0x6800  }
0x28: {  	[tilespmem:s9], [sflag:$0x5] =	stream.linear.gather [spmem:s8], $0x800, $0x38;
	[tilespmem:$0x1C610] =	vst v63  }
0x29: {  	s10 =	rddreg [dreg:$0xb];
	s11 =	simm.s32 $0x8800  }
0x2a: {  	[tilespmem:s11], [sflag:$0x5] =	stream.linear.gather [spmem:s10], $0x800, $0x38;
	[tilespmem:$0x1C610] =	vst v63  }
0x2b: {  	s8 =	rddreg [dreg:$0xc];
	s9 =	simm.s32 $0x5000  }
0x2c: {  	[tilespmem:s9], [sflag:$0x6] =	stream.linear.gather [spmem:s8], $0x800, $0x38;
	[tilespmem:$0x1C610] =	vst v63  }
0x2d: {  	s10 =	simm.s32 $0x7000  }
0x2e: {  	[tilespmem:s10], [sflag:$0x6] =	stream.linear.gather [spmem:s12], $0x800, $0x38;
	[tilespmem:$0x1C610] =	vst v63  }
0x2f: {  	s11 =	simm.s32 $0x9000  }
0x30: {  	[tilespmem:s11], [sflag:$0x6] =	stream.linear.gather [spmem:s13], $0x800, $0x38;
	[tilespmem:$0x1C610] =	vst v63  }
0x31: {  	s8 =	simm.s32 $0x5800  }
0x32: {  	[tilespmem:s8], [sflag:$0x7] =	stream.linear.gather [spmem:s14], $0x800, $0x38;
	[tilespmem:$0x1C610] =	vst v63  }
0x33: {  	s9 =	simm.s32 $0x7800  }
0x34: {  	[tilespmem:s9], [sflag:$0x7] =	stream.linear.gather [spmem:s15], $0x800, $0x38;
	[tilespmem:$0x1C610] =	vst v63  }
0x35: {  	s10 =	simm.s32 $0x9800  }
0x36: {  	[tilespmem:s10], [sflag:$0x7] =	stream.linear.gather [spmem:s17], $0x800, $0x38;
	[tilespmem:$0x1C610] =	vst v63  }
0x37: {  	s11 =	rddreg [dreg:$0x2]  }
0x38: {  	[tilespmem:s0], [sflag:$0x2] =	stream.linear.gather [hbm4b:s11+s4], $0x10, $0x38;
	[tilespmem:$0x1C610] =	vst v63  }
0x39: {  	_ =	swait.ge [sflag:s2], $0x10  }
0x3a: {  	[sflag:s2] =	ssyncset.done $0x0  }
0x3b: {  	[sflag:s2] =	ssyncadd.s32 $0xFFFFFFF0  }
0x3c: {  	v18 =	vld.idx.msk [tilespmem:v0+s0+$0x0], $0xffff  }
0x3d: {  	v16 =	vld.idx.msk [tilespmem:v1+s0+$0x0], $0xffff  }
0x3e: {  	v19 =	vld.idx.msk [tilespmem:v2+s0+$0x0], $0xffff  }
0x3f: {  	v21 =	vld.idx.msk [tilespmem:v3+s0+$0x0], $0xffff  }
0x40: {  	v22 =	vld.idx.msk [tilespmem:v4+s0+$0x0], $0xffff  }
0x41: {  	v23 =	vld.idx.msk [tilespmem:v5+s0+$0x0], $0xffff  }
0x42: {  	v17 =	vld.idx.msk [tilespmem:v6+s0+$0x0], $0xffff  }
0x43: {  	v15 =	vld.idx.msk [tilespmem:v7+s0+$0x0], $0xffff  }
0x44: {  	v20 =	vld.idx.msk [tilespmem:v8+s0+$0x0], $0xffff  }
0x45: {  	v14 =	vld.idx.msk [tilespmem:v9+s0+$0x0], $0xffff  }
0x46: {  	v13 =	vld.idx.msk [tilespmem:v10+s0+$0x0], $0xffff  }
0x47: {  	v12 =	vld.idx.msk [tilespmem:v11+s0+$0x0], $0xffff;
	_ =	swait.ge [sflag:s28], $0x800  }
0x48: {  	[sflag:s28] =	ssyncset.done $0x0  }
0x49: {  	[sflag:s28] =	ssyncadd.s32 $0xFFFFF800  }
0x4a: {  	_ =	swait.ge [sflag:s28], $0x800  }
0x4b: {  	[sflag:s28] =	ssyncset.done $0x0  }
0x4c: {  	[sflag:s28] =	ssyncadd.s32 $0xFFFFF800  }
0x4d: {  	_ =	swait.ge [sflag:s28], $0x800  }
0x4e: {  	[sflag:s28] =	ssyncset.done $0x0  }
0x4f: {  	s7 =	simm.s32 $0x0;
	[sflag:s28] =	ssyncadd.s32 $0xFFFFF800  }
0x50: {  	v29 =	vld [tilespmem:s7+$0x8000]  }
0x51: {  	v24 =	vld [tilespmem:s7+$0x6030]  }
0x52: {  	v25 =	vld [tilespmem:s7+$0x8020]  }
0x53: {  	v34 =	vld [tilespmem:s7+$0x8010]  }
0x54: {  	v30 =	vld [tilespmem:s7+$0x4010]  }
0x55: {  	v36 =	vld [tilespmem:s7+$0x4020];
	v28 =	vmul.f32 v29, v15  }
0x56: {  	v41 =	vld [tilespmem:s7+$0x6020];
	v38 =	vmul.f32 v29, v20;
	v27 =	vmul.f32 v24, v23  }
0x57: {  	v39 =	vld [tilespmem:s7+$0x4000];
	v42 =	vmul.f32 v25, v17;
	v26 =	vmul.f32 v24, v21  }
0x58: {  	v32 =	vmul.f32 v25, v15;
	v24 =	vmul.f32 v24, v22  }
0x59: {  	v45 =	vmul.f32 v30, v18;
	v47 =	vmul.f32 v25, v20  }
0x5a: {  	v33 =	vmul.f32 v34, v17;
	v46 =	vmul.f32 v30, v16  }
0x5b: {  	v44 =	vld [tilespmem:s7+$0x6000];
	v25 =	vmul.f32 v34, v20;
	v43 =	vmul.f32 v41, v21  }
0x5c: {  	v49 =	vld [tilespmem:s7+$0x6010];
	v35 =	vmul.f32 v39, v16;
	v48 =	vmul.f32 v36, v18  }
0x5d: {  	v31 =	vmul.f32 v29, v17;
	v37 =	vmul.f32 v34, v15  }
0x5e: {  	v29 =	vmul.f32 v39, v19;
	v61 =	vmul.f32 v36, v16  }
0x5f: {  	v36 =	vmul.f32 v36, v19;
	v51 =	vmul.f32 v41, v23  }
0x60: {  	v60 =	vmul.f32 v44, v23;
	v50 =	vmul.f32 v41, v22  }
0x61: {  	v62 =	vmul.f32 v49, v22;
	v43 =	vadd.f32 v43, v48;
	v63 =	vadd.f32 v51, v36;
	v36 =	vld [tilespmem:s7+$0x4030]  }
0x62: {  	v52 =	vmul.f32 v49, v21;
	v34 =	vadd.f32 v60, v29;
	v41 =	vadd.f32 v50, v61  }
0x63: {  	v39 =	vmul.f32 v39, v18;
	v46 =	vadd.f32 v62, v46;
	v43 =	vadd.f32 v42, v43  }
0x64: {  	v40 =	vmul.f32 v44, v21;
	v29 =	vld [tilespmem:s7+$0x8030];
	v34 =	vadd.f32 v38, v34;
	v42 =	vadd.f32 v52, v45  }
0x65: {  	s8 =	simm.s32 $0x0;
	s9 =	simm.s32 $0x100;
	v38 =	vmul.f32 v49, v23;
	v45 =	vmul.f32 v44, v22;
	v44 =	vadd.f32 v47, v63  }
.LBB2_2:
0x66: {  	s10 =	sshra.s32 s9, $0x2;
	s8 =	sadd.s32 $0x4, s8;
	v39 =	vadd.f32 v40, v39;
	v40 =	vadd.f32 v43, v14;
	v43 =	vmul.f32 v36, v18  }
0x67: {  	v47 =	vld [tilespmem:s10+$0x8000];
	p1 =	slt.u32 s8, $0x7C;
	v35 =	vadd.f32 v45, v35;
	v37 =	vadd.f32 v37, v46;
	v45 =	vmul.f32 v36, v19  }
0x68: {  	v30 =	vmul.f32 v30, v19;
	v32 =	vadd.f32 v32, v41;
	v46 =	vld [tilespmem:s10+$0x8010];
	[tilespmem:s7+$0xA020] =	vst v40;
	v40 =	vadd.f32 v44, v12  }
0x69: {  	v42 =	vadd.f32 v33, v42;
	v41 =	vld [tilespmem:s10+$0x6030];
	v33 =	vadd.f32 v37, v13;
	v37 =	vmul.f32 v29, v17  }
0x6a: {  	v35 =	vadd.f32 v28, v35;
	v28 =	vadd.f32 v32, v13;
	v32 =	vmul.f32 v29, v20;
	v44 =	vld [tilespmem:s10+$0x8020];
	[tilespmem:s7+$0xE020] =	vst v40  }
0x6b: {  	v38 =	vadd.f32 v38, v30;
	v27 =	vadd.f32 v27, v45;
	[tilespmem:s7+$0xC010] =	vst v33;
	v33 =	vmul.f32 v29, v15;
	v29 =	vld [tilespmem:s10+$0x8030]  }
0x6c: {  	v39 =	vadd.f32 v31, v39;
	v31 =	vadd.f32 v26, v43;
	v26 =	vmul.f32 v36, v16;
	v30 =	vld [tilespmem:s10+$0x4010];
	[tilespmem:s7+$0xC020] =	vst v28  }
0x6d: {  	v35 =	vadd.f32 v35, v13;
	v40 =	vadd.f32 v32, v27;
	v28 =	vmul.f32 v47, v15;
	v36 =	vld [tilespmem:s10+$0x4020]  }
0x6e: {  	v48 =	vadd.f32 v24, v26;
	v45 =	vmul.f32 v47, v20;
	v43 =	vld [tilespmem:s10+$0x6020];
	v27 =	vmul.f32 v41, v23  }
0x6f: {  	v31 =	vadd.f32 v37, v31;
	v26 =	vmul.f32 v41, v21;
	v49 =	vld [tilespmem:s10+$0x4000];
	v50 =	vmul.f32 v44, v17;
	[tilespmem:s7+$0xC000] =	vst v35  }
0x70: {  	v34 =	vadd.f32 v34, v12;
	v24 =	vmul.f32 v41, v22;
	v32 =	vmul.f32 v44, v15  }
0x71: {  	v41 =	vadd.f32 v33, v48;
	v44 =	vmul.f32 v44, v20;
	v51 =	vld [tilespmem:s10+$0x6000];
	v52 =	vmul.f32 v30, v18  }
0x72: {  	v33 =	vmul.f32 v46, v17;
	v48 =	vmul.f32 v30, v16;
	[tilespmem:s7+$0xE000] =	vst v34;
	v34 =	vadd.f32 v40, v12  }
0x73: {  	v53 =	vmul.f32 v46, v20;
	v55 =	vadd.f32 v31, v14;
	v54 =	vmul.f32 v43, v21  }
0x74: {  	v56 =	vmul.f32 v36, v18;
	v40 =	vadd.f32 v42, v14;
	v35 =	vmul.f32 v49, v16;
	[tilespmem:s7+$0xE030] =	vst v34  }
0x75: {  	v31 =	vmul.f32 v47, v17;
	v37 =	vmul.f32 v46, v15;
	v34 =	vadd.f32 v39, v14;
	v47 =	vld [tilespmem:s10+$0x6010]  }
0x76: {  	v38 =	vadd.f32 v25, v38;
	v42 =	vmul.f32 v49, v19;
	v46 =	vmul.f32 v51, v23;
	[tilespmem:s7+$0xA010] =	vst v40  }
0x77: {  	v39 =	vmul.f32 v49, v18;
	v49 =	vadd.f32 v54, v56;
	v40 =	vmul.f32 v51, v21;
	[tilespmem:s7+$0xA000] =	vst v34  }
0x78: {  	v54 =	vmul.f32 v43, v22;
	v34 =	vmul.f32 v36, v16;
	[tilespmem:s7+$0xA030] =	vst v55;
	v55 =	vadd.f32 v41, v13  }
.Ltmp0:
0x79: {  	v25 =	vmovc v53;
	v56 =	vmul.f32 v43, v23;
	v42 =	vadd.f32 v46, v42;
	v46 =	vmul.f32 v36, v19;
	v36 =	vld [tilespmem:s10+$0x4030];
	(pc) =	sbr.rel @p1 .LBB2_2-.Ltmp0, $4  }
0x7a: {  	v43 =	vadd.f32 v50, v49;
	v41 =	vadd.f32 v54, v34;
	v53 =	vmul.f32 v47, v21;
	[tilespmem:s7+$0xC030] =	vst v55  }
0x7b: {  	v54 =	vadd.f32 v38, v12;
	v49 =	vmul.f32 v47, v22;
	v50 =	vadd.f32 v56, v46  }
0x7c: {  	v34 =	vadd.f32 v45, v42;
	v38 =	vmul.f32 v47, v23;
	v42 =	vadd.f32 v53, v52  }
0x7d: {  	s9 =	sadd.s32 $0x100, s9;
	v45 =	vmul.f32 v51, v22;
	v46 =	vadd.f32 v49, v48;
	v44 =	vadd.f32 v44, v50;
	[tilespmem:s7+$0xE010] =	vst v54;
	s7 =	smov.u32 s10  }
0x7e: {  	v39 =	vadd.f32 v40, v39;
	v63 =	vadd.f32 v43, v14  }
0x7f: {  	v32 =	vadd.f32 v32, v41;
	v30 =	vmul.f32 v30, v19;
	v48 =	vmul.f32 v29, v20  }
0x80: {  	v49 =	vmul.f32 v36, v18;
	v52 =	vadd.f32 v34, v12;
	v35 =	vadd.f32 v45, v35  }
0x81: {  	v50 =	vmul.f32 v36, v16;
	v37 =	vadd.f32 v37, v46;
	v47 =	vadd.f32 v44, v12  }
0x82: {  	v51 =	vmul.f32 v29, v17;
	v32 =	vadd.f32 v32, v13;
	v30 =	vadd.f32 v38, v30  }
0x83: {  	v46 =	vmul.f32 v36, v19;
	[tilespmem:s7+$0xA020] =	vst v63;
	v26 =	vadd.f32 v26, v49;
	v24 =	vadd.f32 v24, v50  }
0x84: {  	v29 =	vmul.f32 v29, v15;
	[tilespmem:s7+$0xE000] =	vst v52;
	v37 =	vadd.f32 v37, v13;
	v28 =	vadd.f32 v28, v35  }
0x85: {  	v27 =	vadd.f32 v27, v46;
	[tilespmem:s7+$0xE020] =	vst v47;
	v26 =	vadd.f32 v51, v26  }
0x86: {  	[tilespmem:s7+$0xC020] =	vst v32;
	v24 =	vadd.f32 v29, v24;
	v28 =	vadd.f32 v28, v13  }
0x87: {  	v25 =	vadd.f32 v25, v30;
	[tilespmem:s7+$0xC010] =	vst v37;
	v26 =	vadd.f32 v26, v14  }
0x88: {  	v27 =	vadd.f32 v48, v27;
	v24 =	vadd.f32 v24, v13;
	[tilespmem:s7+$0xC000] =	vst v28  }
0x89: {  	v33 =	vadd.f32 v33, v42;
	v25 =	vadd.f32 v25, v12;
	[tilespmem:s7+$0xA030] =	vst v26  }
0x8a: {  	v31 =	vadd.f32 v31, v39;
	v27 =	vadd.f32 v27, v12;
	[tilespmem:s7+$0xC030] =	vst v24  }
0x8b: {  	v28 =	vadd.f32 v33, v14;
	[tilespmem:s7+$0xE010] =	vst v25  }
0x8c: {  	[tilespmem:s7+$0xE030] =	vst v27;
	v27 =	vadd.f32 v31, v14  }
0x8d: {  	[tilespmem:s7+$0xA010] =	vst v28  }
0x8e: {  	[tilespmem:s7+$0xA000] =	vst v27  }
0x8f: {  	_ =	swait.ge [sflag:s29], $0x800  }
0x90: {  	[sflag:s29] =	ssyncset.done $0x0  }
0x91: {  	[sflag:s29] =	ssyncadd.s32 $0xFFFFF800  }
0x92: {  	_ =	swait.ge [sflag:s29], $0x800  }
0x93: {  	[sflag:s29] =	ssyncset.done $0x0  }
0x94: {  	[sflag:s29] =	ssyncadd.s32 $0xFFFFF800  }
0x95: {  	_ =	swait.ge [sflag:s29], $0x800  }
0x96: {  	[sflag:s29] =	ssyncset.done $0x0  }
0x97: {  	s7 =	simm.s32 $0x0;
	[sflag:s29] =	ssyncadd.s32 $0xFFFFF800  }
0x98: {  	v29 =	vld [tilespmem:s7+$0x8800]  }
0x99: {  	v24 =	vld [tilespmem:s7+$0x6830]  }
0x9a: {  	v25 =	vld [tilespmem:s7+$0x8820]  }
0x9b: {  	v53 =	vld [tilespmem:s7+$0x8810]  }
0x9c: {  	v30 =	vld [tilespmem:s7+$0x4810]  }
0x9d: {  	v54 =	vld [tilespmem:s7+$0x4820];
	v28 =	vmul.f32 v29, v15  }
0x9e: {  	v55 =	vld [tilespmem:s7+$0x6820];
	v38 =	vmul.f32 v29, v20;
	v27 =	vmul.f32 v24, v23  }
0x9f: {  	v62 =	vld [tilespmem:s7+$0x4800];
	v63 =	vmul.f32 v25, v17;
	v26 =	vmul.f32 v24, v21  }
0xa0: {  	v32 =	vmul.f32 v25, v15;
	v24 =	vmul.f32 v24, v22  }
0xa1: {  	v56 =	vld [tilespmem:s7+$0x6800];
	v57 =	vmul.f32 v30, v18;
	v47 =	vmul.f32 v25, v20  }
0xa2: {  	v33 =	vmul.f32 v53, v17;
	v58 =	vmul.f32 v30, v16  }
0xa3: {  	v25 =	vmul.f32 v53, v20;
	v59 =	vmul.f32 v55, v21  }
0xa4: {  	v35 =	vmul.f32 v62, v16;
	v48 =	vmul.f32 v54, v18  }
0xa5: {  	v49 =	vld [tilespmem:s7+$0x6810];
	v31 =	vmul.f32 v29, v17;
	v37 =	vmul.f32 v53, v15  }
0xa6: {  	v29 =	vmul.f32 v62, v19;
	v60 =	vmul.f32 v56, v23  }
0xa7: {  	v36 =	vmul.f32 v54, v19;
	v51 =	vmul.f32 v55, v23;
	v43 =	vadd.f32 v59, v48  }
0xa8: {  	v39 =	vmul.f32 v62, v18;
	v61 =	vmul.f32 v54, v16  }
0xa9: {  	v50 =	vmul.f32 v55, v22;
	v43 =	vadd.f32 v63, v43;
	v63 =	vadd.f32 v51, v36;
	v36 =	vld [tilespmem:s7+$0x4830]  }
0xaa: {  	v52 =	vmul.f32 v49, v21;
	v62 =	vmul.f32 v49, v22  }
0xab: {  	v40 =	vmul.f32 v56, v21;
	v34 =	vadd.f32 v60, v29;
	v41 =	vadd.f32 v50, v61  }
0xac: {  	v45 =	vmul.f32 v56, v22;
	v29 =	vld [tilespmem:s7+$0x8830];
	v42 =	vadd.f32 v52, v57;
	v46 =	vadd.f32 v62, v58  }
0xad: {  	s8 =	simm.s32 $0x80;
	s9 =	simm.s32 $0x100;
	v34 =	vadd.f32 v38, v34;
	v38 =	vmul.f32 v49, v23;
	v44 =	vadd.f32 v47, v63  }
.LBB2_4:
0xae: {  	s10 =	sshra.s32 s9, $0x2;
	s8 =	sadd.s32 $0x4, s8;
	v39 =	vadd.f32 v40, v39;
	v40 =	vadd.f32 v43, v14;
	v43 =	vmul.f32 v36, v18  }
0xaf: {  	v47 =	vld [tilespmem:s10+$0x8800];
	p1 =	slt.u32 s8, $0xFC;
	v35 =	vadd.f32 v45, v35;
	v37 =	vadd.f32 v37, v46;
	v45 =	vmul.f32 v36, v19  }
0xb0: {  	v30 =	vmul.f32 v30, v19;
	v32 =	vadd.f32 v32, v41;
	v46 =	vld [tilespmem:s10+$0x8810];
	[tilespmem:s7+$0xA820] =	vst v40;
	v40 =	vadd.f32 v44, v12  }
0xb1: {  	v42 =	vadd.f32 v33, v42;
	v41 =	vld [tilespmem:s10+$0x6830];
	v33 =	vadd.f32 v37, v13;
	v37 =	vmul.f32 v29, v17  }
0xb2: {  	v35 =	vadd.f32 v28, v35;
	v28 =	vadd.f32 v32, v13;
	v32 =	vmul.f32 v29, v20;
	v44 =	vld [tilespmem:s10+$0x8820];
	[tilespmem:s7+$0xE820] =	vst v40  }
0xb3: {  	v38 =	vadd.f32 v38, v30;
	v27 =	vadd.f32 v27, v45;
	[tilespmem:s7+$0xC810] =	vst v33;
	v33 =	vmul.f32 v29, v15;
	v29 =	vld [tilespmem:s10+$0x8830]  }
0xb4: {  	v39 =	vadd.f32 v31, v39;
	v31 =	vadd.f32 v26, v43;
	v26 =	vmul.f32 v36, v16;
	v30 =	vld [tilespmem:s10+$0x4810];
	[tilespmem:s7+$0xC820] =	vst v28  }
0xb5: {  	v35 =	vadd.f32 v35, v13;
	v40 =	vadd.f32 v32, v27;
	v28 =	vmul.f32 v47, v15;
	v36 =	vld [tilespmem:s10+$0x4820]  }
0xb6: {  	v48 =	vadd.f32 v24, v26;
	v45 =	vmul.f32 v47, v20;
	v43 =	vld [tilespmem:s10+$0x6820];
	v27 =	vmul.f32 v41, v23  }
0xb7: {  	v31 =	vadd.f32 v37, v31;
	v26 =	vmul.f32 v41, v21;
	v49 =	vld [tilespmem:s10+$0x4800];
	v50 =	vmul.f32 v44, v17;
	[tilespmem:s7+$0xC800] =	vst v35  }
0xb8: {  	v34 =	vadd.f32 v34, v12;
	v24 =	vmul.f32 v41, v22;
	v32 =	vmul.f32 v44, v15  }
0xb9: {  	v41 =	vadd.f32 v33, v48;
	v44 =	vmul.f32 v44, v20;
	v51 =	vld [tilespmem:s10+$0x6800];
	v52 =	vmul.f32 v30, v18  }
0xba: {  	v33 =	vmul.f32 v46, v17;
	v48 =	vmul.f32 v30, v16;
	[tilespmem:s7+$0xE800] =	vst v34;
	v34 =	vadd.f32 v40, v12  }
0xbb: {  	v53 =	vmul.f32 v46, v20;
	v55 =	vadd.f32 v31, v14;
	v54 =	vmul.f32 v43, v21  }
0xbc: {  	v56 =	vmul.f32 v36, v18;
	v40 =	vadd.f32 v42, v14;
	v35 =	vmul.f32 v49, v16;
	[tilespmem:s7+$0xE830] =	vst v34  }
0xbd: {  	v31 =	vmul.f32 v47, v17;
	v37 =	vmul.f32 v46, v15;
	v34 =	vadd.f32 v39, v14;
	v47 =	vld [tilespmem:s10+$0x6810]  }
0xbe: {  	v38 =	vadd.f32 v25, v38;
	v42 =	vmul.f32 v49, v19;
	v46 =	vmul.f32 v51, v23;
	[tilespmem:s7+$0xA810] =	vst v40  }
0xbf: {  	v39 =	vmul.f32 v49, v18;
	v49 =	vadd.f32 v54, v56;
	v40 =	vmul.f32 v51, v21;
	[tilespmem:s7+$0xA800] =	vst v34  }
0xc0: {  	v54 =	vmul.f32 v43, v22;
	v34 =	vmul.f32 v36, v16;
	[tilespmem:s7+$0xA830] =	vst v55;
	v55 =	vadd.f32 v41, v13  }
.Ltmp1:
0xc1: {  	v25 =	vmovc v53;
	v56 =	vmul.f32 v43, v23;
	v42 =	vadd.f32 v46, v42;
	v46 =	vmul.f32 v36, v19;
	v36 =	vld [tilespmem:s10+$0x4830];
	(pc) =	sbr.rel @p1 .LBB2_4-.Ltmp1, $4  }
0xc2: {  	v43 =	vadd.f32 v50, v49;
	v41 =	vadd.f32 v54, v34;
	v53 =	vmul.f32 v47, v21;
	[tilespmem:s7+$0xC830] =	vst v55  }
0xc3: {  	v54 =	vadd.f32 v38, v12;
	v49 =	vmul.f32 v47, v22;
	v50 =	vadd.f32 v56, v46  }
0xc4: {  	v34 =	vadd.f32 v45, v42;
	v38 =	vmul.f32 v47, v23;
	v42 =	vadd.f32 v53, v52  }
0xc5: {  	s9 =	sadd.s32 $0x100, s9;
	v45 =	vmul.f32 v51, v22;
	v46 =	vadd.f32 v49, v48;
	v44 =	vadd.f32 v44, v50;
	[tilespmem:s7+$0xE810] =	vst v54;
	s7 =	smov.u32 s10  }
0xc6: {  	v39 =	vadd.f32 v40, v39;
	v63 =	vadd.f32 v43, v14  }
0xc7: {  	v32 =	vadd.f32 v32, v41;
	v30 =	vmul.f32 v30, v19;
	v48 =	vmul.f32 v29, v20  }
0xc8: {  	v49 =	vmul.f32 v36, v18;
	v52 =	vadd.f32 v34, v12;
	v35 =	vadd.f32 v45, v35  }
0xc9: {  	v50 =	vmul.f32 v36, v16;
	v37 =	vadd.f32 v37, v46;
	v47 =	vadd.f32 v44, v12  }
0xca: {  	v51 =	vmul.f32 v29, v17;
	v32 =	vadd.f32 v32, v13;
	v30 =	vadd.f32 v38, v30  }
0xcb: {  	v46 =	vmul.f32 v36, v19;
	[tilespmem:s7+$0xA820] =	vst v63;
	v26 =	vadd.f32 v26, v49;
	v24 =	vadd.f32 v24, v50  }
0xcc: {  	v29 =	vmul.f32 v29, v15;
	[tilespmem:s7+$0xE800] =	vst v52;
	v37 =	vadd.f32 v37, v13;
	v28 =	vadd.f32 v28, v35  }
0xcd: {  	v27 =	vadd.f32 v27, v46;
	[tilespmem:s7+$0xE820] =	vst v47;
	v26 =	vadd.f32 v51, v26  }
0xce: {  	[tilespmem:s7+$0xC820] =	vst v32;
	v24 =	vadd.f32 v29, v24;
	v28 =	vadd.f32 v28, v13  }
0xcf: {  	v25 =	vadd.f32 v25, v30;
	[tilespmem:s7+$0xC810] =	vst v37;
	v26 =	vadd.f32 v26, v14  }
0xd0: {  	v27 =	vadd.f32 v48, v27;
	v24 =	vadd.f32 v24, v13;
	[tilespmem:s7+$0xC800] =	vst v28  }
0xd1: {  	v33 =	vadd.f32 v33, v42;
	v25 =	vadd.f32 v25, v12;
	[tilespmem:s7+$0xA830] =	vst v26  }
0xd2: {  	v31 =	vadd.f32 v31, v39;
	v27 =	vadd.f32 v27, v12;
	[tilespmem:s7+$0xC830] =	vst v24  }
0xd3: {  	v28 =	vadd.f32 v33, v14;
	[tilespmem:s7+$0xE810] =	vst v25  }
0xd4: {  	[tilespmem:s7+$0xE830] =	vst v27;
	v27 =	vadd.f32 v31, v14  }
0xd5: {  	[tilespmem:s7+$0xA810] =	vst v28  }
0xd6: {  	[tilespmem:s7+$0xA800] =	vst v27  }
0xd7: {  	_ =	swait.ge [sflag:s30], $0x800  }
0xd8: {  	[sflag:s30] =	ssyncset.done $0x0  }
0xd9: {  	[sflag:s30] =	ssyncadd.s32 $0xFFFFF800  }
0xda: {  	_ =	swait.ge [sflag:s30], $0x800  }
0xdb: {  	[sflag:s30] =	ssyncset.done $0x0  }
0xdc: {  	[sflag:s30] =	ssyncadd.s32 $0xFFFFF800  }
0xdd: {  	_ =	swait.ge [sflag:s30], $0x800  }
0xde: {  	[sflag:s30] =	ssyncset.done $0x0  }
0xdf: {  	s7 =	simm.s32 $0x0;
	[sflag:s30] =	ssyncadd.s32 $0xFFFFF800  }
0xe0: {  	v29 =	vld [tilespmem:s7+$0x9000]  }
0xe1: {  	v24 =	vld [tilespmem:s7+$0x7030]  }
0xe2: {  	v25 =	vld [tilespmem:s7+$0x9020]  }
0xe3: {  	v53 =	vld [tilespmem:s7+$0x9010]  }
0xe4: {  	v30 =	vld [tilespmem:s7+$0x5010]  }
0xe5: {  	v54 =	vld [tilespmem:s7+$0x5020];
	v28 =	vmul.f32 v29, v15  }
0xe6: {  	v55 =	vld [tilespmem:s7+$0x7020];
	v38 =	vmul.f32 v29, v20;
	v27 =	vmul.f32 v24, v23  }
0xe7: {  	v62 =	vld [tilespmem:s7+$0x5000];
	v63 =	vmul.f32 v25, v17;
	v26 =	vmul.f32 v24, v21  }
0xe8: {  	v32 =	vmul.f32 v25, v15;
	v24 =	vmul.f32 v24, v22  }
0xe9: {  	v56 =	vld [tilespmem:s7+$0x7000];
	v57 =	vmul.f32 v30, v18;
	v47 =	vmul.f32 v25, v20  }
0xea: {  	v33 =	vmul.f32 v53, v17;
	v58 =	vmul.f32 v30, v16  }
0xeb: {  	v25 =	vmul.f32 v53, v20;
	v59 =	vmul.f32 v55, v21  }
0xec: {  	v35 =	vmul.f32 v62, v16;
	v48 =	vmul.f32 v54, v18  }
0xed: {  	v49 =	vld [tilespmem:s7+$0x7010];
	v31 =	vmul.f32 v29, v17;
	v37 =	vmul.f32 v53, v15  }
0xee: {  	v29 =	vmul.f32 v62, v19;
	v60 =	vmul.f32 v56, v23  }
0xef: {  	v36 =	vmul.f32 v54, v19;
	v51 =	vmul.f32 v55, v23;
	v43 =	vadd.f32 v59, v48  }
0xf0: {  	v39 =	vmul.f32 v62, v18;
	v61 =	vmul.f32 v54, v16  }
0xf1: {  	v50 =	vmul.f32 v55, v22;
	v43 =	vadd.f32 v63, v43;
	v63 =	vadd.f32 v51, v36;
	v36 =	vld [tilespmem:s7+$0x5030]  }
0xf2: {  	v52 =	vmul.f32 v49, v21;
	v62 =	vmul.f32 v49, v22  }
0xf3: {  	v40 =	vmul.f32 v56, v21;
	v34 =	vadd.f32 v60, v29;
	v41 =	vadd.f32 v50, v61  }
0xf4: {  	v45 =	vmul.f32 v56, v22;
	v29 =	vld [tilespmem:s7+$0x9030];
	v42 =	vadd.f32 v52, v57;
	v46 =	vadd.f32 v62, v58  }
0xf5: {  	s8 =	simm.s32 $0x100;
	s9 =	simm.s32 $0x100;
	v34 =	vadd.f32 v38, v34;
	v38 =	vmul.f32 v49, v23;
	v44 =	vadd.f32 v47, v63  }
.LBB2_6:
0xf6: {  	s10 =	sshra.s32 s9, $0x2;
	s8 =	sadd.s32 $0x4, s8;
	v39 =	vadd.f32 v40, v39;
	v40 =	vadd.f32 v43, v14;
	v43 =	vmul.f32 v36, v18  }
0xf7: {  	v47 =	vld [tilespmem:s10+$0x9000];
	p1 =	slt.u32 s8, $0x17C;
	v35 =	vadd.f32 v45, v35;
	v37 =	vadd.f32 v37, v46;
	v45 =	vmul.f32 v36, v19  }
0xf8: {  	v30 =	vmul.f32 v30, v19;
	v32 =	vadd.f32 v32, v41;
	v46 =	vld [tilespmem:s10+$0x9010];
	[tilespmem:s7+$0xB020] =	vst v40;
	v40 =	vadd.f32 v44, v12  }
0xf9: {  	v42 =	vadd.f32 v33, v42;
	v41 =	vld [tilespmem:s10+$0x7030];
	v33 =	vadd.f32 v37, v13;
	v37 =	vmul.f32 v29, v17  }
0xfa: {  	v35 =	vadd.f32 v28, v35;
	v28 =	vadd.f32 v32, v13;
	v32 =	vmul.f32 v29, v20;
	v44 =	vld [tilespmem:s10+$0x9020];
	[tilespmem:s7+$0xF020] =	vst v40  }
0xfb: {  	v38 =	vadd.f32 v38, v30;
	v27 =	vadd.f32 v27, v45;
	[tilespmem:s7+$0xD010] =	vst v33;
	v33 =	vmul.f32 v29, v15;
	v29 =	vld [tilespmem:s10+$0x9030]  }
0xfc: {  	v39 =	vadd.f32 v31, v39;
	v31 =	vadd.f32 v26, v43;
	v26 =	vmul.f32 v36, v16;
	v30 =	vld [tilespmem:s10+$0x5010];
	[tilespmem:s7+$0xD020] =	vst v28  }
0xfd: {  	v35 =	vadd.f32 v35, v13;
	v40 =	vadd.f32 v32, v27;
	v28 =	vmul.f32 v47, v15;
	v36 =	vld [tilespmem:s10+$0x5020]  }
0xfe: {  	v48 =	vadd.f32 v24, v26;
	v45 =	vmul.f32 v47, v20;
	v43 =	vld [tilespmem:s10+$0x7020];
	v27 =	vmul.f32 v41, v23  }
0xff: {  	v31 =	vadd.f32 v37, v31;
	v26 =	vmul.f32 v41, v21;
	v49 =	vld [tilespmem:s10+$0x5000];
	v50 =	vmul.f32 v44, v17;
	[tilespmem:s7+$0xD000] =	vst v35  }
0x100: {  	v34 =	vadd.f32 v34, v12;
	v24 =	vmul.f32 v41, v22;
	v32 =	vmul.f32 v44, v15  }
0x101: {  	v41 =	vadd.f32 v33, v48;
	v44 =	vmul.f32 v44, v20;
	v51 =	vld [tilespmem:s10+$0x7000];
	v52 =	vmul.f32 v30, v18  }
0x102: {  	v33 =	vmul.f32 v46, v17;
	v48 =	vmul.f32 v30, v16;
	[tilespmem:s7+$0xF000] =	vst v34;
	v34 =	vadd.f32 v40, v12  }
0x103: {  	v53 =	vmul.f32 v46, v20;
	v55 =	vadd.f32 v31, v14;
	v54 =	vmul.f32 v43, v21  }
0x104: {  	v56 =	vmul.f32 v36, v18;
	v40 =	vadd.f32 v42, v14;
	v35 =	vmul.f32 v49, v16;
	[tilespmem:s7+$0xF030] =	vst v34  }
0x105: {  	v31 =	vmul.f32 v47, v17;
	v37 =	vmul.f32 v46, v15;
	v34 =	vadd.f32 v39, v14;
	v47 =	vld [tilespmem:s10+$0x7010]  }
0x106: {  	v38 =	vadd.f32 v25, v38;
	v42 =	vmul.f32 v49, v19;
	v46 =	vmul.f32 v51, v23;
	[tilespmem:s7+$0xB010] =	vst v40  }
0x107: {  	v39 =	vmul.f32 v49, v18;
	v49 =	vadd.f32 v54, v56;
	v40 =	vmul.f32 v51, v21;
	[tilespmem:s7+$0xB000] =	vst v34  }
0x108: {  	v54 =	vmul.f32 v43, v22;
	v34 =	vmul.f32 v36, v16;
	[tilespmem:s7+$0xB030] =	vst v55;
	v55 =	vadd.f32 v41, v13  }
.Ltmp2:
0x109: {  	v25 =	vmovc v53;
	v56 =	vmul.f32 v43, v23;
	v42 =	vadd.f32 v46, v42;
	v46 =	vmul.f32 v36, v19;
	v36 =	vld [tilespmem:s10+$0x5030];
	(pc) =	sbr.rel @p1 .LBB2_6-.Ltmp2, $4  }
0x10a: {  	v43 =	vadd.f32 v50, v49;
	v41 =	vadd.f32 v54, v34;
	v53 =	vmul.f32 v47, v21;
	[tilespmem:s7+$0xD030] =	vst v55  }
0x10b: {  	v54 =	vadd.f32 v38, v12;
	v49 =	vmul.f32 v47, v22;
	v50 =	vadd.f32 v56, v46  }
0x10c: {  	v34 =	vadd.f32 v45, v42;
	v38 =	vmul.f32 v47, v23;
	v42 =	vadd.f32 v53, v52  }
0x10d: {  	s9 =	sadd.s32 $0x100, s9;
	v45 =	vmul.f32 v51, v22;
	v46 =	vadd.f32 v49, v48;
	v44 =	vadd.f32 v44, v50;
	[tilespmem:s7+$0xF010] =	vst v54;
	s7 =	smov.u32 s10  }
0x10e: {  	v39 =	vadd.f32 v40, v39;
	v63 =	vadd.f32 v43, v14  }
0x10f: {  	v32 =	vadd.f32 v32, v41;
	v30 =	vmul.f32 v30, v19;
	v48 =	vmul.f32 v29, v20  }
0x110: {  	v49 =	vmul.f32 v36, v18;
	v52 =	vadd.f32 v34, v12;
	v35 =	vadd.f32 v45, v35  }
0x111: {  	v50 =	vmul.f32 v36, v16;
	v37 =	vadd.f32 v37, v46;
	v47 =	vadd.f32 v44, v12  }
0x112: {  	v51 =	vmul.f32 v29, v17;
	v32 =	vadd.f32 v32, v13;
	v30 =	vadd.f32 v38, v30  }
0x113: {  	v46 =	vmul.f32 v36, v19;
	[tilespmem:s7+$0xB020] =	vst v63;
	v26 =	vadd.f32 v26, v49;
	v24 =	vadd.f32 v24, v50  }
0x114: {  	v29 =	vmul.f32 v29, v15;
	[tilespmem:s7+$0xF000] =	vst v52;
	v37 =	vadd.f32 v37, v13;
	v28 =	vadd.f32 v28, v35  }
0x115: {  	v27 =	vadd.f32 v27, v46;
	[tilespmem:s7+$0xF020] =	vst v47;
	v26 =	vadd.f32 v51, v26  }
0x116: {  	[tilespmem:s7+$0xD020] =	vst v32;
	v24 =	vadd.f32 v29, v24;
	v28 =	vadd.f32 v28, v13  }
0x117: {  	v25 =	vadd.f32 v25, v30;
	[tilespmem:s7+$0xD010] =	vst v37;
	v26 =	vadd.f32 v26, v14  }
0x118: {  	v27 =	vadd.f32 v48, v27;
	v24 =	vadd.f32 v24, v13;
	[tilespmem:s7+$0xD000] =	vst v28  }
0x119: {  	v33 =	vadd.f32 v33, v42;
	v25 =	vadd.f32 v25, v12;
	[tilespmem:s7+$0xB030] =	vst v26  }
0x11a: {  	v31 =	vadd.f32 v31, v39;
	v27 =	vadd.f32 v27, v12;
	[tilespmem:s7+$0xD030] =	vst v24  }
0x11b: {  	v28 =	vadd.f32 v33, v14;
	[tilespmem:s7+$0xF010] =	vst v25  }
0x11c: {  	[tilespmem:s7+$0xF030] =	vst v27;
	v27 =	vadd.f32 v31, v14  }
0x11d: {  	[tilespmem:s7+$0xB010] =	vst v28  }
0x11e: {  	[tilespmem:s7+$0xB000] =	vst v27  }
0x11f: {  	_ =	swait.ge [sflag:s31], $0x800  }
0x120: {  	[sflag:s31] =	ssyncset.done $0x0  }
0x121: {  	[sflag:s31] =	ssyncadd.s32 $0xFFFFF800  }
0x122: {  	_ =	swait.ge [sflag:s31], $0x800  }
0x123: {  	[sflag:s31] =	ssyncset.done $0x0  }
0x124: {  	[sflag:s31] =	ssyncadd.s32 $0xFFFFF800  }
0x125: {  	_ =	swait.ge [sflag:s31], $0x800  }
0x126: {  	[sflag:s31] =	ssyncset.done $0x0  }
0x127: {  	s7 =	simm.s32 $0x0;
	[sflag:s31] =	ssyncadd.s32 $0xFFFFF800  }
0x128: {  	v29 =	vld [tilespmem:s7+$0x9800]  }
0x129: {  	v24 =	vld [tilespmem:s7+$0x7830]  }
0x12a: {  	v25 =	vld [tilespmem:s7+$0x9820]  }
0x12b: {  	v53 =	vld [tilespmem:s7+$0x9810]  }
0x12c: {  	v30 =	vld [tilespmem:s7+$0x5810]  }
0x12d: {  	v54 =	vld [tilespmem:s7+$0x5820];
	v28 =	vmul.f32 v29, v15  }
0x12e: {  	v55 =	vld [tilespmem:s7+$0x7820];
	v38 =	vmul.f32 v29, v20;
	v27 =	vmul.f32 v24, v23  }
0x12f: {  	v62 =	vld [tilespmem:s7+$0x5800];
	v63 =	vmul.f32 v25, v17;
	v26 =	vmul.f32 v24, v21  }
0x130: {  	v32 =	vmul.f32 v25, v15;
	v24 =	vmul.f32 v24, v22  }
0x131: {  	v56 =	vld [tilespmem:s7+$0x7800];
	v57 =	vmul.f32 v30, v18;
	v47 =	vmul.f32 v25, v20  }
0x132: {  	v33 =	vmul.f32 v53, v17;
	v58 =	vmul.f32 v30, v16  }
0x133: {  	v25 =	vmul.f32 v53, v20;
	v59 =	vmul.f32 v55, v21  }
0x134: {  	v35 =	vmul.f32 v62, v16;
	v48 =	vmul.f32 v54, v18  }
0x135: {  	v49 =	vld [tilespmem:s7+$0x7810];
	v31 =	vmul.f32 v29, v17;
	v37 =	vmul.f32 v53, v15  }
0x136: {  	v29 =	vmul.f32 v62, v19;
	v60 =	vmul.f32 v56, v23  }
0x137: {  	v36 =	vmul.f32 v54, v19;
	v51 =	vmul.f32 v55, v23;
	v43 =	vadd.f32 v59, v48  }
0x138: {  	v39 =	vmul.f32 v62, v18;
	v61 =	vmul.f32 v54, v16  }
0x139: {  	v50 =	vmul.f32 v55, v22;
	v43 =	vadd.f32 v63, v43;
	v63 =	vadd.f32 v51, v36;
	v36 =	vld [tilespmem:s7+$0x5830]  }
0x13a: {  	v52 =	vmul.f32 v49, v21;
	v62 =	vmul.f32 v49, v22  }
0x13b: {  	v40 =	vmul.f32 v56, v21;
	v34 =	vadd.f32 v60, v29;
	v41 =	vadd.f32 v50, v61  }
0x13c: {  	v45 =	vmul.f32 v56, v22;
	v29 =	vld [tilespmem:s7+$0x9830];
	v42 =	vadd.f32 v52, v57;
	v46 =	vadd.f32 v62, v58  }
0x13d: {  	s8 =	simm.s32 $0x180;
	s9 =	simm.s32 $0x100;
	v34 =	vadd.f32 v38, v34;
	v38 =	vmul.f32 v49, v23;
	v44 =	vadd.f32 v47, v63  }
.LBB2_8:
0x13e: {  	s10 =	sshra.s32 s9, $0x2;
	s8 =	sadd.s32 $0x4, s8;
	v39 =	vadd.f32 v40, v39;
	v40 =	vadd.f32 v43, v14;
	v43 =	vmul.f32 v36, v18  }
0x13f: {  	v47 =	vld [tilespmem:s10+$0x9800];
	p1 =	slt.u32 s8, $0x1FC;
	v35 =	vadd.f32 v45, v35;
	v37 =	vadd.f32 v37, v46;
	v45 =	vmul.f32 v36, v19  }
0x140: {  	v30 =	vmul.f32 v30, v19;
	v32 =	vadd.f32 v32, v41;
	v46 =	vld [tilespmem:s10+$0x9810];
	[tilespmem:s7+$0xB820] =	vst v40;
	v40 =	vadd.f32 v44, v12  }
0x141: {  	v42 =	vadd.f32 v33, v42;
	v41 =	vld [tilespmem:s10+$0x7830];
	v33 =	vadd.f32 v37, v13;
	v37 =	vmul.f32 v29, v17  }
0x142: {  	v35 =	vadd.f32 v28, v35;
	v28 =	vadd.f32 v32, v13;
	v32 =	vmul.f32 v29, v20;
	v44 =	vld [tilespmem:s10+$0x9820];
	[tilespmem:s7+$0xF820] =	vst v40  }
0x143: {  	v38 =	vadd.f32 v38, v30;
	v27 =	vadd.f32 v27, v45;
	[tilespmem:s7+$0xD810] =	vst v33;
	v33 =	vmul.f32 v29, v15;
	v29 =	vld [tilespmem:s10+$0x9830]  }
0x144: {  	v39 =	vadd.f32 v31, v39;
	v31 =	vadd.f32 v26, v43;
	v26 =	vmul.f32 v36, v16;
	v30 =	vld [tilespmem:s10+$0x5810];
	[tilespmem:s7+$0xD820] =	vst v28  }
0x145: {  	v35 =	vadd.f32 v35, v13;
	v40 =	vadd.f32 v32, v27;
	v28 =	vmul.f32 v47, v15;
	v36 =	vld [tilespmem:s10+$0x5820]  }
0x146: {  	v48 =	vadd.f32 v24, v26;
	v45 =	vmul.f32 v47, v20;
	v43 =	vld [tilespmem:s10+$0x7820];
	v27 =	vmul.f32 v41, v23  }
0x147: {  	v31 =	vadd.f32 v37, v31;
	v26 =	vmul.f32 v41, v21;
	v49 =	vld [tilespmem:s10+$0x5800];
	v50 =	vmul.f32 v44, v17;
	[tilespmem:s7+$0xD800] =	vst v35  }
0x148: {  	v34 =	vadd.f32 v34, v12;
	v24 =	vmul.f32 v41, v22;
	v32 =	vmul.f32 v44, v15  }
0x149: {  	v41 =	vadd.f32 v33, v48;
	v44 =	vmul.f32 v44, v20;
	v51 =	vld [tilespmem:s10+$0x7800];
	v52 =	vmul.f32 v30, v18  }
0x14a: {  	v33 =	vmul.f32 v46, v17;
	v48 =	vmul.f32 v30, v16;
	[tilespmem:s7+$0xF800] =	vst v34;
	v34 =	vadd.f32 v40, v12  }
0x14b: {  	v53 =	vmul.f32 v46, v20;
	v55 =	vadd.f32 v31, v14;
	v54 =	vmul.f32 v43, v21  }
0x14c: {  	v56 =	vmul.f32 v36, v18;
	v40 =	vadd.f32 v42, v14;
	v35 =	vmul.f32 v49, v16;
	[tilespmem:s7+$0xF830] =	vst v34  }
0x14d: {  	v31 =	vmul.f32 v47, v17;
	v37 =	vmul.f32 v46, v15;
	v34 =	vadd.f32 v39, v14;
	v47 =	vld [tilespmem:s10+$0x7810]  }
0x14e: {  	v38 =	vadd.f32 v25, v38;
	v42 =	vmul.f32 v49, v19;
	v46 =	vmul.f32 v51, v23;
	[tilespmem:s7+$0xB810] =	vst v40  }
0x14f: {  	v39 =	vmul.f32 v49, v18;
	v49 =	vadd.f32 v54, v56;
	v40 =	vmul.f32 v51, v21;
	[tilespmem:s7+$0xB800] =	vst v34  }
0x150: {  	v54 =	vmul.f32 v43, v22;
	v34 =	vmul.f32 v36, v16;
	[tilespmem:s7+$0xB830] =	vst v55;
	v55 =	vadd.f32 v41, v13  }
.Ltmp3:
0x151: {  	v25 =	vmovc v53;
	v56 =	vmul.f32 v43, v23;
	v42 =	vadd.f32 v46, v42;
	v46 =	vmul.f32 v36, v19;
	v36 =	vld [tilespmem:s10+$0x5830];
	(pc) =	sbr.rel @p1 .LBB2_8-.Ltmp3, $4  }
0x152: {  	v43 =	vadd.f32 v50, v49;
	v41 =	vadd.f32 v54, v34;
	v53 =	vmul.f32 v47, v21;
	[tilespmem:s7+$0xD830] =	vst v55  }
0x153: {  	v54 =	vadd.f32 v38, v12;
	v49 =	vmul.f32 v47, v22;
	v50 =	vadd.f32 v56, v46  }
0x154: {  	v34 =	vadd.f32 v45, v42;
	v38 =	vmul.f32 v47, v23;
	v42 =	vadd.f32 v53, v52  }
0x155: {  	s9 =	sadd.s32 $0x100, s9;
	v45 =	vmul.f32 v51, v22;
	v46 =	vadd.f32 v49, v48;
	v44 =	vadd.f32 v44, v50;
	[tilespmem:s7+$0xF810] =	vst v54;
	s7 =	smov.u32 s10  }
0x156: {  	v21 =	vadd.f32 v40, v39;
	v22 =	vadd.f32 v43, v14  }
0x157: {  	v32 =	vadd.f32 v32, v41;
	v59 =	vmul.f32 v36, v19;
	v33 =	vadd.f32 v33, v42  }
0x158: {  	v18 =	vmul.f32 v36, v18;
	v23 =	vadd.f32 v45, v35;
	v58 =	vadd.f32 v37, v46  }
0x159: {  	v16 =	vmul.f32 v36, v16;
	v60 =	vadd.f32 v44, v12;
	[tilespmem:s7+$0xB820] =	vst v22;
	v22 =	vadd.f32 v32, v13  }
0x15a: {  	v27 =	vadd.f32 v27, v59;
	v21 =	vadd.f32 v31, v21  }
0x15b: {  	v20 =	vmul.f32 v29, v20;
	v18 =	vadd.f32 v26, v18;
	v16 =	vadd.f32 v24, v16  }
0x15c: {  	v17 =	vmul.f32 v29, v17;
	v61 =	vadd.f32 v58, v13;
	v23 =	vadd.f32 v28, v23;
	[tilespmem:s7+$0xF820] =	vst v60  }
0x15d: {  	v15 =	vmul.f32 v29, v15;
	v20 =	vadd.f32 v20, v27;
	[tilespmem:s7+$0xD820] =	vst v22;
	v22 =	vadd.f32 v34, v12  }
0x15e: {  	v19 =	vmul.f32 v30, v19;
	v17 =	vadd.f32 v17, v18;
	v18 =	vadd.f32 v33, v14;
	[tilespmem:s7+$0xD810] =	vst v61  }
0x15f: {  	v15 =	vadd.f32 v15, v16;
	v16 =	vadd.f32 v21, v14;
	[tilespmem:s7+$0xF800] =	vst v22  }
0x160: {  	v19 =	vadd.f32 v38, v19;
	v23 =	vadd.f32 v23, v13;
	[tilespmem:s7+$0xB810] =	vst v18  }
0x161: {  	v20 =	vadd.f32 v20, v12;
	[tilespmem:s7+$0xB800] =	vst v16  }
0x162: {  	v14 =	vadd.f32 v17, v14;
	v17 =	vadd.f32 v25, v19;
	[tilespmem:s7+$0xD800] =	vst v23  }
0x163: {  	v13 =	vadd.f32 v15, v13;
	[tilespmem:s7+$0xF830] =	vst v20  }
0x164: {  	[tilespmem:s7+$0xB830] =	vst v14;
	v12 =	vadd.f32 v17, v12  }
0x165: {  	[tilespmem:s7+$0xD830] =	vst v13  }
0x166: {  	[tilespmem:s7+$0xF810] =	vst v12  }
0x167: {  	_ =	swait.ge [sflag:s1], $0x4000  }
0x168: {  	[sflag:s1] =	ssyncset.done $0x0  }
0x169: {  	s7 =	simm.s32 $0x0;
	[sflag:s1] =	ssyncadd.s32 $0xFFFFC000  }
0x16a: {  	v13 =	vld [tilespmem:s7+$0x30]  }
0x16b: {  	v14 =	vld [tilespmem:s7+$0x0]  }
0x16c: {  	v15 =	vld [tilespmem:s7+$0x10]  }
0x16d: {  	v16 =	vld [tilespmem:s7+$0x20];
	_ =	sdelay $0x1  }
0x16e: {  	s8 =	simm.s32 $0x40  }
0x16f: {  	v24 =	vld [tilespmem:s8+$0x0]  }
0x170: {  	v25 =	vld [tilespmem:s8+$0x10]  }
0x171: {  	v12 =	vld.idx.msk [tilespmem:v13+s3+$0x0], $0xffff  }
0x172: {  	v17 =	vadd.s32 $0x2000, v13;
	v18 =	vld.idx.msk [tilespmem:v14+s3+$0x0], $0xffff  }
0x173: {  	v21 =	vadd.s32 $0x2000, v14;
	v19 =	vld.idx.msk [tilespmem:v15+s3+$0x0], $0xffff  }
0x174: {  	v22 =	vadd.s32 $0x2000, v15;
	v20 =	vld.idx.msk [tilespmem:v16+s3+$0x0], $0xffff  }
0x175: {  	v26 =	vld [tilespmem:s8+$0x20];
	v23 =	vadd.s32 $0x2000, v16  }
0x176: {  	[tilespmem:s7+$0x10030] =	vst v12;
	v12 =	vld [tilespmem:s8+$0x30]  }
0x177: {  	[tilespmem:s7+$0x10000] =	vst v18;
	v17 =	vld.idx.msk [tilespmem:v17+s3+$0x0], $0xffff  }
0x178: {  	v13 =	vadd.s32 $0x4000, v13;
	[tilespmem:s7+$0x10010] =	vst v19;
	v18 =	vld.idx.msk [tilespmem:v21+s3+$0x0], $0xffff  }
0x179: {  	[tilespmem:s7+$0x10020] =	vst v20;
	v19 =	vld.idx.msk [tilespmem:v22+s3+$0x0], $0xffff  }
0x17a: {  	v14 =	vadd.s32 $0x4000, v14;
	v27 =	vld.idx.msk [tilespmem:v23+s3+$0x0], $0xffff  }
0x17b: {  	v23 =	vld.idx.msk [tilespmem:v24+s3+$0x0], $0xffff  }
0x17c: {  	v21 =	vld.idx.msk [tilespmem:v25+s3+$0x0], $0xffff;
	[tilespmem:s7+$0x14030] =	vst v17  }
0x17d: {  	v15 =	vadd.s32 $0x4000, v15;
	v13 =	vld.idx.msk [tilespmem:v13+s3+$0x0], $0xffff  }
0x17e: {  	v63 =	vadd.s32 $0x4000, v16;
	[tilespmem:s7+$0x14000] =	vst v18;
	v62 =	vld.idx.msk [tilespmem:v12+s3+$0x0], $0xffff  }
0x17f: {  	v18 =	vadd.s32 $0x2000, v25;
	v20 =	vld.idx.msk [tilespmem:v14+s3+$0x0], $0xffff;
	v14 =	vadd.s32 $0x4000, v25;
	v25 =	vadd.s32 $0x2000, v12  }
0x180: {  	[tilespmem:s7+$0x14010] =	vst v19  }
0x181: {  	v22 =	vld.idx.msk [tilespmem:v26+s3+$0x0], $0xffff;
	[tilespmem:s7+$0x14020] =	vst v27  }
0x182: {  	v16 =	vadd.s32 $0x2000, v26;
	v19 =	vld.idx.msk [tilespmem:v15+s3+$0x0], $0xffff;
	[tilespmem:s7+$0x18030] =	vst v13  }
0x183: {  	s9 =	simm.s32 $0x4;
	s10 =	simm.s32 $0x200;
	v17 =	vadd.s32 $0x2000, v24;
	v15 =	vadd.s32 $0x4000, v26;
	v13 =	vadd.s32 $0x4000, v24;
	v24 =	vld.idx.msk [tilespmem:v63+s3+$0x0], $0xffff;
	[tilespmem:s8+$0x10030] =	vst v62  }
.LBB2_10:
0x184: {  	s11 =	sshra.s32 s10, $0x2;
	s9 =	sadd.s32 $0x4, s9;
	[tilespmem:s8+$0x10000] =	vst v23;
	v23 =	vld.idx.msk [tilespmem:v25+s3+$0x0], $0xffff  }
0x185: {  	v25 =	vld [tilespmem:s11+$0x30];
	p1 =	slt.u32 s9, $0x7C;
	[tilespmem:s8+$0x10010] =	vst v21  }
0x186: {  	v21 =	vld [tilespmem:s11+$0x0];
	[tilespmem:s8+$0x10020] =	vst v22;
	v22 =	vadd.s32 $0x4000, v12  }
0x187: {  	v26 =	vld [tilespmem:s11+$0x10];
	[tilespmem:s7+$0x18000] =	vst v20  }
0x188: {  	v20 =	vld [tilespmem:s11+$0x20];
	[tilespmem:s7+$0x18010] =	vst v19  }
0x189: {  	v19 =	vld.idx.msk [tilespmem:v17+s3+$0x0], $0xffff;
	[tilespmem:s7+$0x18020] =	vst v24;
	s7 =	smov.u32 s8;
	s8 =	smov.u32 s11  }
0x18a: {  	v24 =	vld.idx.msk [tilespmem:v18+s3+$0x0], $0xffff;
	[tilespmem:s7+$0x14030] =	vst v23;
	v12 =	vmov v25  }
0x18b: {  	v17 =	vadd.s32 $0x2000, v21;
	v27 =	vadd.s32 $0x4000, v21;
	v28 =	vld.idx.msk [tilespmem:v22+s3+$0x0], $0xffff  }
0x18c: {  	v18 =	vadd.s32 $0x2000, v26;
	v29 =	vadd.s32 $0x4000, v26;
	v30 =	vld.idx.msk [tilespmem:v16+s3+$0x0], $0xffff  }
0x18d: {  	v16 =	vadd.s32 $0x2000, v20;
	v31 =	vadd.s32 $0x4000, v20;
	v32 =	vld.idx.msk [tilespmem:v25+s3+$0x0], $0xffff  }
0x18e: {  	v23 =	vld.idx.msk [tilespmem:v21+s3+$0x0], $0xffff  }
.Ltmp4:
0x18f: {  	v25 =	vadd.s32 $0x2000, v12;
	v21 =	vld.idx.msk [tilespmem:v26+s3+$0x0], $0xffff;
	[tilespmem:s7+$0x14000] =	vst v19;
	(pc) =	sbr.rel @p1 .LBB2_10-.Ltmp4, $4  }
0x190: {  	v22 =	vld.idx.msk [tilespmem:v20+s3+$0x0], $0xffff;
	[tilespmem:s7+$0x14010] =	vst v24  }
0x191: {  	v20 =	vld.idx.msk [tilespmem:v13+s3+$0x0], $0xffff;
	[tilespmem:s7+$0x18030] =	vst v28;
	v13 =	vmov v27  }
0x192: {  	v19 =	vld.idx.msk [tilespmem:v14+s3+$0x0], $0xffff;
	[tilespmem:s7+$0x14020] =	vst v30;
	v14 =	vmov v29  }
0x193: {  	s10 =	sadd.s32 $0x100, s10;
	[tilespmem:s8+$0x10030] =	vst v32;
	v24 =	vld.idx.msk [tilespmem:v15+s3+$0x0], $0xffff;
	v15 =	vmov v31  }
0x194: {  	_ =	sdelay $0x3  }
0x195: {  	[tilespmem:s8+$0x10000] =	vst v23;
	v23 =	vld.idx.msk [tilespmem:v25+s3+$0x0], $0xffff  }
0x196: {  	[tilespmem:s8+$0x10010] =	vst v21;
	v12 =	vadd.s32 $0x4000, v12;
	v17 =	vld.idx.msk [tilespmem:v17+s3+$0x0], $0xffff  }
0x197: {  	[tilespmem:s8+$0x10020] =	vst v22;
	v18 =	vld.idx.msk [tilespmem:v18+s3+$0x0], $0xffff  }
0x198: {  	v16 =	vld.idx.msk [tilespmem:v16+s3+$0x0], $0xffff  }
0x199: {  	[tilespmem:s7+$0x18000] =	vst v20  }
0x19a: {  	[tilespmem:s8+$0x14030] =	vst v23  }
0x19b: {  	v12 =	vld.idx.msk [tilespmem:v12+s3+$0x0], $0xffff;
	[tilespmem:s8+$0x14000] =	vst v17  }
0x19c: {  	[tilespmem:s8+$0x14010] =	vst v18;
	v13 =	vld.idx.msk [tilespmem:v13+s3+$0x0], $0xffff  }
0x19d: {  	v14 =	vld.idx.msk [tilespmem:v14+s3+$0x0], $0xffff;
	[tilespmem:s8+$0x14020] =	vst v16  }
0x19e: {  	[tilespmem:s7+$0x18010] =	vst v19;
	v15 =	vld.idx.msk [tilespmem:v15+s3+$0x0], $0xffff  }
0x19f: {  	[tilespmem:s7+$0x18020] =	vst v24  }
0x1a0: {  	[tilespmem:s8+$0x18030] =	vst v12  }
0x1a1: {  	[tilespmem:s8+$0x18000] =	vst v13  }
0x1a2: {  	[tilespmem:s8+$0x18010] =	vst v14  }
0x1a3: {  	s10 =	simm.s32 $0x10000;
	s7 =	simm.s32 $0x0;
	[tilespmem:s8+$0x18020] =	vst v15  }
0x1a4: {  	[hbm4b:s16+s7] =	stream.linear.scatter [tilespmem:s10], [sflag:$0x3], $0x800, $0x38;
	[tilespmem:$0x1C610] =	vst v63  }
0x1a5: {  	s11 =	sadd.s32 $0x800, s16;
	s9 =	simm.s32 $0x14000  }
0x1a6: {  	[hbm4b:s11+s7] =	stream.linear.scatter [tilespmem:s9], [sflag:$0x3], $0x800, $0x38;
	[tilespmem:$0x1C610] =	vst v63  }
0x1a7: {  	s10 =	sadd.s32 $0x1000, s16;
	s11 =	simm.s32 $0x18000  }
0x1a8: {  	[hbm4b:s10+s7] =	stream.linear.scatter [tilespmem:s11], [sflag:$0x3], $0x800, $0x38;
	[tilespmem:$0x1C610] =	vst v63  }
0x1a9: {  	s7 =	simm.s32 $0x0  }
0x1aa: {  	v13 =	vld [tilespmem:s7+$0x830]  }
0x1ab: {  	v14 =	vld [tilespmem:s7+$0x800]  }
0x1ac: {  	v15 =	vld [tilespmem:s7+$0x810]  }
0x1ad: {  	v16 =	vld [tilespmem:s7+$0x820];
	_ =	sdelay $0x1  }
0x1ae: {  	s8 =	simm.s32 $0x40  }
0x1af: {  	v24 =	vld [tilespmem:s8+$0x800]  }
0x1b0: {  	v25 =	vld [tilespmem:s8+$0x810]  }
0x1b1: {  	v12 =	vld.idx.msk [tilespmem:v13+s3+$0x0], $0xffff  }
0x1b2: {  	v17 =	vadd.s32 $0x2000, v13;
	v18 =	vld.idx.msk [tilespmem:v14+s3+$0x0], $0xffff  }
0x1b3: {  	v21 =	vadd.s32 $0x2000, v14;
	v19 =	vld.idx.msk [tilespmem:v15+s3+$0x0], $0xffff  }
0x1b4: {  	v22 =	vadd.s32 $0x2000, v15;
	v20 =	vld.idx.msk [tilespmem:v16+s3+$0x0], $0xffff  }
0x1b5: {  	v26 =	vld [tilespmem:s8+$0x820];
	v23 =	vadd.s32 $0x2000, v16  }
0x1b6: {  	[tilespmem:s7+$0x10830] =	vst v12;
	v12 =	vld [tilespmem:s8+$0x830]  }
0x1b7: {  	[tilespmem:s7+$0x10800] =	vst v18;
	v17 =	vld.idx.msk [tilespmem:v17+s3+$0x0], $0xffff  }
0x1b8: {  	v13 =	vadd.s32 $0x4000, v13;
	[tilespmem:s7+$0x10810] =	vst v19;
	v18 =	vld.idx.msk [tilespmem:v21+s3+$0x0], $0xffff  }
0x1b9: {  	[tilespmem:s7+$0x10820] =	vst v20;
	v19 =	vld.idx.msk [tilespmem:v22+s3+$0x0], $0xffff  }
0x1ba: {  	v14 =	vadd.s32 $0x4000, v14;
	v27 =	vld.idx.msk [tilespmem:v23+s3+$0x0], $0xffff  }
0x1bb: {  	v23 =	vld.idx.msk [tilespmem:v24+s3+$0x0], $0xffff  }
0x1bc: {  	v21 =	vld.idx.msk [tilespmem:v25+s3+$0x0], $0xffff;
	[tilespmem:s7+$0x14830] =	vst v17  }
0x1bd: {  	v15 =	vadd.s32 $0x4000, v15;
	v13 =	vld.idx.msk [tilespmem:v13+s3+$0x0], $0xffff  }
0x1be: {  	v29 =	vadd.s32 $0x4000, v16;
	[tilespmem:s7+$0x14800] =	vst v18;
	v28 =	vld.idx.msk [tilespmem:v12+s3+$0x0], $0xffff  }
0x1bf: {  	v18 =	vadd.s32 $0x2000, v25;
	v20 =	vld.idx.msk [tilespmem:v14+s3+$0x0], $0xffff;
	v14 =	vadd.s32 $0x4000, v25;
	v25 =	vadd.s32 $0x2000, v12  }
0x1c0: {  	[tilespmem:s7+$0x14810] =	vst v19  }
0x1c1: {  	v22 =	vld.idx.msk [tilespmem:v26+s3+$0x0], $0xffff;
	[tilespmem:s7+$0x14820] =	vst v27  }
0x1c2: {  	v16 =	vadd.s32 $0x2000, v26;
	v19 =	vld.idx.msk [tilespmem:v15+s3+$0x0], $0xffff;
	[tilespmem:s7+$0x18830] =	vst v13  }
0x1c3: {  	s9 =	simm.s32 $0x84;
	s10 =	simm.s32 $0x200;
	v17 =	vadd.s32 $0x2000, v24;
	v15 =	vadd.s32 $0x4000, v26;
	v13 =	vadd.s32 $0x4000, v24;
	v24 =	vld.idx.msk [tilespmem:v29+s3+$0x0], $0xffff;
	[tilespmem:s8+$0x10830] =	vst v28  }
.LBB2_12:
0x1c4: {  	s11 =	sshra.s32 s10, $0x2;
	s9 =	sadd.s32 $0x4, s9;
	[tilespmem:s8+$0x10800] =	vst v23;
	v23 =	vld.idx.msk [tilespmem:v25+s3+$0x0], $0xffff  }
0x1c5: {  	v25 =	vld [tilespmem:s11+$0x830];
	p1 =	slt.u32 s9, $0xFC;
	[tilespmem:s8+$0x10810] =	vst v21  }
0x1c6: {  	v21 =	vld [tilespmem:s11+$0x800];
	[tilespmem:s8+$0x10820] =	vst v22;
	v22 =	vadd.s32 $0x4000, v12  }
0x1c7: {  	v26 =	vld [tilespmem:s11+$0x810];
	[tilespmem:s7+$0x18800] =	vst v20  }
0x1c8: {  	v20 =	vld [tilespmem:s11+$0x820];
	[tilespmem:s7+$0x18810] =	vst v19  }
0x1c9: {  	v19 =	vld.idx.msk [tilespmem:v17+s3+$0x0], $0xffff;
	[tilespmem:s7+$0x18820] =	vst v24;
	s7 =	smov.u32 s8;
	s8 =	smov.u32 s11  }
0x1ca: {  	v24 =	vld.idx.msk [tilespmem:v18+s3+$0x0], $0xffff;
	[tilespmem:s7+$0x14830] =	vst v23;
	v12 =	vmov v25  }
0x1cb: {  	v17 =	vadd.s32 $0x2000, v21;
	v27 =	vadd.s32 $0x4000, v21;
	v28 =	vld.idx.msk [tilespmem:v22+s3+$0x0], $0xffff  }
0x1cc: {  	v18 =	vadd.s32 $0x2000, v26;
	v29 =	vadd.s32 $0x4000, v26;
	v30 =	vld.idx.msk [tilespmem:v16+s3+$0x0], $0xffff  }
0x1cd: {  	v16 =	vadd.s32 $0x2000, v20;
	v31 =	vadd.s32 $0x4000, v20;
	v32 =	vld.idx.msk [tilespmem:v25+s3+$0x0], $0xffff  }
0x1ce: {  	v23 =	vld.idx.msk [tilespmem:v21+s3+$0x0], $0xffff  }
.Ltmp5:
0x1cf: {  	v25 =	vadd.s32 $0x2000, v12;
	v21 =	vld.idx.msk [tilespmem:v26+s3+$0x0], $0xffff;
	[tilespmem:s7+$0x14800] =	vst v19;
	(pc) =	sbr.rel @p1 .LBB2_12-.Ltmp5, $4  }
0x1d0: {  	v22 =	vld.idx.msk [tilespmem:v20+s3+$0x0], $0xffff;
	[tilespmem:s7+$0x14810] =	vst v24  }
0x1d1: {  	v20 =	vld.idx.msk [tilespmem:v13+s3+$0x0], $0xffff;
	[tilespmem:s7+$0x18830] =	vst v28;
	v13 =	vmov v27  }
0x1d2: {  	v19 =	vld.idx.msk [tilespmem:v14+s3+$0x0], $0xffff;
	[tilespmem:s7+$0x14820] =	vst v30;
	v14 =	vmov v29  }
0x1d3: {  	s10 =	sadd.s32 $0x100, s10;
	[tilespmem:s8+$0x10830] =	vst v32;
	v24 =	vld.idx.msk [tilespmem:v15+s3+$0x0], $0xffff;
	v15 =	vmov v31  }
0x1d4: {  	_ =	sdelay $0x3  }
0x1d5: {  	[tilespmem:s8+$0x10800] =	vst v23;
	v23 =	vld.idx.msk [tilespmem:v25+s3+$0x0], $0xffff  }
0x1d6: {  	[tilespmem:s8+$0x10810] =	vst v21;
	v12 =	vadd.s32 $0x4000, v12;
	v17 =	vld.idx.msk [tilespmem:v17+s3+$0x0], $0xffff  }
0x1d7: {  	[tilespmem:s8+$0x10820] =	vst v22;
	v18 =	vld.idx.msk [tilespmem:v18+s3+$0x0], $0xffff  }
0x1d8: {  	v16 =	vld.idx.msk [tilespmem:v16+s3+$0x0], $0xffff  }
0x1d9: {  	[tilespmem:s7+$0x18800] =	vst v20  }
0x1da: {  	[tilespmem:s8+$0x14830] =	vst v23  }
0x1db: {  	v12 =	vld.idx.msk [tilespmem:v12+s3+$0x0], $0xffff;
	[tilespmem:s8+$0x14800] =	vst v17  }
0x1dc: {  	[tilespmem:s8+$0x14810] =	vst v18;
	v13 =	vld.idx.msk [tilespmem:v13+s3+$0x0], $0xffff  }
0x1dd: {  	v14 =	vld.idx.msk [tilespmem:v14+s3+$0x0], $0xffff;
	[tilespmem:s8+$0x14820] =	vst v16  }
0x1de: {  	[tilespmem:s7+$0x18810] =	vst v19;
	v15 =	vld.idx.msk [tilespmem:v15+s3+$0x0], $0xffff  }
0x1df: {  	[tilespmem:s7+$0x18820] =	vst v24  }
0x1e0: {  	[tilespmem:s8+$0x18830] =	vst v12  }
0x1e1: {  	[tilespmem:s8+$0x18800] =	vst v13  }
0x1e2: {  	[tilespmem:s8+$0x18810] =	vst v14  }
0x1e3: {  	s10 =	simm.s32 $0x10800;
	s7 =	simm.s32 $0x0;
	[tilespmem:s8+$0x18820] =	vst v15  }
0x1e4: {  	[hbm4b:s18+s7] =	stream.linear.scatter [tilespmem:s10], [sflag:$0x3], $0x800, $0x38;
	[tilespmem:$0x1C610] =	vst v63  }
0x1e5: {  	s11 =	sadd.s32 $0x800, s18;
	s9 =	simm.s32 $0x14800  }
0x1e6: {  	[hbm4b:s11+s7] =	stream.linear.scatter [tilespmem:s9], [sflag:$0x3], $0x800, $0x38;
	[tilespmem:$0x1C610] =	vst v63  }
0x1e7: {  	s10 =	sadd.s32 $0x1000, s18;
	s11 =	simm.s32 $0x18800  }
0x1e8: {  	[hbm4b:s10+s7] =	stream.linear.scatter [tilespmem:s11], [sflag:$0x3], $0x800, $0x38;
	[tilespmem:$0x1C610] =	vst v63  }
0x1e9: {  	s7 =	simm.s32 $0x0  }
0x1ea: {  	v13 =	vld [tilespmem:s7+$0x1030]  }
0x1eb: {  	v14 =	vld [tilespmem:s7+$0x1000]  }
0x1ec: {  	v15 =	vld [tilespmem:s7+$0x1010]  }
0x1ed: {  	v16 =	vld [tilespmem:s7+$0x1020];
	_ =	sdelay $0x1  }
0x1ee: {  	s8 =	simm.s32 $0x40  }
0x1ef: {  	v24 =	vld [tilespmem:s8+$0x1000]  }
0x1f0: {  	v25 =	vld [tilespmem:s8+$0x1010]  }
0x1f1: {  	v12 =	vld.idx.msk [tilespmem:v13+s3+$0x0], $0xffff  }
0x1f2: {  	v17 =	vadd.s32 $0x2000, v13;
	v18 =	vld.idx.msk [tilespmem:v14+s3+$0x0], $0xffff  }
0x1f3: {  	v21 =	vadd.s32 $0x2000, v14;
	v19 =	vld.idx.msk [tilespmem:v15+s3+$0x0], $0xffff  }
0x1f4: {  	v22 =	vadd.s32 $0x2000, v15;
	v20 =	vld.idx.msk [tilespmem:v16+s3+$0x0], $0xffff  }
0x1f5: {  	v26 =	vld [tilespmem:s8+$0x1020];
	v23 =	vadd.s32 $0x2000, v16  }
0x1f6: {  	[tilespmem:s7+$0x11030] =	vst v12;
	v12 =	vld [tilespmem:s8+$0x1030]  }
0x1f7: {  	[tilespmem:s7+$0x11000] =	vst v18;
	v17 =	vld.idx.msk [tilespmem:v17+s3+$0x0], $0xffff  }
0x1f8: {  	v13 =	vadd.s32 $0x4000, v13;
	[tilespmem:s7+$0x11010] =	vst v19;
	v18 =	vld.idx.msk [tilespmem:v21+s3+$0x0], $0xffff  }
0x1f9: {  	[tilespmem:s7+$0x11020] =	vst v20;
	v19 =	vld.idx.msk [tilespmem:v22+s3+$0x0], $0xffff  }
0x1fa: {  	v14 =	vadd.s32 $0x4000, v14;
	v27 =	vld.idx.msk [tilespmem:v23+s3+$0x0], $0xffff  }
0x1fb: {  	v23 =	vld.idx.msk [tilespmem:v24+s3+$0x0], $0xffff  }
0x1fc: {  	v21 =	vld.idx.msk [tilespmem:v25+s3+$0x0], $0xffff;
	[tilespmem:s7+$0x15030] =	vst v17  }
0x1fd: {  	v15 =	vadd.s32 $0x4000, v15;
	v13 =	vld.idx.msk [tilespmem:v13+s3+$0x0], $0xffff  }
0x1fe: {  	v29 =	vadd.s32 $0x4000, v16;
	[tilespmem:s7+$0x15000] =	vst v18;
	v28 =	vld.idx.msk [tilespmem:v12+s3+$0x0], $0xffff  }
0x1ff: {  	v18 =	vadd.s32 $0x2000, v25;
	v20 =	vld.idx.msk [tilespmem:v14+s3+$0x0], $0xffff;
	v14 =	vadd.s32 $0x4000, v25;
	v25 =	vadd.s32 $0x2000, v12  }
0x200: {  	[tilespmem:s7+$0x15010] =	vst v19  }
0x201: {  	v22 =	vld.idx.msk [tilespmem:v26+s3+$0x0], $0xffff;
	[tilespmem:s7+$0x15020] =	vst v27  }
0x202: {  	v16 =	vadd.s32 $0x2000, v26;
	v19 =	vld.idx.msk [tilespmem:v15+s3+$0x0], $0xffff;
	[tilespmem:s7+$0x19030] =	vst v13  }
0x203: {  	s9 =	simm.s32 $0x104;
	s10 =	simm.s32 $0x200;
	v17 =	vadd.s32 $0x2000, v24;
	v15 =	vadd.s32 $0x4000, v26;
	v13 =	vadd.s32 $0x4000, v24;
	v24 =	vld.idx.msk [tilespmem:v29+s3+$0x0], $0xffff;
	[tilespmem:s8+$0x11030] =	vst v28  }
.LBB2_14:
0x204: {  	s11 =	sshra.s32 s10, $0x2;
	s9 =	sadd.s32 $0x4, s9;
	[tilespmem:s8+$0x11000] =	vst v23;
	v23 =	vld.idx.msk [tilespmem:v25+s3+$0x0], $0xffff  }
0x205: {  	v25 =	vld [tilespmem:s11+$0x1030];
	p1 =	slt.u32 s9, $0x17C;
	[tilespmem:s8+$0x11010] =	vst v21  }
0x206: {  	v21 =	vld [tilespmem:s11+$0x1000];
	[tilespmem:s8+$0x11020] =	vst v22;
	v22 =	vadd.s32 $0x4000, v12  }
0x207: {  	v26 =	vld [tilespmem:s11+$0x1010];
	[tilespmem:s7+$0x19000] =	vst v20  }
0x208: {  	v20 =	vld [tilespmem:s11+$0x1020];
	[tilespmem:s7+$0x19010] =	vst v19  }
0x209: {  	v19 =	vld.idx.msk [tilespmem:v17+s3+$0x0], $0xffff;
	[tilespmem:s7+$0x19020] =	vst v24;
	s7 =	smov.u32 s8;
	s8 =	smov.u32 s11  }
0x20a: {  	v24 =	vld.idx.msk [tilespmem:v18+s3+$0x0], $0xffff;
	[tilespmem:s7+$0x15030] =	vst v23;
	v12 =	vmov v25  }
0x20b: {  	v17 =	vadd.s32 $0x2000, v21;
	v27 =	vadd.s32 $0x4000, v21;
	v28 =	vld.idx.msk [tilespmem:v22+s3+$0x0], $0xffff  }
0x20c: {  	v18 =	vadd.s32 $0x2000, v26;
	v29 =	vadd.s32 $0x4000, v26;
	v30 =	vld.idx.msk [tilespmem:v16+s3+$0x0], $0xffff  }
0x20d: {  	v16 =	vadd.s32 $0x2000, v20;
	v31 =	vadd.s32 $0x4000, v20;
	v32 =	vld.idx.msk [tilespmem:v25+s3+$0x0], $0xffff  }
0x20e: {  	v23 =	vld.idx.msk [tilespmem:v21+s3+$0x0], $0xffff  }
.Ltmp6:
0x20f: {  	v25 =	vadd.s32 $0x2000, v12;
	v21 =	vld.idx.msk [tilespmem:v26+s3+$0x0], $0xffff;
	[tilespmem:s7+$0x15000] =	vst v19;
	(pc) =	sbr.rel @p1 .LBB2_14-.Ltmp6, $4  }
0x210: {  	v22 =	vld.idx.msk [tilespmem:v20+s3+$0x0], $0xffff;
	[tilespmem:s7+$0x15010] =	vst v24  }
0x211: {  	v20 =	vld.idx.msk [tilespmem:v13+s3+$0x0], $0xffff;
	[tilespmem:s7+$0x19030] =	vst v28;
	v13 =	vmov v27  }
0x212: {  	v19 =	vld.idx.msk [tilespmem:v14+s3+$0x0], $0xffff;
	[tilespmem:s7+$0x15020] =	vst v30;
	v14 =	vmov v29  }
0x213: {  	s10 =	sadd.s32 $0x100, s10;
	[tilespmem:s8+$0x11030] =	vst v32;
	v24 =	vld.idx.msk [tilespmem:v15+s3+$0x0], $0xffff;
	v15 =	vmov v31  }
0x214: {  	_ =	sdelay $0x3  }
0x215: {  	[tilespmem:s8+$0x11000] =	vst v23;
	v23 =	vld.idx.msk [tilespmem:v25+s3+$0x0], $0xffff  }
0x216: {  	[tilespmem:s8+$0x11010] =	vst v21;
	v12 =	vadd.s32 $0x4000, v12;
	v17 =	vld.idx.msk [tilespmem:v17+s3+$0x0], $0xffff  }
0x217: {  	[tilespmem:s8+$0x11020] =	vst v22;
	v18 =	vld.idx.msk [tilespmem:v18+s3+$0x0], $0xffff  }
0x218: {  	v16 =	vld.idx.msk [tilespmem:v16+s3+$0x0], $0xffff  }
0x219: {  	[tilespmem:s7+$0x19000] =	vst v20  }
0x21a: {  	[tilespmem:s8+$0x15030] =	vst v23  }
0x21b: {  	v12 =	vld.idx.msk [tilespmem:v12+s3+$0x0], $0xffff;
	[tilespmem:s8+$0x15000] =	vst v17  }
0x21c: {  	[tilespmem:s8+$0x15010] =	vst v18;
	v13 =	vld.idx.msk [tilespmem:v13+s3+$0x0], $0xffff  }
0x21d: {  	v14 =	vld.idx.msk [tilespmem:v14+s3+$0x0], $0xffff;
	[tilespmem:s8+$0x15020] =	vst v16  }
0x21e: {  	[tilespmem:s7+$0x19010] =	vst v19;
	v15 =	vld.idx.msk [tilespmem:v15+s3+$0x0], $0xffff  }
0x21f: {  	[tilespmem:s7+$0x19020] =	vst v24  }
0x220: {  	[tilespmem:s8+$0x19030] =	vst v12  }
0x221: {  	[tilespmem:s8+$0x19000] =	vst v13  }
0x222: {  	[tilespmem:s8+$0x19010] =	vst v14  }
0x223: {  	s10 =	simm.s32 $0x11000;
	s7 =	simm.s32 $0x0;
	[tilespmem:s8+$0x19020] =	vst v15  }
0x224: {  	[hbm4b:s19+s7] =	stream.linear.scatter [tilespmem:s10], [sflag:$0x3], $0x800, $0x38;
	[tilespmem:$0x1C610] =	vst v63  }
0x225: {  	s11 =	sadd.s32 $0x800, s19;
	s9 =	simm.s32 $0x15000  }
0x226: {  	[hbm4b:s11+s7] =	stream.linear.scatter [tilespmem:s9], [sflag:$0x3], $0x800, $0x38;
	[tilespmem:$0x1C610] =	vst v63  }
0x227: {  	s10 =	sadd.s32 $0x1000, s19;
	s11 =	simm.s32 $0x19000  }
0x228: {  	[hbm4b:s10+s7] =	stream.linear.scatter [tilespmem:s11], [sflag:$0x3], $0x800, $0x38;
	[tilespmem:$0x1C610] =	vst v63  }
0x229: {  	s7 =	simm.s32 $0x0  }
0x22a: {  	v13 =	vld [tilespmem:s7+$0x1830]  }
0x22b: {  	v14 =	vld [tilespmem:s7+$0x1800]  }
0x22c: {  	v15 =	vld [tilespmem:s7+$0x1810]  }
0x22d: {  	v16 =	vld [tilespmem:s7+$0x1820];
	_ =	sdelay $0x1  }
0x22e: {  	s8 =	simm.s32 $0x40  }
0x22f: {  	v24 =	vld [tilespmem:s8+$0x1800]  }
0x230: {  	v25 =	vld [tilespmem:s8+$0x1810]  }
0x231: {  	v12 =	vld.idx.msk [tilespmem:v13+s3+$0x0], $0xffff  }
0x232: {  	v17 =	vadd.s32 $0x2000, v13;
	v18 =	vld.idx.msk [tilespmem:v14+s3+$0x0], $0xffff  }
0x233: {  	v21 =	vadd.s32 $0x2000, v14;
	v19 =	vld.idx.msk [tilespmem:v15+s3+$0x0], $0xffff  }
0x234: {  	v22 =	vadd.s32 $0x2000, v15;
	v20 =	vld.idx.msk [tilespmem:v16+s3+$0x0], $0xffff  }
0x235: {  	v26 =	vld [tilespmem:s8+$0x1820];
	v23 =	vadd.s32 $0x2000, v16  }
0x236: {  	[tilespmem:s7+$0x11830] =	vst v12;
	v12 =	vld [tilespmem:s8+$0x1830]  }
0x237: {  	[tilespmem:s7+$0x11800] =	vst v18;
	v17 =	vld.idx.msk [tilespmem:v17+s3+$0x0], $0xffff  }
0x238: {  	v13 =	vadd.s32 $0x4000, v13;
	[tilespmem:s7+$0x11810] =	vst v19;
	v18 =	vld.idx.msk [tilespmem:v21+s3+$0x0], $0xffff  }
0x239: {  	[tilespmem:s7+$0x11820] =	vst v20;
	v19 =	vld.idx.msk [tilespmem:v22+s3+$0x0], $0xffff  }
0x23a: {  	v14 =	vadd.s32 $0x4000, v14;
	v27 =	vld.idx.msk [tilespmem:v23+s3+$0x0], $0xffff  }
0x23b: {  	v23 =	vld.idx.msk [tilespmem:v24+s3+$0x0], $0xffff  }
0x23c: {  	v21 =	vld.idx.msk [tilespmem:v25+s3+$0x0], $0xffff;
	[tilespmem:s7+$0x15830] =	vst v17  }
0x23d: {  	v15 =	vadd.s32 $0x4000, v15;
	v13 =	vld.idx.msk [tilespmem:v13+s3+$0x0], $0xffff  }
0x23e: {  	v29 =	vadd.s32 $0x4000, v16;
	[tilespmem:s7+$0x15800] =	vst v18;
	v28 =	vld.idx.msk [tilespmem:v12+s3+$0x0], $0xffff  }
0x23f: {  	v18 =	vadd.s32 $0x2000, v25;
	v20 =	vld.idx.msk [tilespmem:v14+s3+$0x0], $0xffff;
	v14 =	vadd.s32 $0x4000, v25;
	v25 =	vadd.s32 $0x2000, v12  }
0x240: {  	[tilespmem:s7+$0x15810] =	vst v19  }
0x241: {  	v22 =	vld.idx.msk [tilespmem:v26+s3+$0x0], $0xffff;
	[tilespmem:s7+$0x15820] =	vst v27  }
0x242: {  	v16 =	vadd.s32 $0x2000, v26;
	v19 =	vld.idx.msk [tilespmem:v15+s3+$0x0], $0xffff;
	[tilespmem:s7+$0x19830] =	vst v13  }
0x243: {  	s9 =	simm.s32 $0x184;
	s10 =	simm.s32 $0x200;
	v17 =	vadd.s32 $0x2000, v24;
	v15 =	vadd.s32 $0x4000, v26;
	v13 =	vadd.s32 $0x4000, v24;
	v24 =	vld.idx.msk [tilespmem:v29+s3+$0x0], $0xffff;
	[tilespmem:s8+$0x11830] =	vst v28  }
.LBB2_16:
0x244: {  	s11 =	sshra.s32 s10, $0x2;
	s9 =	sadd.s32 $0x4, s9;
	[tilespmem:s8+$0x11800] =	vst v23;
	v23 =	vld.idx.msk [tilespmem:v25+s3+$0x0], $0xffff  }
0x245: {  	v25 =	vld [tilespmem:s11+$0x1830];
	p1 =	slt.u32 s9, $0x1FC;
	[tilespmem:s8+$0x11810] =	vst v21  }
0x246: {  	v21 =	vld [tilespmem:s11+$0x1800];
	[tilespmem:s8+$0x11820] =	vst v22;
	v22 =	vadd.s32 $0x4000, v12  }
0x247: {  	v26 =	vld [tilespmem:s11+$0x1810];
	[tilespmem:s7+$0x19800] =	vst v20  }
0x248: {  	v20 =	vld [tilespmem:s11+$0x1820];
	[tilespmem:s7+$0x19810] =	vst v19  }
0x249: {  	v19 =	vld.idx.msk [tilespmem:v17+s3+$0x0], $0xffff;
	[tilespmem:s7+$0x19820] =	vst v24;
	s7 =	smov.u32 s8;
	s8 =	smov.u32 s11  }
0x24a: {  	v24 =	vld.idx.msk [tilespmem:v18+s3+$0x0], $0xffff;
	[tilespmem:s7+$0x15830] =	vst v23;
	v12 =	vmov v25  }
0x24b: {  	v17 =	vadd.s32 $0x2000, v21;
	v27 =	vadd.s32 $0x4000, v21;
	v28 =	vld.idx.msk [tilespmem:v22+s3+$0x0], $0xffff  }
0x24c: {  	v18 =	vadd.s32 $0x2000, v26;
	v29 =	vadd.s32 $0x4000, v26;
	v30 =	vld.idx.msk [tilespmem:v16+s3+$0x0], $0xffff  }
0x24d: {  	v16 =	vadd.s32 $0x2000, v20;
	v31 =	vadd.s32 $0x4000, v20;
	v32 =	vld.idx.msk [tilespmem:v25+s3+$0x0], $0xffff  }
0x24e: {  	v23 =	vld.idx.msk [tilespmem:v21+s3+$0x0], $0xffff  }
.Ltmp7:
0x24f: {  	v25 =	vadd.s32 $0x2000, v12;
	v21 =	vld.idx.msk [tilespmem:v26+s3+$0x0], $0xffff;
	[tilespmem:s7+$0x15800] =	vst v19;
	(pc) =	sbr.rel @p1 .LBB2_16-.Ltmp7, $4  }
0x250: {  	v22 =	vld.idx.msk [tilespmem:v20+s3+$0x0], $0xffff;
	[tilespmem:s7+$0x15810] =	vst v24  }
0x251: {  	v20 =	vld.idx.msk [tilespmem:v13+s3+$0x0], $0xffff;
	[tilespmem:s7+$0x19830] =	vst v28;
	v13 =	vmov v27  }
0x252: {  	v19 =	vld.idx.msk [tilespmem:v14+s3+$0x0], $0xffff;
	[tilespmem:s7+$0x15820] =	vst v30;
	v14 =	vmov v29  }
0x253: {  	s10 =	sadd.s32 $0x100, s10;
	[tilespmem:s8+$0x11830] =	vst v32;
	v24 =	vld.idx.msk [tilespmem:v15+s3+$0x0], $0xffff;
	v15 =	vmov v31  }
0x254: {  	_ =	sdelay $0x3  }
0x255: {  	[tilespmem:s8+$0x11800] =	vst v23;
	v23 =	vld.idx.msk [tilespmem:v25+s3+$0x0], $0xffff  }
0x256: {  	[tilespmem:s8+$0x11810] =	vst v21;
	v12 =	vadd.s32 $0x4000, v12;
	v17 =	vld.idx.msk [tilespmem:v17+s3+$0x0], $0xffff  }
0x257: {  	[tilespmem:s8+$0x11820] =	vst v22;
	v18 =	vld.idx.msk [tilespmem:v18+s3+$0x0], $0xffff  }
0x258: {  	v16 =	vld.idx.msk [tilespmem:v16+s3+$0x0], $0xffff  }
0x259: {  	[tilespmem:s7+$0x19800] =	vst v20  }
0x25a: {  	[tilespmem:s8+$0x15830] =	vst v23  }
0x25b: {  	v12 =	vld.idx.msk [tilespmem:v12+s3+$0x0], $0xffff;
	[tilespmem:s8+$0x15800] =	vst v17  }
0x25c: {  	[tilespmem:s8+$0x15810] =	vst v18;
	v13 =	vld.idx.msk [tilespmem:v13+s3+$0x0], $0xffff  }
0x25d: {  	v14 =	vld.idx.msk [tilespmem:v14+s3+$0x0], $0xffff;
	[tilespmem:s8+$0x15820] =	vst v16  }
0x25e: {  	[tilespmem:s7+$0x19810] =	vst v19;
	v15 =	vld.idx.msk [tilespmem:v15+s3+$0x0], $0xffff  }
0x25f: {  	[tilespmem:s7+$0x19820] =	vst v24  }
0x260: {  	[tilespmem:s8+$0x19830] =	vst v12  }
0x261: {  	[tilespmem:s8+$0x19800] =	vst v13  }
0x262: {  	[tilespmem:s8+$0x19810] =	vst v14  }
0x263: {  	s10 =	simm.s32 $0x11800;
	s7 =	simm.s32 $0x0;
	[tilespmem:s8+$0x19820] =	vst v15  }
0x264: {  	[hbm4b:s20+s7] =	stream.linear.scatter [tilespmem:s10], [sflag:$0x3], $0x800, $0x38;
	[tilespmem:$0x1C610] =	vst v63  }
0x265: {  	s11 =	sadd.s32 $0x800, s20;
	s9 =	simm.s32 $0x15800  }
0x266: {  	[hbm4b:s11+s7] =	stream.linear.scatter [tilespmem:s9], [sflag:$0x3], $0x800, $0x38;
	[tilespmem:$0x1C610] =	vst v63  }
0x267: {  	s10 =	sadd.s32 $0x1000, s20;
	s11 =	simm.s32 $0x19800  }
0x268: {  	[hbm4b:s10+s7] =	stream.linear.scatter [tilespmem:s11], [sflag:$0x3], $0x800, $0x38;
	[tilespmem:$0x1C610] =	vst v63  }
0x269: {  	s7 =	simm.s32 $0x0  }
0x26a: {  	v13 =	vld [tilespmem:s7+$0x2030]  }
0x26b: {  	v14 =	vld [tilespmem:s7+$0x2000]  }
0x26c: {  	v15 =	vld [tilespmem:s7+$0x2010]  }
0x26d: {  	v16 =	vld [tilespmem:s7+$0x2020];
	_ =	sdelay $0x1  }
0x26e: {  	s8 =	simm.s32 $0x40  }
0x26f: {  	v24 =	vld [tilespmem:s8+$0x2000]  }
0x270: {  	v25 =	vld [tilespmem:s8+$0x2010]  }
0x271: {  	v12 =	vld.idx.msk [tilespmem:v13+s3+$0x0], $0xffff  }
0x272: {  	v17 =	vadd.s32 $0x2000, v13;
	v18 =	vld.idx.msk [tilespmem:v14+s3+$0x0], $0xffff  }
0x273: {  	v21 =	vadd.s32 $0x2000, v14;
	v19 =	vld.idx.msk [tilespmem:v15+s3+$0x0], $0xffff  }
0x274: {  	v22 =	vadd.s32 $0x2000, v15;
	v20 =	vld.idx.msk [tilespmem:v16+s3+$0x0], $0xffff  }
0x275: {  	v26 =	vld [tilespmem:s8+$0x2020];
	v23 =	vadd.s32 $0x2000, v16  }
0x276: {  	[tilespmem:s7+$0x12030] =	vst v12;
	v12 =	vld [tilespmem:s8+$0x2030]  }
0x277: {  	[tilespmem:s7+$0x12000] =	vst v18;
	v17 =	vld.idx.msk [tilespmem:v17+s3+$0x0], $0xffff  }
0x278: {  	v13 =	vadd.s32 $0x4000, v13;
	[tilespmem:s7+$0x12010] =	vst v19;
	v18 =	vld.idx.msk [tilespmem:v21+s3+$0x0], $0xffff  }
0x279: {  	[tilespmem:s7+$0x12020] =	vst v20;
	v19 =	vld.idx.msk [tilespmem:v22+s3+$0x0], $0xffff  }
0x27a: {  	v14 =	vadd.s32 $0x4000, v14;
	v27 =	vld.idx.msk [tilespmem:v23+s3+$0x0], $0xffff  }
0x27b: {  	v23 =	vld.idx.msk [tilespmem:v24+s3+$0x0], $0xffff  }
0x27c: {  	v21 =	vld.idx.msk [tilespmem:v25+s3+$0x0], $0xffff;
	[tilespmem:s7+$0x16030] =	vst v17  }
0x27d: {  	v15 =	vadd.s32 $0x4000, v15;
	v13 =	vld.idx.msk [tilespmem:v13+s3+$0x0], $0xffff  }
0x27e: {  	v29 =	vadd.s32 $0x4000, v16;
	[tilespmem:s7+$0x16000] =	vst v18;
	v28 =	vld.idx.msk [tilespmem:v12+s3+$0x0], $0xffff  }
0x27f: {  	v18 =	vadd.s32 $0x2000, v25;
	v20 =	vld.idx.msk [tilespmem:v14+s3+$0x0], $0xffff;
	v14 =	vadd.s32 $0x4000, v25;
	v25 =	vadd.s32 $0x2000, v12  }
0x280: {  	[tilespmem:s7+$0x16010] =	vst v19  }
0x281: {  	v22 =	vld.idx.msk [tilespmem:v26+s3+$0x0], $0xffff;
	[tilespmem:s7+$0x16020] =	vst v27  }
0x282: {  	v16 =	vadd.s32 $0x2000, v26;
	v19 =	vld.idx.msk [tilespmem:v15+s3+$0x0], $0xffff;
	[tilespmem:s7+$0x1A030] =	vst v13  }
0x283: {  	s9 =	simm.s32 $0x204;
	s10 =	simm.s32 $0x200;
	v17 =	vadd.s32 $0x2000, v24;
	v15 =	vadd.s32 $0x4000, v26;
	v13 =	vadd.s32 $0x4000, v24;
	v24 =	vld.idx.msk [tilespmem:v29+s3+$0x0], $0xffff;
	[tilespmem:s8+$0x12030] =	vst v28  }
.LBB2_18:
0x284: {  	s11 =	sshra.s32 s10, $0x2;
	s9 =	sadd.s32 $0x4, s9;
	[tilespmem:s8+$0x12000] =	vst v23;
	v23 =	vld.idx.msk [tilespmem:v25+s3+$0x0], $0xffff  }
0x285: {  	v25 =	vld [tilespmem:s11+$0x2030];
	p1 =	slt.u32 s9, $0x27C;
	[tilespmem:s8+$0x12010] =	vst v21  }
0x286: {  	v21 =	vld [tilespmem:s11+$0x2000];
	[tilespmem:s8+$0x12020] =	vst v22;
	v22 =	vadd.s32 $0x4000, v12  }
0x287: {  	v26 =	vld [tilespmem:s11+$0x2010];
	[tilespmem:s7+$0x1A000] =	vst v20  }
0x288: {  	v20 =	vld [tilespmem:s11+$0x2020];
	[tilespmem:s7+$0x1A010] =	vst v19  }
0x289: {  	v19 =	vld.idx.msk [tilespmem:v17+s3+$0x0], $0xffff;
	[tilespmem:s7+$0x1A020] =	vst v24;
	s7 =	smov.u32 s8;
	s8 =	smov.u32 s11  }
0x28a: {  	v24 =	vld.idx.msk [tilespmem:v18+s3+$0x0], $0xffff;
	[tilespmem:s7+$0x16030] =	vst v23;
	v12 =	vmov v25  }
0x28b: {  	v17 =	vadd.s32 $0x2000, v21;
	v27 =	vadd.s32 $0x4000, v21;
	v28 =	vld.idx.msk [tilespmem:v22+s3+$0x0], $0xffff  }
0x28c: {  	v18 =	vadd.s32 $0x2000, v26;
	v29 =	vadd.s32 $0x4000, v26;
	v30 =	vld.idx.msk [tilespmem:v16+s3+$0x0], $0xffff  }
0x28d: {  	v16 =	vadd.s32 $0x2000, v20;
	v31 =	vadd.s32 $0x4000, v20;
	v32 =	vld.idx.msk [tilespmem:v25+s3+$0x0], $0xffff  }
0x28e: {  	v23 =	vld.idx.msk [tilespmem:v21+s3+$0x0], $0xffff  }
.Ltmp8:
0x28f: {  	v25 =	vadd.s32 $0x2000, v12;
	v21 =	vld.idx.msk [tilespmem:v26+s3+$0x0], $0xffff;
	[tilespmem:s7+$0x16000] =	vst v19;
	(pc) =	sbr.rel @p1 .LBB2_18-.Ltmp8, $4  }
0x290: {  	v22 =	vld.idx.msk [tilespmem:v20+s3+$0x0], $0xffff;
	[tilespmem:s7+$0x16010] =	vst v24  }
0x291: {  	v20 =	vld.idx.msk [tilespmem:v13+s3+$0x0], $0xffff;
	[tilespmem:s7+$0x1A030] =	vst v28;
	v13 =	vmov v27  }
0x292: {  	v19 =	vld.idx.msk [tilespmem:v14+s3+$0x0], $0xffff;
	[tilespmem:s7+$0x16020] =	vst v30;
	v14 =	vmov v29  }
0x293: {  	s10 =	sadd.s32 $0x100, s10;
	[tilespmem:s8+$0x12030] =	vst v32;
	v24 =	vld.idx.msk [tilespmem:v15+s3+$0x0], $0xffff;
	v15 =	vmov v31  }
0x294: {  	_ =	sdelay $0x3  }
0x295: {  	[tilespmem:s8+$0x12000] =	vst v23;
	v23 =	vld.idx.msk [tilespmem:v25+s3+$0x0], $0xffff  }
0x296: {  	[tilespmem:s8+$0x12010] =	vst v21;
	v12 =	vadd.s32 $0x4000, v12;
	v17 =	vld.idx.msk [tilespmem:v17+s3+$0x0], $0xffff  }
0x297: {  	[tilespmem:s8+$0x12020] =	vst v22;
	v18 =	vld.idx.msk [tilespmem:v18+s3+$0x0], $0xffff  }
0x298: {  	v16 =	vld.idx.msk [tilespmem:v16+s3+$0x0], $0xffff  }
0x299: {  	[tilespmem:s7+$0x1A000] =	vst v20  }
0x29a: {  	[tilespmem:s8+$0x16030] =	vst v23  }
0x29b: {  	v12 =	vld.idx.msk [tilespmem:v12+s3+$0x0], $0xffff;
	[tilespmem:s8+$0x16000] =	vst v17  }
0x29c: {  	[tilespmem:s8+$0x16010] =	vst v18;
	v13 =	vld.idx.msk [tilespmem:v13+s3+$0x0], $0xffff  }
0x29d: {  	v14 =	vld.idx.msk [tilespmem:v14+s3+$0x0], $0xffff;
	[tilespmem:s8+$0x16020] =	vst v16  }
0x29e: {  	[tilespmem:s7+$0x1A010] =	vst v19;
	v15 =	vld.idx.msk [tilespmem:v15+s3+$0x0], $0xffff  }
0x29f: {  	[tilespmem:s7+$0x1A020] =	vst v24  }
0x2a0: {  	[tilespmem:s8+$0x1A030] =	vst v12  }
0x2a1: {  	[tilespmem:s8+$0x1A000] =	vst v13  }
0x2a2: {  	[tilespmem:s8+$0x1A010] =	vst v14  }
0x2a3: {  	s10 =	simm.s32 $0x12000;
	s7 =	simm.s32 $0x0;
	[tilespmem:s8+$0x1A020] =	vst v15  }
0x2a4: {  	[hbm4b:s21+s7] =	stream.linear.scatter [tilespmem:s10], [sflag:$0x3], $0x800, $0x38;
	[tilespmem:$0x1C610] =	vst v63  }
0x2a5: {  	s11 =	sadd.s32 $0x800, s21;
	s9 =	simm.s32 $0x16000  }
0x2a6: {  	[hbm4b:s11+s7] =	stream.linear.scatter [tilespmem:s9], [sflag:$0x3], $0x800, $0x38;
	[tilespmem:$0x1C610] =	vst v63  }
0x2a7: {  	s10 =	sadd.s32 $0x1000, s21;
	s11 =	simm.s32 $0x1A000  }
0x2a8: {  	[hbm4b:s10+s7] =	stream.linear.scatter [tilespmem:s11], [sflag:$0x3], $0x800, $0x38;
	[tilespmem:$0x1C610] =	vst v63  }
0x2a9: {  	s7 =	simm.s32 $0x0  }
0x2aa: {  	v13 =	vld [tilespmem:s7+$0x2830]  }
0x2ab: {  	v14 =	vld [tilespmem:s7+$0x2800]  }
0x2ac: {  	v15 =	vld [tilespmem:s7+$0x2810]  }
0x2ad: {  	v16 =	vld [tilespmem:s7+$0x2820];
	_ =	sdelay $0x1  }
0x2ae: {  	s8 =	simm.s32 $0x40  }
0x2af: {  	v24 =	vld [tilespmem:s8+$0x2800]  }
0x2b0: {  	v25 =	vld [tilespmem:s8+$0x2810]  }
0x2b1: {  	v12 =	vld.idx.msk [tilespmem:v13+s3+$0x0], $0xffff  }
0x2b2: {  	v17 =	vadd.s32 $0x2000, v13;
	v18 =	vld.idx.msk [tilespmem:v14+s3+$0x0], $0xffff  }
0x2b3: {  	v21 =	vadd.s32 $0x2000, v14;
	v19 =	vld.idx.msk [tilespmem:v15+s3+$0x0], $0xffff  }
0x2b4: {  	v22 =	vadd.s32 $0x2000, v15;
	v20 =	vld.idx.msk [tilespmem:v16+s3+$0x0], $0xffff  }
0x2b5: {  	v26 =	vld [tilespmem:s8+$0x2820];
	v23 =	vadd.s32 $0x2000, v16  }
0x2b6: {  	[tilespmem:s7+$0x12830] =	vst v12;
	v12 =	vld [tilespmem:s8+$0x2830]  }
0x2b7: {  	[tilespmem:s7+$0x12800] =	vst v18;
	v17 =	vld.idx.msk [tilespmem:v17+s3+$0x0], $0xffff  }
0x2b8: {  	v13 =	vadd.s32 $0x4000, v13;
	[tilespmem:s7+$0x12810] =	vst v19;
	v18 =	vld.idx.msk [tilespmem:v21+s3+$0x0], $0xffff  }
0x2b9: {  	[tilespmem:s7+$0x12820] =	vst v20;
	v19 =	vld.idx.msk [tilespmem:v22+s3+$0x0], $0xffff  }
0x2ba: {  	v14 =	vadd.s32 $0x4000, v14;
	v27 =	vld.idx.msk [tilespmem:v23+s3+$0x0], $0xffff  }
0x2bb: {  	v23 =	vld.idx.msk [tilespmem:v24+s3+$0x0], $0xffff  }
0x2bc: {  	v21 =	vld.idx.msk [tilespmem:v25+s3+$0x0], $0xffff;
	[tilespmem:s7+$0x16830] =	vst v17  }
0x2bd: {  	v15 =	vadd.s32 $0x4000, v15;
	v13 =	vld.idx.msk [tilespmem:v13+s3+$0x0], $0xffff  }
0x2be: {  	v29 =	vadd.s32 $0x4000, v16;
	[tilespmem:s7+$0x16800] =	vst v18;
	v28 =	vld.idx.msk [tilespmem:v12+s3+$0x0], $0xffff  }
0x2bf: {  	v18 =	vadd.s32 $0x2000, v25;
	v20 =	vld.idx.msk [tilespmem:v14+s3+$0x0], $0xffff;
	v14 =	vadd.s32 $0x4000, v25;
	v25 =	vadd.s32 $0x2000, v12  }
0x2c0: {  	[tilespmem:s7+$0x16810] =	vst v19  }
0x2c1: {  	v22 =	vld.idx.msk [tilespmem:v26+s3+$0x0], $0xffff;
	[tilespmem:s7+$0x16820] =	vst v27  }
0x2c2: {  	v16 =	vadd.s32 $0x2000, v26;
	v19 =	vld.idx.msk [tilespmem:v15+s3+$0x0], $0xffff;
	[tilespmem:s7+$0x1A830] =	vst v13  }
0x2c3: {  	s9 =	simm.s32 $0x284;
	s10 =	simm.s32 $0x200;
	v17 =	vadd.s32 $0x2000, v24;
	v15 =	vadd.s32 $0x4000, v26;
	v13 =	vadd.s32 $0x4000, v24;
	v24 =	vld.idx.msk [tilespmem:v29+s3+$0x0], $0xffff;
	[tilespmem:s8+$0x12830] =	vst v28  }
.LBB2_20:
0x2c4: {  	s11 =	sshra.s32 s10, $0x2;
	s9 =	sadd.s32 $0x4, s9;
	[tilespmem:s8+$0x12800] =	vst v23;
	v23 =	vld.idx.msk [tilespmem:v25+s3+$0x0], $0xffff  }
0x2c5: {  	v25 =	vld [tilespmem:s11+$0x2830];
	p1 =	slt.u32 s9, $0x2FC;
	[tilespmem:s8+$0x12810] =	vst v21  }
0x2c6: {  	v21 =	vld [tilespmem:s11+$0x2800];
	[tilespmem:s8+$0x12820] =	vst v22;
	v22 =	vadd.s32 $0x4000, v12  }
0x2c7: {  	v26 =	vld [tilespmem:s11+$0x2810];
	[tilespmem:s7+$0x1A800] =	vst v20  }
0x2c8: {  	v20 =	vld [tilespmem:s11+$0x2820];
	[tilespmem:s7+$0x1A810] =	vst v19  }
0x2c9: {  	v19 =	vld.idx.msk [tilespmem:v17+s3+$0x0], $0xffff;
	[tilespmem:s7+$0x1A820] =	vst v24;
	s7 =	smov.u32 s8;
	s8 =	smov.u32 s11  }
0x2ca: {  	v24 =	vld.idx.msk [tilespmem:v18+s3+$0x0], $0xffff;
	[tilespmem:s7+$0x16830] =	vst v23;
	v12 =	vmov v25  }
0x2cb: {  	v17 =	vadd.s32 $0x2000, v21;
	v27 =	vadd.s32 $0x4000, v21;
	v28 =	vld.idx.msk [tilespmem:v22+s3+$0x0], $0xffff  }
0x2cc: {  	v18 =	vadd.s32 $0x2000, v26;
	v29 =	vadd.s32 $0x4000, v26;
	v30 =	vld.idx.msk [tilespmem:v16+s3+$0x0], $0xffff  }
0x2cd: {  	v16 =	vadd.s32 $0x2000, v20;
	v31 =	vadd.s32 $0x4000, v20;
	v32 =	vld.idx.msk [tilespmem:v25+s3+$0x0], $0xffff  }
0x2ce: {  	v23 =	vld.idx.msk [tilespmem:v21+s3+$0x0], $0xffff  }
.Ltmp9:
0x2cf: {  	v25 =	vadd.s32 $0x2000, v12;
	v21 =	vld.idx.msk [tilespmem:v26+s3+$0x0], $0xffff;
	[tilespmem:s7+$0x16800] =	vst v19;
	(pc) =	sbr.rel @p1 .LBB2_20-.Ltmp9, $4  }
0x2d0: {  	v22 =	vld.idx.msk [tilespmem:v20+s3+$0x0], $0xffff;
	[tilespmem:s7+$0x16810] =	vst v24  }
0x2d1: {  	v20 =	vld.idx.msk [tilespmem:v13+s3+$0x0], $0xffff;
	[tilespmem:s7+$0x1A830] =	vst v28;
	v13 =	vmov v27  }
0x2d2: {  	v19 =	vld.idx.msk [tilespmem:v14+s3+$0x0], $0xffff;
	[tilespmem:s7+$0x16820] =	vst v30;
	v14 =	vmov v29  }
0x2d3: {  	s10 =	sadd.s32 $0x100, s10;
	[tilespmem:s8+$0x12830] =	vst v32;
	v24 =	vld.idx.msk [tilespmem:v15+s3+$0x0], $0xffff;
	v15 =	vmov v31  }
0x2d4: {  	_ =	sdelay $0x3  }
0x2d5: {  	[tilespmem:s8+$0x12800] =	vst v23;
	v23 =	vld.idx.msk [tilespmem:v25+s3+$0x0], $0xffff  }
0x2d6: {  	[tilespmem:s8+$0x12810] =	vst v21;
	v12 =	vadd.s32 $0x4000, v12;
	v17 =	vld.idx.msk [tilespmem:v17+s3+$0x0], $0xffff  }
0x2d7: {  	[tilespmem:s8+$0x12820] =	vst v22;
	v18 =	vld.idx.msk [tilespmem:v18+s3+$0x0], $0xffff  }
0x2d8: {  	v16 =	vld.idx.msk [tilespmem:v16+s3+$0x0], $0xffff  }
0x2d9: {  	[tilespmem:s7+$0x1A800] =	vst v20  }
0x2da: {  	[tilespmem:s8+$0x16830] =	vst v23  }
0x2db: {  	v12 =	vld.idx.msk [tilespmem:v12+s3+$0x0], $0xffff;
	[tilespmem:s8+$0x16800] =	vst v17  }
0x2dc: {  	[tilespmem:s8+$0x16810] =	vst v18;
	v13 =	vld.idx.msk [tilespmem:v13+s3+$0x0], $0xffff  }
0x2dd: {  	v14 =	vld.idx.msk [tilespmem:v14+s3+$0x0], $0xffff;
	[tilespmem:s8+$0x16820] =	vst v16  }
0x2de: {  	[tilespmem:s7+$0x1A810] =	vst v19;
	v15 =	vld.idx.msk [tilespmem:v15+s3+$0x0], $0xffff  }
0x2df: {  	[tilespmem:s7+$0x1A820] =	vst v24  }
0x2e0: {  	[tilespmem:s8+$0x1A830] =	vst v12  }
0x2e1: {  	[tilespmem:s8+$0x1A800] =	vst v13  }
0x2e2: {  	[tilespmem:s8+$0x1A810] =	vst v14  }
0x2e3: {  	s10 =	simm.s32 $0x12800;
	s7 =	simm.s32 $0x0;
	[tilespmem:s8+$0x1A820] =	vst v15  }
0x2e4: {  	[hbm4b:s22+s7] =	stream.linear.scatter [tilespmem:s10], [sflag:$0x3], $0x800, $0x38;
	[tilespmem:$0x1C610] =	vst v63  }
0x2e5: {  	s11 =	sadd.s32 $0x800, s22;
	s9 =	simm.s32 $0x16800  }
0x2e6: {  	[hbm4b:s11+s7] =	stream.linear.scatter [tilespmem:s9], [sflag:$0x3], $0x800, $0x38;
	[tilespmem:$0x1C610] =	vst v63  }
0x2e7: {  	s10 =	sadd.s32 $0x1000, s22;
	s11 =	simm.s32 $0x1A800  }
0x2e8: {  	[hbm4b:s10+s7] =	stream.linear.scatter [tilespmem:s11], [sflag:$0x3], $0x800, $0x38;
	[tilespmem:$0x1C610] =	vst v63  }
0x2e9: {  	s7 =	simm.s32 $0x0  }
0x2ea: {  	v13 =	vld [tilespmem:s7+$0x3030]  }
0x2eb: {  	v14 =	vld [tilespmem:s7+$0x3000]  }
0x2ec: {  	v15 =	vld [tilespmem:s7+$0x3010]  }
0x2ed: {  	v16 =	vld [tilespmem:s7+$0x3020];
	_ =	sdelay $0x1  }
0x2ee: {  	s8 =	simm.s32 $0x40  }
0x2ef: {  	v24 =	vld [tilespmem:s8+$0x3000]  }
0x2f0: {  	v25 =	vld [tilespmem:s8+$0x3010]  }
0x2f1: {  	v12 =	vld.idx.msk [tilespmem:v13+s3+$0x0], $0xffff  }
0x2f2: {  	v17 =	vadd.s32 $0x2000, v13;
	v18 =	vld.idx.msk [tilespmem:v14+s3+$0x0], $0xffff  }
0x2f3: {  	v21 =	vadd.s32 $0x2000, v14;
	v19 =	vld.idx.msk [tilespmem:v15+s3+$0x0], $0xffff  }
0x2f4: {  	v22 =	vadd.s32 $0x2000, v15;
	v20 =	vld.idx.msk [tilespmem:v16+s3+$0x0], $0xffff  }
0x2f5: {  	v26 =	vld [tilespmem:s8+$0x3020];
	v23 =	vadd.s32 $0x2000, v16  }
0x2f6: {  	[tilespmem:s7+$0x13030] =	vst v12;
	v12 =	vld [tilespmem:s8+$0x3030]  }
0x2f7: {  	[tilespmem:s7+$0x13000] =	vst v18;
	v17 =	vld.idx.msk [tilespmem:v17+s3+$0x0], $0xffff  }
0x2f8: {  	v13 =	vadd.s32 $0x4000, v13;
	[tilespmem:s7+$0x13010] =	vst v19;
	v18 =	vld.idx.msk [tilespmem:v21+s3+$0x0], $0xffff  }
0x2f9: {  	[tilespmem:s7+$0x13020] =	vst v20;
	v19 =	vld.idx.msk [tilespmem:v22+s3+$0x0], $0xffff  }
0x2fa: {  	v14 =	vadd.s32 $0x4000, v14;
	v27 =	vld.idx.msk [tilespmem:v23+s3+$0x0], $0xffff  }
0x2fb: {  	v23 =	vld.idx.msk [tilespmem:v24+s3+$0x0], $0xffff  }
0x2fc: {  	v21 =	vld.idx.msk [tilespmem:v25+s3+$0x0], $0xffff;
	[tilespmem:s7+$0x17030] =	vst v17  }
0x2fd: {  	v15 =	vadd.s32 $0x4000, v15;
	v13 =	vld.idx.msk [tilespmem:v13+s3+$0x0], $0xffff  }
0x2fe: {  	v29 =	vadd.s32 $0x4000, v16;
	[tilespmem:s7+$0x17000] =	vst v18;
	v28 =	vld.idx.msk [tilespmem:v12+s3+$0x0], $0xffff  }
0x2ff: {  	v18 =	vadd.s32 $0x2000, v25;
	v20 =	vld.idx.msk [tilespmem:v14+s3+$0x0], $0xffff;
	v14 =	vadd.s32 $0x4000, v25;
	v25 =	vadd.s32 $0x2000, v12  }
0x300: {  	[tilespmem:s7+$0x17010] =	vst v19  }
0x301: {  	v22 =	vld.idx.msk [tilespmem:v26+s3+$0x0], $0xffff;
	[tilespmem:s7+$0x17020] =	vst v27  }
0x302: {  	v16 =	vadd.s32 $0x2000, v26;
	v19 =	vld.idx.msk [tilespmem:v15+s3+$0x0], $0xffff;
	[tilespmem:s7+$0x1B030] =	vst v13  }
0x303: {  	s9 =	simm.s32 $0x304;
	s10 =	simm.s32 $0x200;
	v17 =	vadd.s32 $0x2000, v24;
	v15 =	vadd.s32 $0x4000, v26;
	v13 =	vadd.s32 $0x4000, v24;
	v24 =	vld.idx.msk [tilespmem:v29+s3+$0x0], $0xffff;
	[tilespmem:s8+$0x13030] =	vst v28  }
.LBB2_22:
0x304: {  	s11 =	sshra.s32 s10, $0x2;
	s9 =	sadd.s32 $0x4, s9;
	[tilespmem:s8+$0x13000] =	vst v23;
	v23 =	vld.idx.msk [tilespmem:v25+s3+$0x0], $0xffff  }
0x305: {  	v25 =	vld [tilespmem:s11+$0x3030];
	p1 =	slt.u32 s9, $0x37C;
	[tilespmem:s8+$0x13010] =	vst v21  }
0x306: {  	v21 =	vld [tilespmem:s11+$0x3000];
	[tilespmem:s8+$0x13020] =	vst v22;
	v22 =	vadd.s32 $0x4000, v12  }
0x307: {  	v26 =	vld [tilespmem:s11+$0x3010];
	[tilespmem:s7+$0x1B000] =	vst v20  }
0x308: {  	v20 =	vld [tilespmem:s11+$0x3020];
	[tilespmem:s7+$0x1B010] =	vst v19  }
0x309: {  	v19 =	vld.idx.msk [tilespmem:v17+s3+$0x0], $0xffff;
	[tilespmem:s7+$0x1B020] =	vst v24;
	s7 =	smov.u32 s8;
	s8 =	smov.u32 s11  }
0x30a: {  	v24 =	vld.idx.msk [tilespmem:v18+s3+$0x0], $0xffff;
	[tilespmem:s7+$0x17030] =	vst v23;
	v12 =	vmov v25  }
0x30b: {  	v17 =	vadd.s32 $0x2000, v21;
	v27 =	vadd.s32 $0x4000, v21;
	v28 =	vld.idx.msk [tilespmem:v22+s3+$0x0], $0xffff  }
0x30c: {  	v18 =	vadd.s32 $0x2000, v26;
	v29 =	vadd.s32 $0x4000, v26;
	v30 =	vld.idx.msk [tilespmem:v16+s3+$0x0], $0xffff  }
0x30d: {  	v16 =	vadd.s32 $0x2000, v20;
	v31 =	vadd.s32 $0x4000, v20;
	v32 =	vld.idx.msk [tilespmem:v25+s3+$0x0], $0xffff  }
0x30e: {  	v23 =	vld.idx.msk [tilespmem:v21+s3+$0x0], $0xffff  }
.Ltmp10:
0x30f: {  	v25 =	vadd.s32 $0x2000, v12;
	v21 =	vld.idx.msk [tilespmem:v26+s3+$0x0], $0xffff;
	[tilespmem:s7+$0x17000] =	vst v19;
	(pc) =	sbr.rel @p1 .LBB2_22-.Ltmp10, $4  }
0x310: {  	v22 =	vld.idx.msk [tilespmem:v20+s3+$0x0], $0xffff;
	[tilespmem:s7+$0x17010] =	vst v24  }
0x311: {  	v20 =	vld.idx.msk [tilespmem:v13+s3+$0x0], $0xffff;
	[tilespmem:s7+$0x1B030] =	vst v28;
	v13 =	vmov v27  }
0x312: {  	v19 =	vld.idx.msk [tilespmem:v14+s3+$0x0], $0xffff;
	[tilespmem:s7+$0x17020] =	vst v30;
	v14 =	vmov v29  }
0x313: {  	s10 =	sadd.s32 $0x100, s10;
	[tilespmem:s8+$0x13030] =	vst v32;
	v24 =	vld.idx.msk [tilespmem:v15+s3+$0x0], $0xffff;
	v15 =	vmov v31  }
0x314: {  	_ =	sdelay $0x3  }
0x315: {  	[tilespmem:s8+$0x13000] =	vst v23;
	v23 =	vld.idx.msk [tilespmem:v25+s3+$0x0], $0xffff  }
0x316: {  	[tilespmem:s8+$0x13010] =	vst v21;
	v12 =	vadd.s32 $0x4000, v12;
	v17 =	vld.idx.msk [tilespmem:v17+s3+$0x0], $0xffff  }
0x317: {  	[tilespmem:s8+$0x13020] =	vst v22;
	v18 =	vld.idx.msk [tilespmem:v18+s3+$0x0], $0xffff  }
0x318: {  	v16 =	vld.idx.msk [tilespmem:v16+s3+$0x0], $0xffff  }
0x319: {  	[tilespmem:s7+$0x1B000] =	vst v20  }
0x31a: {  	[tilespmem:s8+$0x17030] =	vst v23  }
0x31b: {  	v12 =	vld.idx.msk [tilespmem:v12+s3+$0x0], $0xffff;
	[tilespmem:s8+$0x17000] =	vst v17  }
0x31c: {  	[tilespmem:s8+$0x17010] =	vst v18;
	v13 =	vld.idx.msk [tilespmem:v13+s3+$0x0], $0xffff  }
0x31d: {  	v14 =	vld.idx.msk [tilespmem:v14+s3+$0x0], $0xffff;
	[tilespmem:s8+$0x17020] =	vst v16  }
0x31e: {  	[tilespmem:s7+$0x1B010] =	vst v19;
	v15 =	vld.idx.msk [tilespmem:v15+s3+$0x0], $0xffff  }
0x31f: {  	[tilespmem:s7+$0x1B020] =	vst v24  }
0x320: {  	[tilespmem:s8+$0x1B030] =	vst v12  }
0x321: {  	[tilespmem:s8+$0x1B000] =	vst v13  }
0x322: {  	[tilespmem:s8+$0x1B010] =	vst v14  }
0x323: {  	s10 =	simm.s32 $0x13000;
	s7 =	simm.s32 $0x0;
	[tilespmem:s8+$0x1B020] =	vst v15  }
0x324: {  	[hbm4b:s23+s7] =	stream.linear.scatter [tilespmem:s10], [sflag:$0x3], $0x800, $0x38;
	[tilespmem:$0x1C610] =	vst v63  }
0x325: {  	s11 =	sadd.s32 $0x800, s23;
	s9 =	simm.s32 $0x17000  }
0x326: {  	[hbm4b:s11+s7] =	stream.linear.scatter [tilespmem:s9], [sflag:$0x3], $0x800, $0x38;
	[tilespmem:$0x1C610] =	vst v63  }
0x327: {  	s10 =	sadd.s32 $0x1000, s23;
	s11 =	simm.s32 $0x1B000  }
0x328: {  	[hbm4b:s10+s7] =	stream.linear.scatter [tilespmem:s11], [sflag:$0x3], $0x800, $0x38;
	[tilespmem:$0x1C610] =	vst v63  }
0x329: {  	s7 =	simm.s32 $0x0  }
0x32a: {  	v13 =	vld [tilespmem:s7+$0x3830]  }
0x32b: {  	v14 =	vld [tilespmem:s7+$0x3800]  }
0x32c: {  	v15 =	vld [tilespmem:s7+$0x3810]  }
0x32d: {  	v16 =	vld [tilespmem:s7+$0x3820];
	_ =	sdelay $0x1  }
0x32e: {  	s8 =	simm.s32 $0x40  }
0x32f: {  	v24 =	vld [tilespmem:s8+$0x3800]  }
0x330: {  	v25 =	vld [tilespmem:s8+$0x3810]  }
0x331: {  	v12 =	vld.idx.msk [tilespmem:v13+s3+$0x0], $0xffff  }
0x332: {  	v17 =	vadd.s32 $0x2000, v13;
	v18 =	vld.idx.msk [tilespmem:v14+s3+$0x0], $0xffff  }
0x333: {  	v21 =	vadd.s32 $0x2000, v14;
	v19 =	vld.idx.msk [tilespmem:v15+s3+$0x0], $0xffff  }
0x334: {  	v22 =	vadd.s32 $0x2000, v15;
	v20 =	vld.idx.msk [tilespmem:v16+s3+$0x0], $0xffff  }
0x335: {  	v26 =	vld [tilespmem:s8+$0x3820];
	v23 =	vadd.s32 $0x2000, v16  }
0x336: {  	[tilespmem:s7+$0x13830] =	vst v12;
	v12 =	vld [tilespmem:s8+$0x3830]  }
0x337: {  	[tilespmem:s7+$0x13800] =	vst v18;
	v17 =	vld.idx.msk [tilespmem:v17+s3+$0x0], $0xffff  }
0x338: {  	v13 =	vadd.s32 $0x4000, v13;
	[tilespmem:s7+$0x13810] =	vst v19;
	v18 =	vld.idx.msk [tilespmem:v21+s3+$0x0], $0xffff  }
0x339: {  	[tilespmem:s7+$0x13820] =	vst v20;
	v19 =	vld.idx.msk [tilespmem:v22+s3+$0x0], $0xffff  }
0x33a: {  	v14 =	vadd.s32 $0x4000, v14;
	v27 =	vld.idx.msk [tilespmem:v23+s3+$0x0], $0xffff  }
0x33b: {  	v23 =	vld.idx.msk [tilespmem:v24+s3+$0x0], $0xffff  }
0x33c: {  	v21 =	vld.idx.msk [tilespmem:v25+s3+$0x0], $0xffff;
	[tilespmem:s7+$0x17830] =	vst v17  }
0x33d: {  	v15 =	vadd.s32 $0x4000, v15;
	v13 =	vld.idx.msk [tilespmem:v13+s3+$0x0], $0xffff  }
0x33e: {  	v29 =	vadd.s32 $0x4000, v16;
	[tilespmem:s7+$0x17800] =	vst v18;
	v28 =	vld.idx.msk [tilespmem:v12+s3+$0x0], $0xffff  }
0x33f: {  	v18 =	vadd.s32 $0x2000, v25;
	v20 =	vld.idx.msk [tilespmem:v14+s3+$0x0], $0xffff;
	v14 =	vadd.s32 $0x4000, v25;
	v25 =	vadd.s32 $0x2000, v12  }
0x340: {  	[tilespmem:s7+$0x17810] =	vst v19  }
0x341: {  	v22 =	vld.idx.msk [tilespmem:v26+s3+$0x0], $0xffff;
	[tilespmem:s7+$0x17820] =	vst v27  }
0x342: {  	v16 =	vadd.s32 $0x2000, v26;
	v19 =	vld.idx.msk [tilespmem:v15+s3+$0x0], $0xffff;
	[tilespmem:s7+$0x1B830] =	vst v13  }
0x343: {  	s9 =	simm.s32 $0x384;
	s10 =	simm.s32 $0x200;
	v17 =	vadd.s32 $0x2000, v24;
	v15 =	vadd.s32 $0x4000, v26;
	v13 =	vadd.s32 $0x4000, v24;
	v24 =	vld.idx.msk [tilespmem:v29+s3+$0x0], $0xffff;
	[tilespmem:s8+$0x13830] =	vst v28  }
.LBB2_24:
0x344: {  	s11 =	sshra.s32 s10, $0x2;
	s9 =	sadd.s32 $0x4, s9;
	[tilespmem:s8+$0x13800] =	vst v23;
	v23 =	vld.idx.msk [tilespmem:v25+s3+$0x0], $0xffff  }
0x345: {  	v25 =	vld [tilespmem:s11+$0x3830];
	p1 =	slt.u32 s9, $0x3FC;
	[tilespmem:s8+$0x13810] =	vst v21  }
0x346: {  	v21 =	vld [tilespmem:s11+$0x3800];
	[tilespmem:s8+$0x13820] =	vst v22;
	v22 =	vadd.s32 $0x4000, v12  }
0x347: {  	v26 =	vld [tilespmem:s11+$0x3810];
	[tilespmem:s7+$0x1B800] =	vst v20  }
0x348: {  	v20 =	vld [tilespmem:s11+$0x3820];
	[tilespmem:s7+$0x1B810] =	vst v19  }
0x349: {  	v19 =	vld.idx.msk [tilespmem:v17+s3+$0x0], $0xffff;
	[tilespmem:s7+$0x1B820] =	vst v24;
	s7 =	smov.u32 s8;
	s8 =	smov.u32 s11  }
0x34a: {  	v24 =	vld.idx.msk [tilespmem:v18+s3+$0x0], $0xffff;
	[tilespmem:s7+$0x17830] =	vst v23;
	v12 =	vmov v25  }
0x34b: {  	v17 =	vadd.s32 $0x2000, v21;
	v27 =	vadd.s32 $0x4000, v21;
	v28 =	vld.idx.msk [tilespmem:v22+s3+$0x0], $0xffff  }
0x34c: {  	v18 =	vadd.s32 $0x2000, v26;
	v29 =	vadd.s32 $0x4000, v26;
	v30 =	vld.idx.msk [tilespmem:v16+s3+$0x0], $0xffff  }
0x34d: {  	v16 =	vadd.s32 $0x2000, v20;
	v31 =	vadd.s32 $0x4000, v20;
	v32 =	vld.idx.msk [tilespmem:v25+s3+$0x0], $0xffff  }
0x34e: {  	v23 =	vld.idx.msk [tilespmem:v21+s3+$0x0], $0xffff  }
.Ltmp11:
0x34f: {  	v25 =	vadd.s32 $0x2000, v12;
	v21 =	vld.idx.msk [tilespmem:v26+s3+$0x0], $0xffff;
	[tilespmem:s7+$0x17800] =	vst v19;
	(pc) =	sbr.rel @p1 .LBB2_24-.Ltmp11, $4  }
0x350: {  	v22 =	vld.idx.msk [tilespmem:v20+s3+$0x0], $0xffff;
	[tilespmem:s7+$0x17810] =	vst v24  }
0x351: {  	v20 =	vld.idx.msk [tilespmem:v13+s3+$0x0], $0xffff;
	[tilespmem:s7+$0x1B830] =	vst v28;
	v13 =	vmov v27  }
0x352: {  	v19 =	vld.idx.msk [tilespmem:v14+s3+$0x0], $0xffff;
	[tilespmem:s7+$0x17820] =	vst v30;
	v14 =	vmov v29  }
0x353: {  	s10 =	sadd.s32 $0x100, s10;
	[tilespmem:s8+$0x13830] =	vst v32;
	v24 =	vld.idx.msk [tilespmem:v15+s3+$0x0], $0xffff;
	v15 =	vmov v31  }
0x354: {  	_ =	sdelay $0x3  }
0x355: {  	[tilespmem:s8+$0x13800] =	vst v23;
	v63 =	vld.idx.msk [tilespmem:v25+s3+$0x0], $0xffff  }
0x356: {  	[tilespmem:s8+$0x13810] =	vst v21;
	v12 =	vadd.s32 $0x4000, v12;
	v17 =	vld.idx.msk [tilespmem:v17+s3+$0x0], $0xffff  }
0x357: {  	[tilespmem:s8+$0x13820] =	vst v22;
	v18 =	vld.idx.msk [tilespmem:v18+s3+$0x0], $0xffff  }
0x358: {  	v16 =	vld.idx.msk [tilespmem:v16+s3+$0x0], $0xffff  }
0x359: {  	[tilespmem:s7+$0x1B800] =	vst v20  }
0x35a: {  	[tilespmem:s8+$0x17830] =	vst v63  }
0x35b: {  	v12 =	vld.idx.msk [tilespmem:v12+s3+$0x0], $0xffff;
	[tilespmem:s8+$0x17800] =	vst v17  }
0x35c: {  	[tilespmem:s8+$0x17810] =	vst v18;
	v13 =	vld.idx.msk [tilespmem:v13+s3+$0x0], $0xffff  }
0x35d: {  	v14 =	vld.idx.msk [tilespmem:v14+s3+$0x0], $0xffff;
	[tilespmem:s8+$0x17820] =	vst v16  }
0x35e: {  	[tilespmem:s7+$0x1B810] =	vst v19;
	v15 =	vld.idx.msk [tilespmem:v15+s3+$0x0], $0xffff  }
0x35f: {  	[tilespmem:s7+$0x1B820] =	vst v24  }
0x360: {  	[tilespmem:s8+$0x1B830] =	vst v12  }
0x361: {  	[tilespmem:s8+$0x1B800] =	vst v13  }
0x362: {  	[tilespmem:s8+$0x1B810] =	vst v14  }
0x363: {  	s11 =	simm.s32 $0x13800;
	[tilespmem:s8+$0x1B820] =	vst v15  }
0x364: {  	[hbm4b:s24+s4] =	stream.linear.scatter [tilespmem:s11], [sflag:$0x3], $0x800, $0x38;
	[tilespmem:$0x1C610] =	vst v63  }
0x365: {  	s9 =	simm.s32 $0x17800;
	s8 =	sadd.s32 $0x800, s24  }
0x366: {  	[hbm4b:s8+s4] =	stream.linear.scatter [tilespmem:s9], [sflag:$0x3], $0x800, $0x38;
	[tilespmem:$0x1C610] =	vst v63  }
0x367: {  	s10 =	sadd.s32 $0x1000, s24;
	s11 =	simm.s32 $0x1B800  }
0x368: {  	[hbm4b:s10+s4] =	stream.linear.scatter [tilespmem:s11], [sflag:$0x3], $0x800, $0x38;
	[tilespmem:$0x1C610] =	vst v63  }
0x369: {  	_ =	swait.ge [sflag:s5], $0x1800  }
0x36a: {  	[sflag:s5] =	ssyncset.done $0x0  }
0x36b: {  	[sflag:s5] =	ssyncadd.s32 $0xFFFFE800  }
0x36c: {  	_ =	swait.ge [sflag:s5], $0x1800  }
0x36d: {  	[sflag:s5] =	ssyncset.done $0x0  }
0x36e: {  	[sflag:s5] =	ssyncadd.s32 $0xFFFFE800  }
0x36f: {  	_ =	swait.ge [sflag:s5], $0x1800  }
0x370: {  	[sflag:s5] =	ssyncset.done $0x0  }
0x371: {  	[sflag:s5] =	ssyncadd.s32 $0xFFFFE800  }
0x372: {  	_ =	swait.ge [sflag:s5], $0x1800  }
0x373: {  	[sflag:s5] =	ssyncset.done $0x0  }
0x374: {  	[sflag:s5] =	ssyncadd.s32 $0xFFFFE800  }
0x375: {  	_ =	swait.ge [sflag:s5], $0x1800  }
0x376: {  	[sflag:s5] =	ssyncset.done $0x0  }
0x377: {  	[sflag:s5] =	ssyncadd.s32 $0xFFFFE800  }
0x378: {  	_ =	swait.ge [sflag:s5], $0x1800  }
0x379: {  	[sflag:s5] =	ssyncset.done $0x0  }
0x37a: {  	s6 =	sadd.s32 $0x1, s6;
	[sflag:s5] =	ssyncadd.s32 $0xFFFFE800  }
0x37b: {  	p1 =	sne.s32 s6, s25;
	_ =	swait.ge [sflag:s5], $0x1800  }
.Ltmp12:
0x37c: {  	[sflag:s5] =	ssyncset.done $0x0;
	(pc) =	sbr.rel @p1 .LBB2_1-.Ltmp12, $4  }
0x37d: {  	[sflag:s5] =	ssyncadd.s32 $0xFFFFE800  }
0x37e: {  	_ =	swait.ge [sflag:s5], $0x1800  }
0x37f: {  	[sflag:s5] =	ssyncset.done $0x0  }
0x380: {  	[sflag:s5] =	ssyncadd.s32 $0xFFFFE800  }
0x381: {  	_ =	sfence.sel $0x180000  }
0x382: {  	[bflag:$0x0] =	sbarrier.arrive $0xFFFF  }
0x383: {  	_ =	strace $0x90000047  }
0x384: {  	[bflag:$0x2] =	sbarrier.arrive $0xFFFF  }
0x385: {  	s0 =	rddreg [dreg:$0x5]  }
0x386: {  	s0 =	sadd.s32 @!p0 $0x100000, s0  }
0x387: {  	[sflag:s0] =	ssyncadd.tile.s32 @!p0 $0x1;
	_ =	shalt  }
.Lfunc_end2:
_tile_overlayer_lowered:
.L_overlay_start_2:
0x388: {  	(tag) =	ssettag $0x2  }
0x389: {  	s0 =	rddreg [dreg:$0x0];
	s2 =	stileid.u32  }
0x38a: {  	s1 =	rddreg [dreg:$0x1];
	p0 =	sne.s32 s2, $0x0  }
0x38b: {  	s3 =	rddreg [dreg:$0x2];
	[bflag:$0x3] =	sbarrier.arrive $0xFFFF;
	s2 =	simm.s32 @!p0 $0x1C08  }
0x38c: {  	[timem:s3], [sflag:s2] =	dma.local @!p0 [hbm:s0], s1  }
0x38d: {  	s0 =	simm.s32 @!p0 $0x8  }
0x38e: {  	_ =	swait.ge @!p0 [sflag:s0], s1  }
0x38f: {  	s1 =	ssub.s32 @!p0 $0x0, s1;
	[sflag:s0] =	ssyncset.done @!p0 $0x0  }
0x390: {  	[sflag:s0] =	ssyncadd.s32 @!p0 s1  }
0x391: {  	[bflag:$0x3] =	sbarrier.arrive $0xFFFF  }
0x392: {  	_ =	shalt  }

</sc_bundles>
